<compile_context>
chip_gen: v7x
topology: tpu7x:2x2x1
jax: 0.10.2.dev20260603
libtpu: 0.0.44.dev20260713+nightly
codegen_flags: <defaults>
</compile_context>

<pallas_src>
import functools
import math

import jax
import jax.numpy as jnp
from jax import lax
from jax.experimental import pallas as pl
from jax.experimental.pallas import tpu as pltpu
from jax.experimental.pallas import tpu_sc as plsc

D_MODEL = 64
LANES = 16
NUM_CORES = 2
NUM_SUBCORES = 16
NUM_WORKERS = NUM_CORES * NUM_SUBCORES
GROUP = 128
NBUF = 5
PDIST = 3


def _build(num_groups):
    groups_per_worker = num_groups // NUM_WORKERS
    mesh = plsc.VectorSubcoreMesh(
        core_axis_name="c", subcore_axis_name="s",
        num_cores=NUM_CORES, num_subcores=NUM_SUBCORES)

    @functools.partial(
        pl.kernel,
        out_type=jax.ShapeDtypeStruct((num_groups, GROUP, D_MODEL), jnp.float32),
        mesh=mesh,
        scratch_types=[
            pltpu.VMEM((groups_per_worker, GROUP), jnp.int32),
            pltpu.VMEM((NBUF, GROUP, D_MODEL), jnp.float32),
            [pltpu.SemaphoreType.DMA] * NBUF,
            [pltpu.SemaphoreType.DMA] * NBUF,
        ],
        compiler_params=pltpu.CompilerParams(use_tc_tiling_on_sc=False),
    )
    def emb_kernel(table_hbm, idx_hbm, out_hbm, idx_all, rows, gsem, osem):
        wid = lax.axis_index("s") * NUM_CORES + lax.axis_index("c")
        g0 = wid * groups_per_worker
        n = groups_per_worker
        pltpu.sync_copy(idx_hbm.at[pl.ds(g0, n)], idx_all)

        def gather_start(c, s):
            pltpu.async_copy(table_hbm.at[idx_all.at[c]], rows.at[s], gsem[s])

        def gather_wait(c, s):
            pltpu.make_async_copy(
                table_hbm.at[idx_all.at[c]], rows.at[s], gsem[s]).wait()

        def store_start(c, s):
            pltpu.async_copy(
                rows.at[pl.ds(s, 1)], out_hbm.at[pl.ds(g0 + c, 1)], osem[s])

        def store_wait(c, s):
            pltpu.make_async_copy(
                rows.at[pl.ds(s, 1)], out_hbm.at[pl.ds(g0 + c, 1)], osem[s]).wait()

        for c in range(PDIST):
            gather_start(c, c % NBUF)

        @pl.loop(0, n, step=NBUF)
        def _chunks(c0):
            for b in range(NBUF):
                c = c0 + b
                s = b
                sp = (b + PDIST) % NBUF
                cp = c + PDIST

                @pl.when(jnp.logical_and(cp < n, cp >= NBUF))
                def _():
                    store_wait(cp - NBUF, sp)

                @pl.when(cp < n)
                def _():
                    gather_start(cp, sp)

                gather_wait(c, s)

                @pl.loop(0, GROUP, unroll=4)
                def _row(r):
                    for dd in range(D_MODEL // LANES):
                        sl = pl.ds(dd * LANES, LANES)
                        rows[s, r, sl] = rows[s, r, sl] * 8.0

                store_start(c, s)

        for b in range(NBUF):
            store_wait(n - NBUF + b, b)

    return emb_kernel


def kernel(x, table):
    s0, s1 = x.shape
    total = s0 * s1
    num_groups = total // GROUP
    idx = x.reshape(total).astype(jnp.int32).reshape(num_groups, GROUP)
    emb = _build(num_groups)(table, idx)
    return emb.reshape(s0, s1, D_MODEL)

# --- scband reference (transcript-rebuilt; emitter-appended) ---
"""Pipeline reference for scband-input-embeddings-40733469835637 (READ-ONLY COPY).

The authoritative reference and input builder live on the scoring server;
editing this copy changes nothing except your own understanding.
"""

import jax, jax.numpy as jnp
import numpy as np
import math

D_MODEL = 64
VOCAB_SIZE = 1000000

def setup_inputs(seed: int = 0) -> dict:
    key = jax.random.key(seed)
    k_idx, k_tab = jax.random.split(key)
    x = jax.random.randint(k_idx, (16384, 50), 0, VOCAB_SIZE, dtype=jnp.int64 if jax.config.jax_enable_x64 else jnp.int32)
    table = jax.random.normal(k_tab, (VOCAB_SIZE, D_MODEL), dtype=jnp.float32)
    return {"x": x, "table": table}

def reference(x, table):
    # InputEmbeddings.forward: embedding(x) * sqrt(d_model)
    emb = jnp.take(table, x, axis=0)
    return emb * math.sqrt(D_MODEL)

if __name__ == "__main__":
    import jax
    _d = setup_inputs()
    print(jax.jit(kernel)(*tuple(_d.values())))

</pallas_src>

<mosaic_0001>
#map = affine_map<(d0, d1) -> (0, 0)>
#map1 = affine_map<(d0, d1) -> (0, 0, 0)>
module attributes {stable_mosaic.version = 14 : i64} {
  func.func @emb_kernel(%arg0: i32, %arg1: i32, %arg2: memref<1000000x64xf32, #tpu.memory_space<hbm>>, %arg3: memref<6400x128xi32, #tpu.memory_space<hbm>>, %arg4: memref<6400x128x64xf32, #tpu.memory_space<hbm>>, %arg5: memref<200x128xi32, #tpu.memory_space<vmem>>, %arg6: memref<5x128x64xf32, #tpu.memory_space<vmem>>, %arg7: memref<!tpu.dma_semaphore, #tpu.memory_space<semaphore_mem>>, %arg8: memref<!tpu.dma_semaphore, #tpu.memory_space<semaphore_mem>>, %arg9: memref<!tpu.dma_semaphore, #tpu.memory_space<semaphore_mem>>, %arg10: memref<!tpu.dma_semaphore, #tpu.memory_space<semaphore_mem>>, %arg11: memref<!tpu.dma_semaphore, #tpu.memory_space<semaphore_mem>>, %arg12: memref<!tpu.dma_semaphore, #tpu.memory_space<semaphore_mem>>, %arg13: memref<!tpu.dma_semaphore, #tpu.memory_space<semaphore_mem>>, %arg14: memref<!tpu.dma_semaphore, #tpu.memory_space<semaphore_mem>>, %arg15: memref<!tpu.dma_semaphore, #tpu.memory_space<semaphore_mem>>, %arg16: memref<!tpu.dma_semaphore, #tpu.memory_space<semaphore_mem>>) attributes {dimension_semantics = [#tpu.dimension_semantics<core_parallel>, #tpu.dimension_semantics<subcore_parallel>], iteration_bounds = array<i64: 2, 16>, scalar_prefetch = 0 : i64, scratch_operands = 12 : i64, tpu.core_type = #tpu.core_type<sc_vector_subcore>, window_params = [{transform_indices = #map}, {transform_indices = #map}, {transform_indices = #map1}]} {
    %mul3A = arith.constant 2 : i32
    %mul3A_0 = arith.muli %arg1, %mul3A : i32
    %add3A = arith.addi %mul3A_0, %arg0 : i32
    %mul3A_1 = arith.constant 200 : i32
    %mul3A_2 = arith.muli %add3A, %mul3A_1 : i32
    "tpu.region"() ({
      %run_scoped3A = tpu.sem_alloc : memref<!tpu.dma_semaphore, #tpu.memory_space<semaphore_mem>>
      %dma_start3A_121 = arith.constant 0 : i32
      %dma_start3A_122 = tpu.memref_slice %arg3[%mul3A_2, %dma_start3A_121] : memref<6400x128xi32, #tpu.memory_space<hbm>> -> memref<200x128xi32, #tpu.memory_space<hbm>>
      %dma_start3A_123 = arith.constant 0 : i32
      %dma_start3A_124 = tpu.memref_slice %arg3[%mul3A_2, %dma_start3A_123] : memref<6400x128xi32, #tpu.memory_space<hbm>> -> memref<200x128xi32, #tpu.memory_space<hbm>>
      tpu.enqueue_dma source(%dma_start3A_124 : memref<200x128xi32, #tpu.memory_space<hbm>>) target(%arg5 : memref<200x128xi32, #tpu.memory_space<vmem>>) target_semaphore(%run_scoped3A : memref<!tpu.dma_semaphore, #tpu.memory_space<semaphore_mem>>)
      %dma_wait3A_125 = arith.constant 0 : i32
      %dma_wait3A_126 = tpu.memref_slice %arg3[%mul3A_2, %dma_wait3A_125] : memref<6400x128xi32, #tpu.memory_space<hbm>> -> memref<200x128xi32, #tpu.memory_space<hbm>>
      %dma_wait3A_127 = arith.constant 0 : i32
      %dma_wait3A_128 = tpu.memref_slice %arg3[%mul3A_2, %dma_wait3A_127] : memref<6400x128xi32, #tpu.memory_space<hbm>> -> memref<200x128xi32, #tpu.memory_space<hbm>>
      tpu.wait_dma2 semaphore(%run_scoped3A : memref<!tpu.dma_semaphore, #tpu.memory_space<semaphore_mem>>) src(%dma_wait3A_128 : memref<200x128xi32, #tpu.memory_space<hbm>>) dst(%arg5 : memref<200x128xi32, #tpu.memory_space<vmem>>)
      tpu.yield
    }) : () -> ()
    %dma_start3A = arith.constant 0 : i32
    %dma_start3A_3 = arith.constant 0 : i32
    %dma_start3A_4 = arith.constant 0 : i32
    %dma_start3A_5 = arith.constant 0 : i32
    %dma_start3A_6 = tpu.memref_slice %arg6[%dma_start3A_3, %dma_start3A_4, %dma_start3A_5] : memref<5x128x64xf32, #tpu.memory_space<vmem>> -> memref<1x128x64xf32, #tpu.memory_space<vmem>>
    %dma_start3A_7 = tpu.memref_squeeze %dma_start3A_6 : memref<1x128x64xf32, #tpu.memory_space<vmem>> -> memref<128x64xf32, #tpu.memory_space<vmem>>
    %dma_start3A_8 = arith.constant 0 : i32
    %dma_start3A_9 = tpu.memref_slice %arg5[%dma_start3A, %dma_start3A_8] : memref<200x128xi32, #tpu.memory_space<vmem>> -> memref<1x128xi32, #tpu.memory_space<vmem>>
    %dma_start3A_10 = tpu.memref_squeeze %dma_start3A_9 : memref<1x128xi32, #tpu.memory_space<vmem>> -> memref<128xi32, #tpu.memory_space<vmem>>
    %dma_start3A_11 = arith.constant 0 : i32
    %dma_start3A_12 = arith.constant 0 : i32
    %dma_start3A_13 = tpu.memref_slice %arg2[%dma_start3A_11, %dma_start3A_12] : memref<1000000x64xf32, #tpu.memory_space<hbm>> -> memref<1000000x64xf32, #tpu.memory_space<hbm>>
    tpu.enqueue_indirect_dma source(%dma_start3A_13 : memref<1000000x64xf32, #tpu.memory_space<hbm>>) target(%dma_start3A_7 : memref<128x64xf32, #tpu.memory_space<vmem>>) offsets(%dma_start3A_10 : memref<128xi32, #tpu.memory_space<vmem>>) semaphore(%arg7 : memref<!tpu.dma_semaphore, #tpu.memory_space<semaphore_mem>>)
    %dma_start3A_14 = arith.constant 1 : i32
    %dma_start3A_15 = arith.constant 1 : i32
    %dma_start3A_16 = arith.constant 0 : i32
    %dma_start3A_17 = arith.constant 0 : i32
    %dma_start3A_18 = tpu.memref_slice %arg6[%dma_start3A_15, %dma_start3A_16, %dma_start3A_17] : memref<5x128x64xf32, #tpu.memory_space<vmem>> -> memref<1x128x64xf32, #tpu.memory_space<vmem>>
    %dma_start3A_19 = tpu.memref_squeeze %dma_start3A_18 : memref<1x128x64xf32, #tpu.memory_space<vmem>> -> memref<128x64xf32, #tpu.memory_space<vmem>>
    %dma_start3A_20 = arith.constant 0 : i32
    %dma_start3A_21 = tpu.memref_slice %arg5[%dma_start3A_14, %dma_start3A_20] : memref<200x128xi32, #tpu.memory_space<vmem>> -> memref<1x128xi32, #tpu.memory_space<vmem>>
    %dma_start3A_22 = tpu.memref_squeeze %dma_start3A_21 : memref<1x128xi32, #tpu.memory_space<vmem>> -> memref<128xi32, #tpu.memory_space<vmem>>
    %dma_start3A_23 = arith.constant 0 : i32
    %dma_start3A_24 = arith.constant 0 : i32
    %dma_start3A_25 = tpu.memref_slice %arg2[%dma_start3A_23, %dma_start3A_24] : memref<1000000x64xf32, #tpu.memory_space<hbm>> -> memref<1000000x64xf32, #tpu.memory_space<hbm>>
    tpu.enqueue_indirect_dma source(%dma_start3A_25 : memref<1000000x64xf32, #tpu.memory_space<hbm>>) target(%dma_start3A_19 : memref<128x64xf32, #tpu.memory_space<vmem>>) offsets(%dma_start3A_22 : memref<128xi32, #tpu.memory_space<vmem>>) semaphore(%arg8 : memref<!tpu.dma_semaphore, #tpu.memory_space<semaphore_mem>>)
    %dma_start3A_26 = arith.constant 2 : i32
    %dma_start3A_27 = arith.constant 2 : i32
    %dma_start3A_28 = arith.constant 0 : i32
    %dma_start3A_29 = arith.constant 0 : i32
    %dma_start3A_30 = tpu.memref_slice %arg6[%dma_start3A_27, %dma_start3A_28, %dma_start3A_29] : memref<5x128x64xf32, #tpu.memory_space<vmem>> -> memref<1x128x64xf32, #tpu.memory_space<vmem>>
    %dma_start3A_31 = tpu.memref_squeeze %dma_start3A_30 : memref<1x128x64xf32, #tpu.memory_space<vmem>> -> memref<128x64xf32, #tpu.memory_space<vmem>>
    %dma_start3A_32 = arith.constant 0 : i32
    %dma_start3A_33 = tpu.memref_slice %arg5[%dma_start3A_26, %dma_start3A_32] : memref<200x128xi32, #tpu.memory_space<vmem>> -> memref<1x128xi32, #tpu.memory_space<vmem>>
    %dma_start3A_34 = tpu.memref_squeeze %dma_start3A_33 : memref<1x128xi32, #tpu.memory_space<vmem>> -> memref<128xi32, #tpu.memory_space<vmem>>
    %dma_start3A_35 = arith.constant 0 : i32
    %dma_start3A_36 = arith.constant 0 : i32
    %dma_start3A_37 = tpu.memref_slice %arg2[%dma_start3A_35, %dma_start3A_36] : memref<1000000x64xf32, #tpu.memory_space<hbm>> -> memref<1000000x64xf32, #tpu.memory_space<hbm>>
    tpu.enqueue_indirect_dma source(%dma_start3A_37 : memref<1000000x64xf32, #tpu.memory_space<hbm>>) target(%dma_start3A_31 : memref<128x64xf32, #tpu.memory_space<vmem>>) offsets(%dma_start3A_34 : memref<128xi32, #tpu.memory_space<vmem>>) semaphore(%arg9 : memref<!tpu.dma_semaphore, #tpu.memory_space<semaphore_mem>>)
    %scan3A = arith.constant 0 : i32
    %scan3A_38 = arith.constant 40 : i32
    %scan3A_39 = arith.addi %scan3A, %scan3A_38 : i32
    %scan3A_40 = arith.constant 1 : i32
    scf.for %scan3A_121 = %scan3A to %scan3A_39 step %scan3A_40  : i32 {
      %mul3A_122 = arith.constant 5 : i32
      %mul3A_123 = arith.muli %scan3A_121, %mul3A_122 : i32
      %add3A_124 = arith.constant 0 : i32
      %add3A_125 = arith.addi %add3A_124, %mul3A_123 : i32
      %add3A_126 = arith.constant 0 : i32
      %add3A_127 = arith.addi %add3A_125, %add3A_126 : i32
      %add3A_128 = arith.constant 3 : i32
      %add3A_129 = arith.addi %add3A_127, %add3A_128 : i32
      %lt3A = arith.constant 200 : i32
      %lt3A_130 = arith.cmpi slt, %add3A_129, %lt3A : i32
      %ge3A = arith.constant 5 : i32
      %ge3A_131 = arith.cmpi sge, %add3A_129, %ge3A : i32
      %and3A = arith.andi %lt3A_130, %ge3A_131 : i1
      %convert_element_type3A = arith.extui %and3A : i1 to i32
      %cond3A = arith.constant 0 : i32
      %cond3A_132 = arith.cmpi ne, %convert_element_type3A, %cond3A : i32
      scf.if %cond3A_132 {
        %sub3A = arith.constant 5 : i32
        %sub3A_361 = arith.subi %add3A_129, %sub3A : i32
        %add3A_362 = arith.addi %mul3A_2, %sub3A_361 : i32
        %dma_wait3A_363 = arith.constant 3 : i32
        %dma_wait3A_364 = arith.constant 0 : i32
        %dma_wait3A_365 = arith.constant 0 : i32
        %dma_wait3A_366 = tpu.memref_slice %arg6[%dma_wait3A_363, %dma_wait3A_364, %dma_wait3A_365] : memref<5x128x64xf32, #tpu.memory_space<vmem>> -> memref<1x128x64xf32, #tpu.memory_space<vmem>>
        %dma_wait3A_367 = arith.constant 0 : i32
        %dma_wait3A_368 = arith.constant 0 : i32
        %dma_wait3A_369 = tpu.memref_slice %arg4[%add3A_362, %dma_wait3A_367, %dma_wait3A_368] : memref<6400x128x64xf32, #tpu.memory_space<hbm>> -> memref<1x128x64xf32, #tpu.memory_space<hbm>>
        %dma_wait3A_370 = arith.constant 0 : i32
        %dma_wait3A_371 = arith.constant 0 : i32
        %dma_wait3A_372 = tpu.memref_slice %arg4[%add3A_362, %dma_wait3A_370, %dma_wait3A_371] : memref<6400x128x64xf32, #tpu.memory_space<hbm>> -> memref<1x128x64xf32, #tpu.memory_space<hbm>>
        %dma_wait3A_373 = arith.constant 3 : i32
        %dma_wait3A_374 = arith.constant 0 : i32
        %dma_wait3A_375 = arith.constant 0 : i32
        %dma_wait3A_376 = tpu.memref_slice %arg6[%dma_wait3A_373, %dma_wait3A_374, %dma_wait3A_375] : memref<5x128x64xf32, #tpu.memory_space<vmem>> -> memref<1x128x64xf32, #tpu.memory_space<vmem>>
        tpu.wait_dma2 semaphore(%arg15 : memref<!tpu.dma_semaphore, #tpu.memory_space<semaphore_mem>>) src(%dma_wait3A_376 : memref<1x128x64xf32, #tpu.memory_space<vmem>>) dst(%dma_wait3A_372 : memref<1x128x64xf32, #tpu.memory_space<hbm>>)
      } else {
      }
      %lt3A_133 = arith.constant 200 : i32
      %lt3A_134 = arith.cmpi slt, %add3A_129, %lt3A_133 : i32
      %convert_element_type3A_135 = arith.extui %lt3A_134 : i1 to i32
      %cond3A_136 = arith.constant 0 : i32
      %cond3A_137 = arith.cmpi ne, %convert_element_type3A_135, %cond3A_136 : i32
      scf.if %cond3A_137 {
        %dma_start3A_361 = arith.constant 3 : i32
        %dma_start3A_362 = arith.constant 0 : i32
        %dma_start3A_363 = arith.constant 0 : i32
        %dma_start3A_364 = tpu.memref_slice %arg6[%dma_start3A_361, %dma_start3A_362, %dma_start3A_363] : memref<5x128x64xf32, #tpu.memory_space<vmem>> -> memref<1x128x64xf32, #tpu.memory_space<vmem>>
        %dma_start3A_365 = tpu.memref_squeeze %dma_start3A_364 : memref<1x128x64xf32, #tpu.memory_space<vmem>> -> memref<128x64xf32, #tpu.memory_space<vmem>>
        %dma_start3A_366 = arith.constant 0 : i32
        %dma_start3A_367 = tpu.memref_slice %arg5[%add3A_129, %dma_start3A_366] : memref<200x128xi32, #tpu.memory_space<vmem>> -> memref<1x128xi32, #tpu.memory_space<vmem>>
        %dma_start3A_368 = tpu.memref_squeeze %dma_start3A_367 : memref<1x128xi32, #tpu.memory_space<vmem>> -> memref<128xi32, #tpu.memory_space<vmem>>
        %dma_start3A_369 = arith.constant 0 : i32
        %dma_start3A_370 = arith.constant 0 : i32
        %dma_start3A_371 = tpu.memref_slice %arg2[%dma_start3A_369, %dma_start3A_370] : memref<1000000x64xf32, #tpu.memory_space<hbm>> -> memref<1000000x64xf32, #tpu.memory_space<hbm>>
        tpu.enqueue_indirect_dma source(%dma_start3A_371 : memref<1000000x64xf32, #tpu.memory_space<hbm>>) target(%dma_start3A_365 : memref<128x64xf32, #tpu.memory_space<vmem>>) offsets(%dma_start3A_368 : memref<128xi32, #tpu.memory_space<vmem>>) semaphore(%arg10 : memref<!tpu.dma_semaphore, #tpu.memory_space<semaphore_mem>>)
      } else {
      }
      %dma_wait3A_138 = arith.constant 0 : i32
      %dma_wait3A_139 = arith.constant 0 : i32
      %dma_wait3A_140 = arith.constant 0 : i32
      %dma_wait3A_141 = tpu.memref_slice %arg6[%dma_wait3A_138, %dma_wait3A_139, %dma_wait3A_140] : memref<5x128x64xf32, #tpu.memory_space<vmem>> -> memref<1x128x64xf32, #tpu.memory_space<vmem>>
      %dma_wait3A_142 = tpu.memref_squeeze %dma_wait3A_141 : memref<1x128x64xf32, #tpu.memory_space<vmem>> -> memref<128x64xf32, #tpu.memory_space<vmem>>
      %dma_wait3A_143 = arith.constant 0 : i32
      %dma_wait3A_144 = tpu.memref_slice %arg5[%add3A_127, %dma_wait3A_143] : memref<200x128xi32, #tpu.memory_space<vmem>> -> memref<1x128xi32, #tpu.memory_space<vmem>>
      %dma_wait3A_145 = tpu.memref_squeeze %dma_wait3A_144 : memref<1x128xi32, #tpu.memory_space<vmem>> -> memref<128xi32, #tpu.memory_space<vmem>>
      %dma_wait3A_146 = arith.constant 0 : i32
      %dma_wait3A_147 = arith.constant 0 : i32
      %dma_wait3A_148 = tpu.memref_slice %arg2[%dma_wait3A_146, %dma_wait3A_147] : memref<1000000x64xf32, #tpu.memory_space<hbm>> -> memref<1000000x64xf32, #tpu.memory_space<hbm>>
      tpu.wait_indirect_dma semaphore(%arg7 : memref<!tpu.dma_semaphore, #tpu.memory_space<semaphore_mem>>) src(%dma_wait3A_148 : memref<1000000x64xf32, #tpu.memory_space<hbm>>) dst(%dma_wait3A_142 : memref<128x64xf32, #tpu.memory_space<vmem>>)
      %scan3A_149 = arith.constant 0 : i32
      %scan3A_150 = arith.constant 128 : i32
      %scan3A_151 = arith.addi %scan3A_149, %scan3A_150 : i32
      %scan3A_152 = arith.constant 4 : i32
      scf.for %scan3A_361 = %scan3A_149 to %scan3A_151 step %scan3A_152  : i32 {
        %mul3A_362 = arith.constant 1 : i32
        %mul3A_363 = arith.muli %scan3A_361, %mul3A_362 : i32
        %add3A_364 = arith.constant 0 : i32
        %add3A_365 = arith.addi %add3A_364, %mul3A_363 : i32
        %get3A = arith.constant 0 : i32
        %get3A_366 = arith.index_cast %get3A : i32 to index
        %get3A_367 = arith.index_cast %add3A_365 : i32 to index
        %get3A_368 = arith.constant 0 : index
        %get3A_369 = tpu.vector_load %arg6[%get3A_366, %get3A_367, %get3A_368] {strides = array<i32>} : memref<5x128x64xf32, #tpu.memory_space<vmem>>, vector<1x1x16xf32>,
        %get3A_370 = vector.shape_cast %get3A_369 : vector<1x1x16xf32> to vector<16xf32>
        %mul3A_371 = arith.constant 8.000000e+00 : f32
        %mul3A_372 = vector.broadcast %mul3A_371 : f32 to vector<16xf32>
        %mul3A_373 = arith.mulf %get3A_370, %mul3A_372 : vector<16xf32>
        %swap3A = arith.constant 0 : i32
        %swap3A_374 = arith.index_cast %swap3A : i32 to index
        %swap3A_375 = arith.index_cast %add3A_365 : i32 to index
        %swap3A_376 = arith.constant 0 : index
        %swap3A_377 = tpu.vector_load %arg6[%swap3A_374, %swap3A_375, %swap3A_376] {strides = array<i32>} : memref<5x128x64xf32, #tpu.memory_space<vmem>>, vector<1x1x16xf32>,
        %swap3A_378 = vector.shape_cast %swap3A_377 : vector<1x1x16xf32> to vector<16xf32>
        %swap3A_379 = vector.shape_cast %mul3A_373 : vector<16xf32> to vector<1x1x16xf32>
        tpu.vector_store %arg6[%swap3A_374, %swap3A_375, %swap3A_376], %swap3A_379 {strides = array<i32>} : memref<5x128x64xf32, #tpu.memory_space<vmem>>, vector<1x1x16xf32>,
        %get3A_380 = arith.constant 0 : i32
        %get3A_381 = arith.index_cast %get3A_380 : i32 to index
        %get3A_382 = arith.index_cast %add3A_365 : i32 to index
        %get3A_383 = arith.constant 16 : index
        %get3A_384 = tpu.vector_load %arg6[%get3A_381, %get3A_382, %get3A_383] {strides = array<i32>} : memref<5x128x64xf32, #tpu.memory_space<vmem>>, vector<1x1x16xf32>,
        %get3A_385 = vector.shape_cast %get3A_384 : vector<1x1x16xf32> to vector<16xf32>
        %mul3A_386 = arith.constant 8.000000e+00 : f32
        %mul3A_387 = vector.broadcast %mul3A_386 : f32 to vector<16xf32>
        %mul3A_388 = arith.mulf %get3A_385, %mul3A_387 : vector<16xf32>
        %swap3A_389 = arith.constant 0 : i32
        %swap3A_390 = arith.index_cast %swap3A_389 : i32 to index
        %swap3A_391 = arith.index_cast %add3A_365 : i32 to index
        %swap3A_392 = arith.constant 16 : index
        %swap3A_393 = tpu.vector_load %arg6[%swap3A_390, %swap3A_391, %swap3A_392] {strides = array<i32>} : memref<5x128x64xf32, #tpu.memory_space<vmem>>, vector<1x1x16xf32>,
        %swap3A_394 = vector.shape_cast %swap3A_393 : vector<1x1x16xf32> to vector<16xf32>
        %swap3A_395 = vector.shape_cast %mul3A_388 : vector<16xf32> to vector<1x1x16xf32>
        tpu.vector_store %arg6[%swap3A_390, %swap3A_391, %swap3A_392], %swap3A_395 {strides = array<i32>} : memref<5x128x64xf32, #tpu.memory_space<vmem>>, vector<1x1x16xf32>,
        %get3A_396 = arith.constant 0 : i32
        %get3A_397 = arith.index_cast %get3A_396 : i32 to index
        %get3A_398 = arith.index_cast %add3A_365 : i32 to index
        %get3A_399 = arith.constant 32 : index
        %get3A_400 = tpu.vector_load %arg6[%get3A_397, %get3A_398, %get3A_399] {strides = array<i32>} : memref<5x128x64xf32, #tpu.memory_space<vmem>>, vector<1x1x16xf32>,
        %get3A_401 = vector.shape_cast %get3A_400 : vector<1x1x16xf32> to vector<16xf32>
        %mul3A_402 = arith.constant 8.000000e+00 : f32
        %mul3A_403 = vector.broadcast %mul3A_402 : f32 to vector<16xf32>
        %mul3A_404 = arith.mulf %get3A_401, %mul3A_403 : vector<16xf32>
        %swap3A_405 = arith.constant 0 : i32
        %swap3A_406 = arith.index_cast %swap3A_405 : i32 to index
        %swap3A_407 = arith.index_cast %add3A_365 : i32 to index
        %swap3A_408 = arith.constant 32 : index
        %swap3A_409 = tpu.vector_load %arg6[%swap3A_406, %swap3A_407, %swap3A_408] {strides = array<i32>} : memref<5x128x64xf32, #tpu.memory_space<vmem>>, vector<1x1x16xf32>,
        %swap3A_410 = vector.shape_cast %swap3A_409 : vector<1x1x16xf32> to vector<16xf32>
        %swap3A_411 = vector.shape_cast %mul3A_404 : vector<16xf32> to vector<1x1x16xf32>
        tpu.vector_store %arg6[%swap3A_406, %swap3A_407, %swap3A_408], %swap3A_411 {strides = array<i32>} : memref<5x128x64xf32, #tpu.memory_space<vmem>>, vector<1x1x16xf32>,
        %get3A_412 = arith.constant 0 : i32
        %get3A_413 = arith.index_cast %get3A_412 : i32 to index
        %get3A_414 = arith.index_cast %add3A_365 : i32 to index
        %get3A_415 = arith.constant 48 : index
        %get3A_416 = tpu.vector_load %arg6[%get3A_413, %get3A_414, %get3A_415] {strides = array<i32>} : memref<5x128x64xf32, #tpu.memory_space<vmem>>, vector<1x1x16xf32>,
        %get3A_417 = vector.shape_cast %get3A_416 : vector<1x1x16xf32> to vector<16xf32>
        %mul3A_418 = arith.constant 8.000000e+00 : f32
        %mul3A_419 = vector.broadcast %mul3A_418 : f32 to vector<16xf32>
        %mul3A_420 = arith.mulf %get3A_417, %mul3A_419 : vector<16xf32>
        %swap3A_421 = arith.constant 0 : i32
        %swap3A_422 = arith.index_cast %swap3A_421 : i32 to index
        %swap3A_423 = arith.index_cast %add3A_365 : i32 to index
        %swap3A_424 = arith.constant 48 : index
        %swap3A_425 = tpu.vector_load %arg6[%swap3A_422, %swap3A_423, %swap3A_424] {strides = array<i32>} : memref<5x128x64xf32, #tpu.memory_space<vmem>>, vector<1x1x16xf32>,
        %swap3A_426 = vector.shape_cast %swap3A_425 : vector<1x1x16xf32> to vector<16xf32>
        %swap3A_427 = vector.shape_cast %mul3A_420 : vector<16xf32> to vector<1x1x16xf32>
        tpu.vector_store %arg6[%swap3A_422, %swap3A_423, %swap3A_424], %swap3A_427 {strides = array<i32>} : memref<5x128x64xf32, #tpu.memory_space<vmem>>, vector<1x1x16xf32>,
        %scan3A_428 = arith.constant 1 : i32
        %scan3A_429 = arith.addi %scan3A_361, %scan3A_428 : i32
        %mul3A_430 = arith.constant 1 : i32
        %mul3A_431 = arith.muli %scan3A_429, %mul3A_430 : i32
        %add3A_432 = arith.constant 0 : i32
        %add3A_433 = arith.addi %add3A_432, %mul3A_431 : i32
        %get3A_434 = arith.constant 0 : i32
        %get3A_435 = arith.index_cast %get3A_434 : i32 to index
        %get3A_436 = arith.index_cast %add3A_433 : i32 to index
        %get3A_437 = arith.constant 0 : index
        %get3A_438 = tpu.vector_load %arg6[%get3A_435, %get3A_436, %get3A_437] {strides = array<i32>} : memref<5x128x64xf32, #tpu.memory_space<vmem>>, vector<1x1x16xf32>,
        %get3A_439 = vector.shape_cast %get3A_438 : vector<1x1x16xf32> to vector<16xf32>
        %mul3A_440 = arith.constant 8.000000e+00 : f32
        %mul3A_441 = vector.broadcast %mul3A_440 : f32 to vector<16xf32>
        %mul3A_442 = arith.mulf %get3A_439, %mul3A_441 : vector<16xf32>
        %swap3A_443 = arith.constant 0 : i32
        %swap3A_444 = arith.index_cast %swap3A_443 : i32 to index
        %swap3A_445 = arith.index_cast %add3A_433 : i32 to index
        %swap3A_446 = arith.constant 0 : index
        %swap3A_447 = tpu.vector_load %arg6[%swap3A_444, %swap3A_445, %swap3A_446] {strides = array<i32>} : memref<5x128x64xf32, #tpu.memory_space<vmem>>, vector<1x1x16xf32>,
        %swap3A_448 = vector.shape_cast %swap3A_447 : vector<1x1x16xf32> to vector<16xf32>
        %swap3A_449 = vector.shape_cast %mul3A_442 : vector<16xf32> to vector<1x1x16xf32>
        tpu.vector_store %arg6[%swap3A_444, %swap3A_445, %swap3A_446], %swap3A_449 {strides = array<i32>} : memref<5x128x64xf32, #tpu.memory_space<vmem>>, vector<1x1x16xf32>,
        %get3A_450 = arith.constant 0 : i32
        %get3A_451 = arith.index_cast %get3A_450 : i32 to index
        %get3A_452 = arith.index_cast %add3A_433 : i32 to index
        %get3A_453 = arith.constant 16 : index
        %get3A_454 = tpu.vector_load %arg6[%get3A_451, %get3A_452, %get3A_453] {strides = array<i32>} : memref<5x128x64xf32, #tpu.memory_space<vmem>>, vector<1x1x16xf32>,
        %get3A_455 = vector.shape_cast %get3A_454 : vector<1x1x16xf32> to vector<16xf32>
        %mul3A_456 = arith.constant 8.000000e+00 : f32
        %mul3A_457 = vector.broadcast %mul3A_456 : f32 to vector<16xf32>
        %mul3A_458 = arith.mulf %get3A_455, %mul3A_457 : vector<16xf32>
        %swap3A_459 = arith.constant 0 : i32
        %swap3A_460 = arith.index_cast %swap3A_459 : i32 to index
        %swap3A_461 = arith.index_cast %add3A_433 : i32 to index
        %swap3A_462 = arith.constant 16 : index
        %swap3A_463 = tpu.vector_load %arg6[%swap3A_460, %swap3A_461, %swap3A_462] {strides = array<i32>} : memref<5x128x64xf32, #tpu.memory_space<vmem>>, vector<1x1x16xf32>,
        %swap3A_464 = vector.shape_cast %swap3A_463 : vector<1x1x16xf32> to vector<16xf32>
        %swap3A_465 = vector.shape_cast %mul3A_458 : vector<16xf32> to vector<1x1x16xf32>
        tpu.vector_store %arg6[%swap3A_460, %swap3A_461, %swap3A_462], %swap3A_465 {strides = array<i32>} : memref<5x128x64xf32, #tpu.memory_space<vmem>>, vector<1x1x16xf32>,
        %get3A_466 = arith.constant 0 : i32
        %get3A_467 = arith.index_cast %get3A_466 : i32 to index
        %get3A_468 = arith.index_cast %add3A_433 : i32 to index
        %get3A_469 = arith.constant 32 : index
        %get3A_470 = tpu.vector_load %arg6[%get3A_467, %get3A_468, %get3A_469] {strides = array<i32>} : memref<5x128x64xf32, #tpu.memory_space<vmem>>, vector<1x1x16xf32>,
        %get3A_471 = vector.shape_cast %get3A_470 : vector<1x1x16xf32> to vector<16xf32>
        %mul3A_472 = arith.constant 8.000000e+00 : f32
        %mul3A_473 = vector.broadcast %mul3A_472 : f32 to vector<16xf32>
        %mul3A_474 = arith.mulf %get3A_471, %mul3A_473 : vector<16xf32>
        %swap3A_475 = arith.constant 0 : i32
        %swap3A_476 = arith.index_cast %swap3A_475 : i32 to index
        %swap3A_477 = arith.index_cast %add3A_433 : i32 to index
        %swap3A_478 = arith.constant 32 : index
        %swap3A_479 = tpu.vector_load %arg6[%swap3A_476, %swap3A_477, %swap3A_478] {strides = array<i32>} : memref<5x128x64xf32, #tpu.memory_space<vmem>>, vector<1x1x16xf32>,
        %swap3A_480 = vector.shape_cast %swap3A_479 : vector<1x1x16xf32> to vector<16xf32>
        %swap3A_481 = vector.shape_cast %mul3A_474 : vector<16xf32> to vector<1x1x16xf32>
        tpu.vector_store %arg6[%swap3A_476, %swap3A_477, %swap3A_478], %swap3A_481 {strides = array<i32>} : memref<5x128x64xf32, #tpu.memory_space<vmem>>, vector<1x1x16xf32>,
        %get3A_482 = arith.constant 0 : i32
        %get3A_483 = arith.index_cast %get3A_482 : i32 to index
        %get3A_484 = arith.index_cast %add3A_433 : i32 to index
        %get3A_485 = arith.constant 48 : index
        %get3A_486 = tpu.vector_load %arg6[%get3A_483, %get3A_484, %get3A_485] {strides = array<i32>} : memref<5x128x64xf32, #tpu.memory_space<vmem>>, vector<1x1x16xf32>,
        %get3A_487 = vector.shape_cast %get3A_486 : vector<1x1x16xf32> to vector<16xf32>
        %mul3A_488 = arith.constant 8.000000e+00 : f32
        %mul3A_489 = vector.broadcast %mul3A_488 : f32 to vector<16xf32>
        %mul3A_490 = arith.mulf %get3A_487, %mul3A_489 : vector<16xf32>
        %swap3A_491 = arith.constant 0 : i32
        %swap3A_492 = arith.index_cast %swap3A_491 : i32 to index
        %swap3A_493 = arith.index_cast %add3A_433 : i32 to index
        %swap3A_494 = arith.constant 48 : index
        %swap3A_495 = tpu.vector_load %arg6[%swap3A_492, %swap3A_493, %swap3A_494] {strides = array<i32>} : memref<5x128x64xf32, #tpu.memory_space<vmem>>, vector<1x1x16xf32>,
        %swap3A_496 = vector.shape_cast %swap3A_495 : vector<1x1x16xf32> to vector<16xf32>
        %swap3A_497 = vector.shape_cast %mul3A_490 : vector<16xf32> to vector<1x1x16xf32>
        tpu.vector_store %arg6[%swap3A_492, %swap3A_493, %swap3A_494], %swap3A_497 {strides = array<i32>} : memref<5x128x64xf32, #tpu.memory_space<vmem>>, vector<1x1x16xf32>,
        %scan3A_498 = arith.constant 2 : i32
        %scan3A_499 = arith.addi %scan3A_361, %scan3A_498 : i32
        %mul3A_500 = arith.constant 1 : i32
        %mul3A_501 = arith.muli %scan3A_499, %mul3A_500 : i32
        %add3A_502 = arith.constant 0 : i32
        %add3A_503 = arith.addi %add3A_502, %mul3A_501 : i32
        %get3A_504 = arith.constant 0 : i32
        %get3A_505 = arith.index_cast %get3A_504 : i32 to index
        %get3A_506 = arith.index_cast %add3A_503 : i32 to index
        %get3A_507 = arith.constant 0 : index
        %get3A_508 = tpu.vector_load %arg6[%get3A_505, %get3A_506, %get3A_507] {strides = array<i32>} : memref<5x128x64xf32, #tpu.memory_space<vmem>>, vector<1x1x16xf32>,
        %get3A_509 = vector.shape_cast %get3A_508 : vector<1x1x16xf32> to vector<16xf32>
        %mul3A_510 = arith.constant 8.000000e+00 : f32
        %mul3A_511 = vector.broadcast %mul3A_510 : f32 to vector<16xf32>
        %mul3A_512 = arith.mulf %get3A_509, %mul3A_511 : vector<16xf32>
        %swap3A_513 = arith.constant 0 : i32
        %swap3A_514 = arith.index_cast %swap3A_513 : i32 to index
        %swap3A_515 = arith.index_cast %add3A_503 : i32 to index
        %swap3A_516 = arith.constant 0 : index
        %swap3A_517 = tpu.vector_load %arg6[%swap3A_514, %swap3A_515, %swap3A_516] {strides = array<i32>} : memref<5x128x64xf32, #tpu.memory_space<vmem>>, vector<1x1x16xf32>,
        %swap3A_518 = vector.shape_cast %swap3A_517 : vector<1x1x16xf32> to vector<16xf32>
        %swap3A_519 = vector.shape_cast %mul3A_512 : vector<16xf32> to vector<1x1x16xf32>
        tpu.vector_store %arg6[%swap3A_514, %swap3A_515, %swap3A_516], %swap3A_519 {strides = array<i32>} : memref<5x128x64xf32, #tpu.memory_space<vmem>>, vector<1x1x16xf32>,
        %get3A_520 = arith.constant 0 : i32
        %get3A_521 = arith.index_cast %get3A_520 : i32 to index
        %get3A_522 = arith.index_cast %add3A_503 : i32 to index
        %get3A_523 = arith.constant 16 : index
        %get3A_524 = tpu.vector_load %arg6[%get3A_521, %get3A_522, %get3A_523] {strides = array<i32>} : memref<5x128x64xf32, #tpu.memory_space<vmem>>, vector<1x1x16xf32>,
        %get3A_525 = vector.shape_cast %get3A_524 : vector<1x1x16xf32> to vector<16xf32>
        %mul3A_526 = arith.constant 8.000000e+00 : f32
        %mul3A_527 = vector.broadcast %mul3A_526 : f32 to vector<16xf32>
        %mul3A_528 = arith.mulf %get3A_525, %mul3A_527 : vector<16xf32>
        %swap3A_529 = arith.constant 0 : i32
        %swap3A_530 = arith.index_cast %swap3A_529 : i32 to index
        %swap3A_531 = arith.index_cast %add3A_503 : i32 to index
        %swap3A_532 = arith.constant 16 : index
        %swap3A_533 = tpu.vector_load %arg6[%swap3A_530, %swap3A_531, %swap3A_532] {strides = array<i32>} : memref<5x128x64xf32, #tpu.memory_space<vmem>>, vector<1x1x16xf32>,
        %swap3A_534 = vector.shape_cast %swap3A_533 : vector<1x1x16xf32> to vector<16xf32>
        %swap3A_535 = vector.shape_cast %mul3A_528 : vector<16xf32> to vector<1x1x16xf32>
        tpu.vector_store %arg6[%swap3A_530, %swap3A_531, %swap3A_532], %swap3A_535 {strides = array<i32>} : memref<5x128x64xf32, #tpu.memory_space<vmem>>, vector<1x1x16xf32>,
        %get3A_536 = arith.constant 0 : i32
        %get3A_537 = arith.index_cast %get3A_536 : i32 to index
        %get3A_538 = arith.index_cast %add3A_503 : i32 to index
        %get3A_539 = arith.constant 32 : index
        %get3A_540 = tpu.vector_load %arg6[%get3A_537, %get3A_538, %get3A_539] {strides = array<i32>} : memref<5x128x64xf32, #tpu.memory_space<vmem>>, vector<1x1x16xf32>,
        %get3A_541 = vector.shape_cast %get3A_540 : vector<1x1x16xf32> to vector<16xf32>
        %mul3A_542 = arith.constant 8.000000e+00 : f32
        %mul3A_543 = vector.broadcast %mul3A_542 : f32 to vector<16xf32>
        %mul3A_544 = arith.mulf %get3A_541, %mul3A_543 : vector<16xf32>
        %swap3A_545 = arith.constant 0 : i32
        %swap3A_546 = arith.index_cast %swap3A_545 : i32 to index
        %swap3A_547 = arith.index_cast %add3A_503 : i32 to index
        %swap3A_548 = arith.constant 32 : index
        %swap3A_549 = tpu.vector_load %arg6[%swap3A_546, %swap3A_547, %swap3A_548] {strides = array<i32>} : memref<5x128x64xf32, #tpu.memory_space<vmem>>, vector<1x1x16xf32>,
        %swap3A_550 = vector.shape_cast %swap3A_549 : vector<1x1x16xf32> to vector<16xf32>
        %swap3A_551 = vector.shape_cast %mul3A_544 : vector<16xf32> to vector<1x1x16xf32>
        tpu.vector_store %arg6[%swap3A_546, %swap3A_547, %swap3A_548], %swap3A_551 {strides = array<i32>} : memref<5x128x64xf32, #tpu.memory_space<vmem>>, vector<1x1x16xf32>,
        %get3A_552 = arith.constant 0 : i32
        %get3A_553 = arith.index_cast %get3A_552 : i32 to index
        %get3A_554 = arith.index_cast %add3A_503 : i32 to index
        %get3A_555 = arith.constant 48 : index
        %get3A_556 = tpu.vector_load %arg6[%get3A_553, %get3A_554, %get3A_555] {strides = array<i32>} : memref<5x128x64xf32, #tpu.memory_space<vmem>>, vector<1x1x16xf32>,
        %get3A_557 = vector.shape_cast %get3A_556 : vector<1x1x16xf32> to vector<16xf32>
        %mul3A_558 = arith.constant 8.000000e+00 : f32
        %mul3A_559 = vector.broadcast %mul3A_558 : f32 to vector<16xf32>
        %mul3A_560 = arith.mulf %get3A_557, %mul3A_559 : vector<16xf32>
        %swap3A_561 = arith.constant 0 : i32
        %swap3A_562 = arith.index_cast %swap3A_561 : i32 to index
        %swap3A_563 = arith.index_cast %add3A_503 : i32 to index
        %swap3A_564 = arith.constant 48 : index
        %swap3A_565 = tpu.vector_load %arg6[%swap3A_562, %swap3A_563, %swap3A_564] {strides = array<i32>} : memref<5x128x64xf32, #tpu.memory_space<vmem>>, vector<1x1x16xf32>,
        %swap3A_566 = vector.shape_cast %swap3A_565 : vector<1x1x16xf32> to vector<16xf32>
        %swap3A_567 = vector.shape_cast %mul3A_560 : vector<16xf32> to vector<1x1x16xf32>
        tpu.vector_store %arg6[%swap3A_562, %swap3A_563, %swap3A_564], %swap3A_567 {strides = array<i32>} : memref<5x128x64xf32, #tpu.memory_space<vmem>>, vector<1x1x16xf32>,
        %scan3A_568 = arith.constant 3 : i32
        %scan3A_569 = arith.addi %scan3A_361, %scan3A_568 : i32
        %mul3A_570 = arith.constant 1 : i32
        %mul3A_571 = arith.muli %scan3A_569, %mul3A_570 : i32
        %add3A_572 = arith.constant 0 : i32
        %add3A_573 = arith.addi %add3A_572, %mul3A_571 : i32
        %get3A_574 = arith.constant 0 : i32
        %get3A_575 = arith.index_cast %get3A_574 : i32 to index
        %get3A_576 = arith.index_cast %add3A_573 : i32 to index
        %get3A_577 = arith.constant 0 : index
        %get3A_578 = tpu.vector_load %arg6[%get3A_575, %get3A_576, %get3A_577] {strides = array<i32>} : memref<5x128x64xf32, #tpu.memory_space<vmem>>, vector<1x1x16xf32>,
        %get3A_579 = vector.shape_cast %get3A_578 : vector<1x1x16xf32> to vector<16xf32>
        %mul3A_580 = arith.constant 8.000000e+00 : f32
        %mul3A_581 = vector.broadcast %mul3A_580 : f32 to vector<16xf32>
        %mul3A_582 = arith.mulf %get3A_579, %mul3A_581 : vector<16xf32>
        %swap3A_583 = arith.constant 0 : i32
        %swap3A_584 = arith.index_cast %swap3A_583 : i32 to index
        %swap3A_585 = arith.index_cast %add3A_573 : i32 to index
        %swap3A_586 = arith.constant 0 : index
        %swap3A_587 = tpu.vector_load %arg6[%swap3A_584, %swap3A_585, %swap3A_586] {strides = array<i32>} : memref<5x128x64xf32, #tpu.memory_space<vmem>>, vector<1x1x16xf32>,
        %swap3A_588 = vector.shape_cast %swap3A_587 : vector<1x1x16xf32> to vector<16xf32>
        %swap3A_589 = vector.shape_cast %mul3A_582 : vector<16xf32> to vector<1x1x16xf32>
        tpu.vector_store %arg6[%swap3A_584, %swap3A_585, %swap3A_586], %swap3A_589 {strides = array<i32>} : memref<5x128x64xf32, #tpu.memory_space<vmem>>, vector<1x1x16xf32>,
        %get3A_590 = arith.constant 0 : i32
        %get3A_591 = arith.index_cast %get3A_590 : i32 to index
        %get3A_592 = arith.index_cast %add3A_573 : i32 to index
        %get3A_593 = arith.constant 16 : index
        %get3A_594 = tpu.vector_load %arg6[%get3A_591, %get3A_592, %get3A_593] {strides = array<i32>} : memref<5x128x64xf32, #tpu.memory_space<vmem>>, vector<1x1x16xf32>,
        %get3A_595 = vector.shape_cast %get3A_594 : vector<1x1x16xf32> to vector<16xf32>
        %mul3A_596 = arith.constant 8.000000e+00 : f32
        %mul3A_597 = vector.broadcast %mul3A_596 : f32 to vector<16xf32>
        %mul3A_598 = arith.mulf %get3A_595, %mul3A_597 : vector<16xf32>
        %swap3A_599 = arith.constant 0 : i32
        %swap3A_600 = arith.index_cast %swap3A_599 : i32 to index
        %swap3A_601 = arith.index_cast %add3A_573 : i32 to index
        %swap3A_602 = arith.constant 16 : index
        %swap3A_603 = tpu.vector_load %arg6[%swap3A_600, %swap3A_601, %swap3A_602] {strides = array<i32>} : memref<5x128x64xf32, #tpu.memory_space<vmem>>, vector<1x1x16xf32>,
        %swap3A_604 = vector.shape_cast %swap3A_603 : vector<1x1x16xf32> to vector<16xf32>
        %swap3A_605 = vector.shape_cast %mul3A_598 : vector<16xf32> to vector<1x1x16xf32>
        tpu.vector_store %arg6[%swap3A_600, %swap3A_601, %swap3A_602], %swap3A_605 {strides = array<i32>} : memref<5x128x64xf32, #tpu.memory_space<vmem>>, vector<1x1x16xf32>,
        %get3A_606 = arith.constant 0 : i32
        %get3A_607 = arith.index_cast %get3A_606 : i32 to index
        %get3A_608 = arith.index_cast %add3A_573 : i32 to index
        %get3A_609 = arith.constant 32 : index
        %get3A_610 = tpu.vector_load %arg6[%get3A_607, %get3A_608, %get3A_609] {strides = array<i32>} : memref<5x128x64xf32, #tpu.memory_space<vmem>>, vector<1x1x16xf32>,
        %get3A_611 = vector.shape_cast %get3A_610 : vector<1x1x16xf32> to vector<16xf32>
        %mul3A_612 = arith.constant 8.000000e+00 : f32
        %mul3A_613 = vector.broadcast %mul3A_612 : f32 to vector<16xf32>
        %mul3A_614 = arith.mulf %get3A_611, %mul3A_613 : vector<16xf32>
        %swap3A_615 = arith.constant 0 : i32
        %swap3A_616 = arith.index_cast %swap3A_615 : i32 to index
        %swap3A_617 = arith.index_cast %add3A_573 : i32 to index
        %swap3A_618 = arith.constant 32 : index
        %swap3A_619 = tpu.vector_load %arg6[%swap3A_616, %swap3A_617, %swap3A_618] {strides = array<i32>} : memref<5x128x64xf32, #tpu.memory_space<vmem>>, vector<1x1x16xf32>,
        %swap3A_620 = vector.shape_cast %swap3A_619 : vector<1x1x16xf32> to vector<16xf32>
        %swap3A_621 = vector.shape_cast %mul3A_614 : vector<16xf32> to vector<1x1x16xf32>
        tpu.vector_store %arg6[%swap3A_616, %swap3A_617, %swap3A_618], %swap3A_621 {strides = array<i32>} : memref<5x128x64xf32, #tpu.memory_space<vmem>>, vector<1x1x16xf32>,
        %get3A_622 = arith.constant 0 : i32
        %get3A_623 = arith.index_cast %get3A_622 : i32 to index
        %get3A_624 = arith.index_cast %add3A_573 : i32 to index
        %get3A_625 = arith.constant 48 : index
        %get3A_626 = tpu.vector_load %arg6[%get3A_623, %get3A_624, %get3A_625] {strides = array<i32>} : memref<5x128x64xf32, #tpu.memory_space<vmem>>, vector<1x1x16xf32>,
        %get3A_627 = vector.shape_cast %get3A_626 : vector<1x1x16xf32> to vector<16xf32>
        %mul3A_628 = arith.constant 8.000000e+00 : f32
        %mul3A_629 = vector.broadcast %mul3A_628 : f32 to vector<16xf32>
        %mul3A_630 = arith.mulf %get3A_627, %mul3A_629 : vector<16xf32>
        %swap3A_631 = arith.constant 0 : i32
        %swap3A_632 = arith.index_cast %swap3A_631 : i32 to index
        %swap3A_633 = arith.index_cast %add3A_573 : i32 to index
        %swap3A_634 = arith.constant 48 : index
        %swap3A_635 = tpu.vector_load %arg6[%swap3A_632, %swap3A_633, %swap3A_634] {strides = array<i32>} : memref<5x128x64xf32, #tpu.memory_space<vmem>>, vector<1x1x16xf32>,
        %swap3A_636 = vector.shape_cast %swap3A_635 : vector<1x1x16xf32> to vector<16xf32>
        %swap3A_637 = vector.shape_cast %mul3A_630 : vector<16xf32> to vector<1x1x16xf32>
        tpu.vector_store %arg6[%swap3A_632, %swap3A_633, %swap3A_634], %swap3A_637 {strides = array<i32>} : memref<5x128x64xf32, #tpu.memory_space<vmem>>, vector<1x1x16xf32>,
      }
      %scan3A_153 = arith.constant 128 : i32
      %add3A_154 = arith.addi %mul3A_2, %add3A_127 : i32
      %dma_start3A_155 = arith.constant 0 : i32
      %dma_start3A_156 = arith.constant 0 : i32
      %dma_start3A_157 = arith.constant 0 : i32
      %dma_start3A_158 = tpu.memref_slice %arg6[%dma_start3A_155, %dma_start3A_156, %dma_start3A_157] : memref<5x128x64xf32, #tpu.memory_space<vmem>> -> memref<1x128x64xf32, #tpu.memory_space<vmem>>
      %dma_start3A_159 = arith.constant 0 : i32
      %dma_start3A_160 = arith.constant 0 : i32
      %dma_start3A_161 = tpu.memref_slice %arg4[%add3A_154, %dma_start3A_159, %dma_start3A_160] : memref<6400x128x64xf32, #tpu.memory_space<hbm>> -> memref<1x128x64xf32, #tpu.memory_space<hbm>>
      %dma_start3A_162 = arith.constant 0 : i32
      %dma_start3A_163 = arith.constant 0 : i32
      %dma_start3A_164 = tpu.memref_slice %arg4[%add3A_154, %dma_start3A_162, %dma_start3A_163] : memref<6400x128x64xf32, #tpu.memory_space<hbm>> -> memref<1x128x64xf32, #tpu.memory_space<hbm>>
      %dma_start3A_165 = arith.constant 0 : i32
      %dma_start3A_166 = arith.constant 0 : i32
      %dma_start3A_167 = arith.constant 0 : i32
      %dma_start3A_168 = tpu.memref_slice %arg6[%dma_start3A_165, %dma_start3A_166, %dma_start3A_167] : memref<5x128x64xf32, #tpu.memory_space<vmem>> -> memref<1x128x64xf32, #tpu.memory_space<vmem>>
      tpu.enqueue_dma source(%dma_start3A_168 : memref<1x128x64xf32, #tpu.memory_space<vmem>>) target(%dma_start3A_164 : memref<1x128x64xf32, #tpu.memory_space<hbm>>) target_semaphore(%arg12 : memref<!tpu.dma_semaphore, #tpu.memory_space<semaphore_mem>>)
      %add3A_169 = arith.constant 1 : i32
      %add3A_170 = arith.addi %add3A_125, %add3A_169 : i32
      %add3A_171 = arith.constant 3 : i32
      %add3A_172 = arith.addi %add3A_170, %add3A_171 : i32
      %lt3A_173 = arith.constant 200 : i32
      %lt3A_174 = arith.cmpi slt, %add3A_172, %lt3A_173 : i32
      %ge3A_175 = arith.constant 5 : i32
      %ge3A_176 = arith.cmpi sge, %add3A_172, %ge3A_175 : i32
      %and3A_177 = arith.andi %lt3A_174, %ge3A_176 : i1
      %convert_element_type3A_178 = arith.extui %and3A_177 : i1 to i32
      %cond3A_179 = arith.constant 0 : i32
      %cond3A_180 = arith.cmpi ne, %convert_element_type3A_178, %cond3A_179 : i32
      scf.if %cond3A_180 {
        %sub3A = arith.constant 5 : i32
        %sub3A_361 = arith.subi %add3A_172, %sub3A : i32
        %add3A_362 = arith.addi %mul3A_2, %sub3A_361 : i32
        %dma_wait3A_363 = arith.constant 4 : i32
        %dma_wait3A_364 = arith.constant 0 : i32
        %dma_wait3A_365 = arith.constant 0 : i32
        %dma_wait3A_366 = tpu.memref_slice %arg6[%dma_wait3A_363, %dma_wait3A_364, %dma_wait3A_365] : memref<5x128x64xf32, #tpu.memory_space<vmem>> -> memref<1x128x64xf32, #tpu.memory_space<vmem>>
        %dma_wait3A_367 = arith.constant 0 : i32
        %dma_wait3A_368 = arith.constant 0 : i32
        %dma_wait3A_369 = tpu.memref_slice %arg4[%add3A_362, %dma_wait3A_367, %dma_wait3A_368] : memref<6400x128x64xf32, #tpu.memory_space<hbm>> -> memref<1x128x64xf32, #tpu.memory_space<hbm>>
        %dma_wait3A_370 = arith.constant 0 : i32
        %dma_wait3A_371 = arith.constant 0 : i32
        %dma_wait3A_372 = tpu.memref_slice %arg4[%add3A_362, %dma_wait3A_370, %dma_wait3A_371] : memref<6400x128x64xf32, #tpu.memory_space<hbm>> -> memref<1x128x64xf32, #tpu.memory_space<hbm>>
        %dma_wait3A_373 = arith.constant 4 : i32
        %dma_wait3A_374 = arith.constant 0 : i32
        %dma_wait3A_375 = arith.constant 0 : i32
        %dma_wait3A_376 = tpu.memref_slice %arg6[%dma_wait3A_373, %dma_wait3A_374, %dma_wait3A_375] : memref<5x128x64xf32, #tpu.memory_space<vmem>> -> memref<1x128x64xf32, #tpu.memory_space<vmem>>
        tpu.wait_dma2 semaphore(%arg16 : memref<!tpu.dma_semaphore, #tpu.memory_space<semaphore_mem>>) src(%dma_wait3A_376 : memref<1x128x64xf32, #tpu.memory_space<vmem>>) dst(%dma_wait3A_372 : memref<1x128x64xf32, #tpu.memory_space<hbm>>)
      } else {
      }
      %lt3A_181 = arith.constant 200 : i32
      %lt3A_182 = arith.cmpi slt, %add3A_172, %lt3A_181 : i32
      %convert_element_type3A_183 = arith.extui %lt3A_182 : i1 to i32
      %cond3A_184 = arith.constant 0 : i32
      %cond3A_185 = arith.cmpi ne, %convert_element_type3A_183, %cond3A_184 : i32
      scf.if %cond3A_185 {
        %dma_start3A_361 = arith.constant 4 : i32
        %dma_start3A_362 = arith.constant 0 : i32
        %dma_start3A_363 = arith.constant 0 : i32
        %dma_start3A_364 = tpu.memref_slice %arg6[%dma_start3A_361, %dma_start3A_362, %dma_start3A_363] : memref<5x128x64xf32, #tpu.memory_space<vmem>> -> memref<1x128x64xf32, #tpu.memory_space<vmem>>
        %dma_start3A_365 = tpu.memref_squeeze %dma_start3A_364 : memref<1x128x64xf32, #tpu.memory_space<vmem>> -> memref<128x64xf32, #tpu.memory_space<vmem>>
        %dma_start3A_366 = arith.constant 0 : i32
        %dma_start3A_367 = tpu.memref_slice %arg5[%add3A_172, %dma_start3A_366] : memref<200x128xi32, #tpu.memory_space<vmem>> -> memref<1x128xi32, #tpu.memory_space<vmem>>
        %dma_start3A_368 = tpu.memref_squeeze %dma_start3A_367 : memref<1x128xi32, #tpu.memory_space<vmem>> -> memref<128xi32, #tpu.memory_space<vmem>>
        %dma_start3A_369 = arith.constant 0 : i32
        %dma_start3A_370 = arith.constant 0 : i32
        %dma_start3A_371 = tpu.memref_slice %arg2[%dma_start3A_369, %dma_start3A_370] : memref<1000000x64xf32, #tpu.memory_space<hbm>> -> memref<1000000x64xf32, #tpu.memory_space<hbm>>
        tpu.enqueue_indirect_dma source(%dma_start3A_371 : memref<1000000x64xf32, #tpu.memory_space<hbm>>) target(%dma_start3A_365 : memref<128x64xf32, #tpu.memory_space<vmem>>) offsets(%dma_start3A_368 : memref<128xi32, #tpu.memory_space<vmem>>) semaphore(%arg11 : memref<!tpu.dma_semaphore, #tpu.memory_space<semaphore_mem>>)
      } else {
      }
      %dma_wait3A_186 = arith.constant 1 : i32
      %dma_wait3A_187 = arith.constant 0 : i32
      %dma_wait3A_188 = arith.constant 0 : i32
      %dma_wait3A_189 = tpu.memref_slice %arg6[%dma_wait3A_186, %dma_wait3A_187, %dma_wait3A_188] : memref<5x128x64xf32, #tpu.memory_space<vmem>> -> memref<1x128x64xf32, #tpu.memory_space<vmem>>
      %dma_wait3A_190 = tpu.memref_squeeze %dma_wait3A_189 : memref<1x128x64xf32, #tpu.memory_space<vmem>> -> memref<128x64xf32, #tpu.memory_space<vmem>>
      %dma_wait3A_191 = arith.constant 0 : i32
      %dma_wait3A_192 = tpu.memref_slice %arg5[%add3A_170, %dma_wait3A_191] : memref<200x128xi32, #tpu.memory_space<vmem>> -> memref<1x128xi32, #tpu.memory_space<vmem>>
      %dma_wait3A_193 = tpu.memref_squeeze %dma_wait3A_192 : memref<1x128xi32, #tpu.memory_space<vmem>> -> memref<128xi32, #tpu.memory_space<vmem>>
      %dma_wait3A_194 = arith.constant 0 : i32
      %dma_wait3A_195 = arith.constant 0 : i32
      %dma_wait3A_196 = tpu.memref_slice %arg2[%dma_wait3A_194, %dma_wait3A_195] : memref<1000000x64xf32, #tpu.memory_space<hbm>> -> memref<1000000x64xf32, #tpu.memory_space<hbm>>
      tpu.wait_indirect_dma semaphore(%arg8 : memref<!tpu.dma_semaphore, #tpu.memory_space<semaphore_mem>>) src(%dma_wait3A_196 : memref<1000000x64xf32, #tpu.memory_space<hbm>>) dst(%dma_wait3A_190 : memref<128x64xf32, #tpu.memory_space<vmem>>)
      %scan3A_197 = arith.constant 0 : i32
      %scan3A_198 = arith.constant 128 : i32
      %scan3A_199 = arith.addi %scan3A_197, %scan3A_198 : i32
      %scan3A_200 = arith.constant 4 : i32
      scf.for %scan3A_361 = %scan3A_197 to %scan3A_199 step %scan3A_200  : i32 {
        %mul3A_362 = arith.constant 1 : i32
        %mul3A_363 = arith.muli %scan3A_361, %mul3A_362 : i32
        %add3A_364 = arith.constant 0 : i32
        %add3A_365 = arith.addi %add3A_364, %mul3A_363 : i32
        %get3A = arith.constant 1 : i32
        %get3A_366 = arith.index_cast %get3A : i32 to index
        %get3A_367 = arith.index_cast %add3A_365 : i32 to index
        %get3A_368 = arith.constant 0 : index
        %get3A_369 = tpu.vector_load %arg6[%get3A_366, %get3A_367, %get3A_368] {strides = array<i32>} : memref<5x128x64xf32, #tpu.memory_space<vmem>>, vector<1x1x16xf32>,
        %get3A_370 = vector.shape_cast %get3A_369 : vector<1x1x16xf32> to vector<16xf32>
        %mul3A_371 = arith.constant 8.000000e+00 : f32
        %mul3A_372 = vector.broadcast %mul3A_371 : f32 to vector<16xf32>
        %mul3A_373 = arith.mulf %get3A_370, %mul3A_372 : vector<16xf32>
        %swap3A = arith.constant 1 : i32
        %swap3A_374 = arith.index_cast %swap3A : i32 to index
        %swap3A_375 = arith.index_cast %add3A_365 : i32 to index
        %swap3A_376 = arith.constant 0 : index
        %swap3A_377 = tpu.vector_load %arg6[%swap3A_374, %swap3A_375, %swap3A_376] {strides = array<i32>} : memref<5x128x64xf32, #tpu.memory_space<vmem>>, vector<1x1x16xf32>,
        %swap3A_378 = vector.shape_cast %swap3A_377 : vector<1x1x16xf32> to vector<16xf32>
        %swap3A_379 = vector.shape_cast %mul3A_373 : vector<16xf32> to vector<1x1x16xf32>
        tpu.vector_store %arg6[%swap3A_374, %swap3A_375, %swap3A_376], %swap3A_379 {strides = array<i32>} : memref<5x128x64xf32, #tpu.memory_space<vmem>>, vector<1x1x16xf32>,
        %get3A_380 = arith.constant 1 : i32
        %get3A_381 = arith.index_cast %get3A_380 : i32 to index
        %get3A_382 = arith.index_cast %add3A_365 : i32 to index
        %get3A_383 = arith.constant 16 : index
        %get3A_384 = tpu.vector_load %arg6[%get3A_381, %get3A_382, %get3A_383] {strides = array<i32>} : memref<5x128x64xf32, #tpu.memory_space<vmem>>, vector<1x1x16xf32>,
        %get3A_385 = vector.shape_cast %get3A_384 : vector<1x1x16xf32> to vector<16xf32>
        %mul3A_386 = arith.constant 8.000000e+00 : f32
        %mul3A_387 = vector.broadcast %mul3A_386 : f32 to vector<16xf32>
        %mul3A_388 = arith.mulf %get3A_385, %mul3A_387 : vector<16xf32>
        %swap3A_389 = arith.constant 1 : i32
        %swap3A_390 = arith.index_cast %swap3A_389 : i32 to index
        %swap3A_391 = arith.index_cast %add3A_365 : i32 to index
        %swap3A_392 = arith.constant 16 : index
        %swap3A_393 = tpu.vector_load %arg6[%swap3A_390, %swap3A_391, %swap3A_392] {strides = array<i32>} : memref<5x128x64xf32, #tpu.memory_space<vmem>>, vector<1x1x16xf32>,
        %swap3A_394 = vector.shape_cast %swap3A_393 : vector<1x1x16xf32> to vector<16xf32>
        %swap3A_395 = vector.shape_cast %mul3A_388 : vector<16xf32> to vector<1x1x16xf32>
        tpu.vector_store %arg6[%swap3A_390, %swap3A_391, %swap3A_392], %swap3A_395 {strides = array<i32>} : memref<5x128x64xf32, #tpu.memory_space<vmem>>, vector<1x1x16xf32>,
        %get3A_396 = arith.constant 1 : i32
        %get3A_397 = arith.index_cast %get3A_396 : i32 to index
        %get3A_398 = arith.index_cast %add3A_365 : i32 to index
        %get3A_399 = arith.constant 32 : index
        %get3A_400 = tpu.vector_load %arg6[%get3A_397, %get3A_398, %get3A_399] {strides = array<i32>} : memref<5x128x64xf32, #tpu.memory_space<vmem>>, vector<1x1x16xf32>,
        %get3A_401 = vector.shape_cast %get3A_400 : vector<1x1x16xf32> to vector<16xf32>
        %mul3A_402 = arith.constant 8.000000e+00 : f32
        %mul3A_403 = vector.broadcast %mul3A_402 : f32 to vector<16xf32>
        %mul3A_404 = arith.mulf %get3A_401, %mul3A_403 : vector<16xf32>
        %swap3A_405 = arith.constant 1 : i32
        %swap3A_406 = arith.index_cast %swap3A_405 : i32 to index
        %swap3A_407 = arith.index_cast %add3A_365 : i32 to index
        %swap3A_408 = arith.constant 32 : index
        %swap3A_409 = tpu.vector_load %arg6[%swap3A_406, %swap3A_407, %swap3A_408] {strides = array<i32>} : memref<5x128x64xf32, #tpu.memory_space<vmem>>, vector<1x1x16xf32>,
        %swap3A_410 = vector.shape_cast %swap3A_409 : vector<1x1x16xf32> to vector<16xf32>
        %swap3A_411 = vector.shape_cast %mul3A_404 : vector<16xf32> to vector<1x1x16xf32>
        tpu.vector_store %arg6[%swap3A_406, %swap3A_407, %swap3A_408], %swap3A_411 {strides = array<i32>} : memref<5x128x64xf32, #tpu.memory_space<vmem>>, vector<1x1x16xf32>,
        %get3A_412 = arith.constant 1 : i32
        %get3A_413 = arith.index_cast %get3A_412 : i32 to index
        %get3A_414 = arith.index_cast %add3A_365 : i32 to index
        %get3A_415 = arith.constant 48 : index
        %get3A_416 = tpu.vector_load %arg6[%get3A_413, %get3A_414, %get3A_415] {strides = array<i32>} : memref<5x128x64xf32, #tpu.memory_space<vmem>>, vector<1x1x16xf32>,
        %get3A_417 = vector.shape_cast %get3A_416 : vector<1x1x16xf32> to vector<16xf32>
        %mul3A_418 = arith.constant 8.000000e+00 : f32
        %mul3A_419 = vector.broadcast %mul3A_418 : f32 to vector<16xf32>
        %mul3A_420 = arith.mulf %get3A_417, %mul3A_419 : vector<16xf32>
        %swap3A_421 = arith.constant 1 : i32
        %swap3A_422 = arith.index_cast %swap3A_421 : i32 to index
        %swap3A_423 = arith.index_cast %add3A_365 : i32 to index
        %swap3A_424 = arith.constant 48 : index
        %swap3A_425 = tpu.vector_load %arg6[%swap3A_422, %swap3A_423, %swap3A_424] {strides = array<i32>} : memref<5x128x64xf32, #tpu.memory_space<vmem>>, vector<1x1x16xf32>,
        %swap3A_426 = vector.shape_cast %swap3A_425 : vector<1x1x16xf32> to vector<16xf32>
        %swap3A_427 = vector.shape_cast %mul3A_420 : vector<16xf32> to vector<1x1x16xf32>
        tpu.vector_store %arg6[%swap3A_422, %swap3A_423, %swap3A_424], %swap3A_427 {strides = array<i32>} : memref<5x128x64xf32, #tpu.memory_space<vmem>>, vector<1x1x16xf32>,
        %scan3A_428 = arith.constant 1 : i32
        %scan3A_429 = arith.addi %scan3A_361, %scan3A_428 : i32
        %mul3A_430 = arith.constant 1 : i32
        %mul3A_431 = arith.muli %scan3A_429, %mul3A_430 : i32
        %add3A_432 = arith.constant 0 : i32
        %add3A_433 = arith.addi %add3A_432, %mul3A_431 : i32
        %get3A_434 = arith.constant 1 : i32
        %get3A_435 = arith.index_cast %get3A_434 : i32 to index
        %get3A_436 = arith.index_cast %add3A_433 : i32 to index
        %get3A_437 = arith.constant 0 : index
        %get3A_438 = tpu.vector_load %arg6[%get3A_435, %get3A_436, %get3A_437] {strides = array<i32>} : memref<5x128x64xf32, #tpu.memory_space<vmem>>, vector<1x1x16xf32>,
        %get3A_439 = vector.shape_cast %get3A_438 : vector<1x1x16xf32> to vector<16xf32>
        %mul3A_440 = arith.constant 8.000000e+00 : f32
        %mul3A_441 = vector.broadcast %mul3A_440 : f32 to vector<16xf32>
        %mul3A_442 = arith.mulf %get3A_439, %mul3A_441 : vector<16xf32>
        %swap3A_443 = arith.constant 1 : i32
        %swap3A_444 = arith.index_cast %swap3A_443 : i32 to index
        %swap3A_445 = arith.index_cast %add3A_433 : i32 to index
        %swap3A_446 = arith.constant 0 : index
        %swap3A_447 = tpu.vector_load %arg6[%swap3A_444, %swap3A_445, %swap3A_446] {strides = array<i32>} : memref<5x128x64xf32, #tpu.memory_space<vmem>>, vector<1x1x16xf32>,
        %swap3A_448 = vector.shape_cast %swap3A_447 : vector<1x1x16xf32> to vector<16xf32>
        %swap3A_449 = vector.shape_cast %mul3A_442 : vector<16xf32> to vector<1x1x16xf32>
        tpu.vector_store %arg6[%swap3A_444, %swap3A_445, %swap3A_446], %swap3A_449 {strides = array<i32>} : memref<5x128x64xf32, #tpu.memory_space<vmem>>, vector<1x1x16xf32>,
        %get3A_450 = arith.constant 1 : i32
        %get3A_451 = arith.index_cast %get3A_450 : i32 to index
        %get3A_452 = arith.index_cast %add3A_433 : i32 to index
        %get3A_453 = arith.constant 16 : index
        %get3A_454 = tpu.vector_load %arg6[%get3A_451, %get3A_452, %get3A_453] {strides = array<i32>} : memref<5x128x64xf32, #tpu.memory_space<vmem>>, vector<1x1x16xf32>,
        %get3A_455 = vector.shape_cast %get3A_454 : vector<1x1x16xf32> to vector<16xf32>
        %mul3A_456 = arith.constant 8.000000e+00 : f32
        %mul3A_457 = vector.broadcast %mul3A_456 : f32 to vector<16xf32>
        %mul3A_458 = arith.mulf %get3A_455, %mul3A_457 : vector<16xf32>
        %swap3A_459 = arith.constant 1 : i32
        %swap3A_460 = arith.index_cast %swap3A_459 : i32 to index
        %swap3A_461 = arith.index_cast %add3A_433 : i32 to index
        %swap3A_462 = arith.constant 16 : index
        %swap3A_463 = tpu.vector_load %arg6[%swap3A_460, %swap3A_461, %swap3A_462] {strides = array<i32>} : memref<5x128x64xf32, #tpu.memory_space<vmem>>, vector<1x1x16xf32>,
        %swap3A_464 = vector.shape_cast %swap3A_463 : vector<1x1x16xf32> to vector<16xf32>
        %swap3A_465 = vector.shape_cast %mul3A_458 : vector<16xf32> to vector<1x1x16xf32>
        tpu.vector_store %arg6[%swap3A_460, %swap3A_461, %swap3A_462], %swap3A_465 {strides = array<i32>} : memref<5x128x64xf32, #tpu.memory_space<vmem>>, vector<1x1x16xf32>,
        %get3A_466 = arith.constant 1 : i32
        %get3A_467 = arith.index_cast %get3A_466 : i32 to index
        %get3A_468 = arith.index_cast %add3A_433 : i32 to index
        %get3A_469 = arith.constant 32 : index
        %get3A_470 = tpu.vector_load %arg6[%get3A_467, %get3A_468, %get3A_469] {strides = array<i32>} : memref<5x128x64xf32, #tpu.memory_space<vmem>>, vector<1x1x16xf32>,
        %get3A_471 = vector.shape_cast %get3A_470 : vector<1x1x16xf32> to vector<16xf32>
        %mul3A_472 = arith.constant 8.000000e+00 : f32
        %mul3A_473 = vector.broadcast %mul3A_472 : f32 to vector<16xf32>
        %mul3A_474 = arith.mulf %get3A_471, %mul3A_473 : vector<16xf32>
        %swap3A_475 = arith.constant 1 : i32
        %swap3A_476 = arith.index_cast %swap3A_475 : i32 to index
        %swap3A_477 = arith.index_cast %add3A_433 : i32 to index
        %swap3A_478 = arith.constant 32 : index
        %swap3A_479 = tpu.vector_load %arg6[%swap3A_476, %swap3A_477, %swap3A_478] {strides = array<i32>} : memref<5x128x64xf32, #tpu.memory_space<vmem>>, vector<1x1x16xf32>,
        %swap3A_480 = vector.shape_cast %swap3A_479 : vector<1x1x16xf32> to vector<16xf32>
        %swap3A_481 = vector.shape_cast %mul3A_474 : vector<16xf32> to vector<1x1x16xf32>
        tpu.vector_store %arg6[%swap3A_476, %swap3A_477, %swap3A_478], %swap3A_481 {strides = array<i32>} : memref<5x128x64xf32, #tpu.memory_space<vmem>>, vector<1x1x16xf32>,
        %get3A_482 = arith.constant 1 : i32
        %get3A_483 = arith.index_cast %get3A_482 : i32 to index
        %get3A_484 = arith.index_cast %add3A_433 : i32 to index
        %get3A_485 = arith.constant 48 : index
        %get3A_486 = tpu.vector_load %arg6[%get3A_483, %get3A_484, %get3A_485] {strides = array<i32>} : memref<5x128x64xf32, #tpu.memory_space<vmem>>, vector<1x1x16xf32>,
        %get3A_487 = vector.shape_cast %get3A_486 : vector<1x1x16xf32> to vector<16xf32>
        %mul3A_488 = arith.constant 8.000000e+00 : f32
        %mul3A_489 = vector.broadcast %mul3A_488 : f32 to vector<16xf32>
        %mul3A_490 = arith.mulf %get3A_487, %mul3A_489 : vector<16xf32>
        %swap3A_491 = arith.constant 1 : i32
        %swap3A_492 = arith.index_cast %swap3A_491 : i32 to index
        %swap3A_493 = arith.index_cast %add3A_433 : i32 to index
        %swap3A_494 = arith.constant 48 : index
        %swap3A_495 = tpu.vector_load %arg6[%swap3A_492, %swap3A_493, %swap3A_494] {strides = array<i32>} : memref<5x128x64xf32, #tpu.memory_space<vmem>>, vector<1x1x16xf32>,
        %swap3A_496 = vector.shape_cast %swap3A_495 : vector<1x1x16xf32> to vector<16xf32>
        %swap3A_497 = vector.shape_cast %mul3A_490 : vector<16xf32> to vector<1x1x16xf32>
        tpu.vector_store %arg6[%swap3A_492, %swap3A_493, %swap3A_494], %swap3A_497 {strides = array<i32>} : memref<5x128x64xf32, #tpu.memory_space<vmem>>, vector<1x1x16xf32>,
        %scan3A_498 = arith.constant 2 : i32
        %scan3A_499 = arith.addi %scan3A_361, %scan3A_498 : i32
        %mul3A_500 = arith.constant 1 : i32
        %mul3A_501 = arith.muli %scan3A_499, %mul3A_500 : i32
        %add3A_502 = arith.constant 0 : i32
        %add3A_503 = arith.addi %add3A_502, %mul3A_501 : i32
        %get3A_504 = arith.constant 1 : i32
        %get3A_505 = arith.index_cast %get3A_504 : i32 to index
        %get3A_506 = arith.index_cast %add3A_503 : i32 to index
        %get3A_507 = arith.constant 0 : index
        %get3A_508 = tpu.vector_load %arg6[%get3A_505, %get3A_506, %get3A_507] {strides = array<i32>} : memref<5x128x64xf32, #tpu.memory_space<vmem>>, vector<1x1x16xf32>,
        %get3A_509 = vector.shape_cast %get3A_508 : vector<1x1x16xf32> to vector<16xf32>
        %mul3A_510 = arith.constant 8.000000e+00 : f32
        %mul3A_511 = vector.broadcast %mul3A_510 : f32 to vector<16xf32>
        %mul3A_512 = arith.mulf %get3A_509, %mul3A_511 : vector<16xf32>
        %swap3A_513 = arith.constant 1 : i32
        %swap3A_514 = arith.index_cast %swap3A_513 : i32 to index
        %swap3A_515 = arith.index_cast %add3A_503 : i32 to index
        %swap3A_516 = arith.constant 0 : index
        %swap3A_517 = tpu.vector_load %arg6[%swap3A_514, %swap3A_515, %swap3A_516] {strides = array<i32>} : memref<5x128x64xf32, #tpu.memory_space<vmem>>, vector<1x1x16xf32>,
        %swap3A_518 = vector.shape_cast %swap3A_517 : vector<1x1x16xf32> to vector<16xf32>
        %swap3A_519 = vector.shape_cast %mul3A_512 : vector<16xf32> to vector<1x1x16xf32>
        tpu.vector_store %arg6[%swap3A_514, %swap3A_515, %swap3A_516], %swap3A_519 {strides = array<i32>} : memref<5x128x64xf32, #tpu.memory_space<vmem>>, vector<1x1x16xf32>,
        %get3A_520 = arith.constant 1 : i32
        %get3A_521 = arith.index_cast %get3A_520 : i32 to index
        %get3A_522 = arith.index_cast %add3A_503 : i32 to index
        %get3A_523 = arith.constant 16 : index
        %get3A_524 = tpu.vector_load %arg6[%get3A_521, %get3A_522, %get3A_523] {strides = array<i32>} : memref<5x128x64xf32, #tpu.memory_space<vmem>>, vector<1x1x16xf32>,
        %get3A_525 = vector.shape_cast %get3A_524 : vector<1x1x16xf32> to vector<16xf32>
        %mul3A_526 = arith.constant 8.000000e+00 : f32
        %mul3A_527 = vector.broadcast %mul3A_526 : f32 to vector<16xf32>
        %mul3A_528 = arith.mulf %get3A_525, %mul3A_527 : vector<16xf32>
        %swap3A_529 = arith.constant 1 : i32
        %swap3A_530 = arith.index_cast %swap3A_529 : i32 to index
        %swap3A_531 = arith.index_cast %add3A_503 : i32 to index
        %swap3A_532 = arith.constant 16 : index
        %swap3A_533 = tpu.vector_load %arg6[%swap3A_530, %swap3A_531, %swap3A_532] {strides = array<i32>} : memref<5x128x64xf32, #tpu.memory_space<vmem>>, vector<1x1x16xf32>,
        %swap3A_534 = vector.shape_cast %swap3A_533 : vector<1x1x16xf32> to vector<16xf32>
        %swap3A_535 = vector.shape_cast %mul3A_528 : vector<16xf32> to vector<1x1x16xf32>
        tpu.vector_store %arg6[%swap3A_530, %swap3A_531, %swap3A_532], %swap3A_535 {strides = array<i32>} : memref<5x128x64xf32, #tpu.memory_space<vmem>>, vector<1x1x16xf32>,
        %get3A_536 = arith.constant 1 : i32
        %get3A_537 = arith.index_cast %get3A_536 : i32 to index
        %get3A_538 = arith.index_cast %add3A_503 : i32 to index
        %get3A_539 = arith.constant 32 : index
        %get3A_540 = tpu.vector_load %arg6[%get3A_537, %get3A_538, %get3A_539] {strides = array<i32>} : memref<5x128x64xf32, #tpu.memory_space<vmem>>, vector<1x1x16xf32>,
        %get3A_541 = vector.shape_cast %get3A_540 : vector<1x1x16xf32> to vector<16xf32>
        %mul3A_542 = arith.constant 8.000000e+00 : f32
        %mul3A_543 = vector.broadcast %mul3A_542 : f32 to vector<16xf32>
        %mul3A_544 = arith.mulf %get3A_541, %mul3A_543 : vector<16xf32>
        %swap3A_545 = arith.constant 1 : i32
        %swap3A_546 = arith.index_cast %swap3A_545 : i32 to index
        %swap3A_547 = arith.index_cast %add3A_503 : i32 to index
        %swap3A_548 = arith.constant 32 : index
        %swap3A_549 = tpu.vector_load %arg6[%swap3A_546, %swap3A_547, %swap3A_548] {strides = array<i32>} : memref<5x128x64xf32, #tpu.memory_space<vmem>>, vector<1x1x16xf32>,
        %swap3A_550 = vector.shape_cast %swap3A_549 : vector<1x1x16xf32> to vector<16xf32>
        %swap3A_551 = vector.shape_cast %mul3A_544 : vector<16xf32> to vector<1x1x16xf32>
        tpu.vector_store %arg6[%swap3A_546, %swap3A_547, %swap3A_548], %swap3A_551 {strides = array<i32>} : memref<5x128x64xf32, #tpu.memory_space<vmem>>, vector<1x1x16xf32>,
        %get3A_552 = arith.constant 1 : i32
        %get3A_553 = arith.index_cast %get3A_552 : i32 to index
        %get3A_554 = arith.index_cast %add3A_503 : i32 to index
        %get3A_555 = arith.constant 48 : index
        %get3A_556 = tpu.vector_load %arg6[%get3A_553, %get3A_554, %get3A_555] {strides = array<i32>} : memref<5x128x64xf32, #tpu.memory_space<vmem>>, vector<1x1x16xf32>,
        %get3A_557 = vector.shape_cast %get3A_556 : vector<1x1x16xf32> to vector<16xf32>
        %mul3A_558 = arith.constant 8.000000e+00 : f32
        %mul3A_559 = vector.broadcast %mul3A_558 : f32 to vector<16xf32>
        %mul3A_560 = arith.mulf %get3A_557, %mul3A_559 : vector<16xf32>
        %swap3A_561 = arith.constant 1 : i32
        %swap3A_562 = arith.index_cast %swap3A_561 : i32 to index
        %swap3A_563 = arith.index_cast %add3A_503 : i32 to index
        %swap3A_564 = arith.constant 48 : index
        %swap3A_565 = tpu.vector_load %arg6[%swap3A_562, %swap3A_563, %swap3A_564] {strides = array<i32>} : memref<5x128x64xf32, #tpu.memory_space<vmem>>, vector<1x1x16xf32>,
        %swap3A_566 = vector.shape_cast %swap3A_565 : vector<1x1x16xf32> to vector<16xf32>
        %swap3A_567 = vector.shape_cast %mul3A_560 : vector<16xf32> to vector<1x1x16xf32>
        tpu.vector_store %arg6[%swap3A_562, %swap3A_563, %swap3A_564], %swap3A_567 {strides = array<i32>} : memref<5x128x64xf32, #tpu.memory_space<vmem>>, vector<1x1x16xf32>,
        %scan3A_568 = arith.constant 3 : i32
        %scan3A_569 = arith.addi %scan3A_361, %scan3A_568 : i32
        %mul3A_570 = arith.constant 1 : i32
        %mul3A_571 = arith.muli %scan3A_569, %mul3A_570 : i32
        %add3A_572 = arith.constant 0 : i32
        %add3A_573 = arith.addi %add3A_572, %mul3A_571 : i32
        %get3A_574 = arith.constant 1 : i32
        %get3A_575 = arith.index_cast %get3A_574 : i32 to index
        %get3A_576 = arith.index_cast %add3A_573 : i32 to index
        %get3A_577 = arith.constant 0 : index
        %get3A_578 = tpu.vector_load %arg6[%get3A_575, %get3A_576, %get3A_577] {strides = array<i32>} : memref<5x128x64xf32, #tpu.memory_space<vmem>>, vector<1x1x16xf32>,
        %get3A_579 = vector.shape_cast %get3A_578 : vector<1x1x16xf32> to vector<16xf32>
        %mul3A_580 = arith.constant 8.000000e+00 : f32
        %mul3A_581 = vector.broadcast %mul3A_580 : f32 to vector<16xf32>
        %mul3A_582 = arith.mulf %get3A_579, %mul3A_581 : vector<16xf32>
        %swap3A_583 = arith.constant 1 : i32
        %swap3A_584 = arith.index_cast %swap3A_583 : i32 to index
        %swap3A_585 = arith.index_cast %add3A_573 : i32 to index
        %swap3A_586 = arith.constant 0 : index
        %swap3A_587 = tpu.vector_load %arg6[%swap3A_584, %swap3A_585, %swap3A_586] {strides = array<i32>} : memref<5x128x64xf32, #tpu.memory_space<vmem>>, vector<1x1x16xf32>,
        %swap3A_588 = vector.shape_cast %swap3A_587 : vector<1x1x16xf32> to vector<16xf32>
        %swap3A_589 = vector.shape_cast %mul3A_582 : vector<16xf32> to vector<1x1x16xf32>
        tpu.vector_store %arg6[%swap3A_584, %swap3A_585, %swap3A_586], %swap3A_589 {strides = array<i32>} : memref<5x128x64xf32, #tpu.memory_space<vmem>>, vector<1x1x16xf32>,
        %get3A_590 = arith.constant 1 : i32
        %get3A_591 = arith.index_cast %get3A_590 : i32 to index
        %get3A_592 = arith.index_cast %add3A_573 : i32 to index
        %get3A_593 = arith.constant 16 : index
        %get3A_594 = tpu.vector_load %arg6[%get3A_591, %get3A_592, %get3A_593] {strides = array<i32>} : memref<5x128x64xf32, #tpu.memory_space<vmem>>, vector<1x1x16xf32>,
        %get3A_595 = vector.shape_cast %get3A_594 : vector<1x1x16xf32> to vector<16xf32>
        %mul3A_596 = arith.constant 8.000000e+00 : f32
        %mul3A_597 = vector.broadcast %mul3A_596 : f32 to vector<16xf32>
        %mul3A_598 = arith.mulf %get3A_595, %mul3A_597 : vector<16xf32>
        %swap3A_599 = arith.constant 1 : i32
        %swap3A_600 = arith.index_cast %swap3A_599 : i32 to index
        %swap3A_601 = arith.index_cast %add3A_573 : i32 to index
        %swap3A_602 = arith.constant 16 : index
        %swap3A_603 = tpu.vector_load %arg6[%swap3A_600, %swap3A_601, %swap3A_602] {strides = array<i32>} : memref<5x128x64xf32, #tpu.memory_space<vmem>>, vector<1x1x16xf32>,
        %swap3A_604 = vector.shape_cast %swap3A_603 : vector<1x1x16xf32> to vector<16xf32>
        %swap3A_605 = vector.shape_cast %mul3A_598 : vector<16xf32> to vector<1x1x16xf32>
        tpu.vector_store %arg6[%swap3A_600, %swap3A_601, %swap3A_602], %swap3A_605 {strides = array<i32>} : memref<5x128x64xf32, #tpu.memory_space<vmem>>, vector<1x1x16xf32>,
        %get3A_606 = arith.constant 1 : i32
        %get3A_607 = arith.index_cast %get3A_606 : i32 to index
        %get3A_608 = arith.index_cast %add3A_573 : i32 to index
        %get3A_609 = arith.constant 32 : index
        %get3A_610 = tpu.vector_load %arg6[%get3A_607, %get3A_608, %get3A_609] {strides = array<i32>} : memref<5x128x64xf32, #tpu.memory_space<vmem>>, vector<1x1x16xf32>,
        %get3A_611 = vector.shape_cast %get3A_610 : vector<1x1x16xf32> to vector<16xf32>
        %mul3A_612 = arith.constant 8.000000e+00 : f32
        %mul3A_613 = vector.broadcast %mul3A_612 : f32 to vector<16xf32>
        %mul3A_614 = arith.mulf %get3A_611, %mul3A_613 : vector<16xf32>
        %swap3A_615 = arith.constant 1 : i32
        %swap3A_616 = arith.index_cast %swap3A_615 : i32 to index
        %swap3A_617 = arith.index_cast %add3A_573 : i32 to index
        %swap3A_618 = arith.constant 32 : index
        %swap3A_619 = tpu.vector_load %arg6[%swap3A_616, %swap3A_617, %swap3A_618] {strides = array<i32>} : memref<5x128x64xf32, #tpu.memory_space<vmem>>, vector<1x1x16xf32>,
        %swap3A_620 = vector.shape_cast %swap3A_619 : vector<1x1x16xf32> to vector<16xf32>
        %swap3A_621 = vector.shape_cast %mul3A_614 : vector<16xf32> to vector<1x1x16xf32>
        tpu.vector_store %arg6[%swap3A_616, %swap3A_617, %swap3A_618], %swap3A_621 {strides = array<i32>} : memref<5x128x64xf32, #tpu.memory_space<vmem>>, vector<1x1x16xf32>,
        %get3A_622 = arith.constant 1 : i32
        %get3A_623 = arith.index_cast %get3A_622 : i32 to index
        %get3A_624 = arith.index_cast %add3A_573 : i32 to index
        %get3A_625 = arith.constant 48 : index
        %get3A_626 = tpu.vector_load %arg6[%get3A_623, %get3A_624, %get3A_625] {strides = array<i32>} : memref<5x128x64xf32, #tpu.memory_space<vmem>>, vector<1x1x16xf32>,
        %get3A_627 = vector.shape_cast %get3A_626 : vector<1x1x16xf32> to vector<16xf32>
        %mul3A_628 = arith.constant 8.000000e+00 : f32
        %mul3A_629 = vector.broadcast %mul3A_628 : f32 to vector<16xf32>
        %mul3A_630 = arith.mulf %get3A_627, %mul3A_629 : vector<16xf32>
        %swap3A_631 = arith.constant 1 : i32
        %swap3A_632 = arith.index_cast %swap3A_631 : i32 to index
        %swap3A_633 = arith.index_cast %add3A_573 : i32 to index
        %swap3A_634 = arith.constant 48 : index
        %swap3A_635 = tpu.vector_load %arg6[%swap3A_632, %swap3A_633, %swap3A_634] {strides = array<i32>} : memref<5x128x64xf32, #tpu.memory_space<vmem>>, vector<1x1x16xf32>,
        %swap3A_636 = vector.shape_cast %swap3A_635 : vector<1x1x16xf32> to vector<16xf32>
        %swap3A_637 = vector.shape_cast %mul3A_630 : vector<16xf32> to vector<1x1x16xf32>
        tpu.vector_store %arg6[%swap3A_632, %swap3A_633, %swap3A_634], %swap3A_637 {strides = array<i32>} : memref<5x128x64xf32, #tpu.memory_space<vmem>>, vector<1x1x16xf32>,
      }
      %scan3A_201 = arith.constant 128 : i32
      %add3A_202 = arith.addi %mul3A_2, %add3A_170 : i32
      %dma_start3A_203 = arith.constant 1 : i32
      %dma_start3A_204 = arith.constant 0 : i32
      %dma_start3A_205 = arith.constant 0 : i32
      %dma_start3A_206 = tpu.memref_slice %arg6[%dma_start3A_203, %dma_start3A_204, %dma_start3A_205] : memref<5x128x64xf32, #tpu.memory_space<vmem>> -> memref<1x128x64xf32, #tpu.memory_space<vmem>>
      %dma_start3A_207 = arith.constant 0 : i32
      %dma_start3A_208 = arith.constant 0 : i32
      %dma_start3A_209 = tpu.memref_slice %arg4[%add3A_202, %dma_start3A_207, %dma_start3A_208] : memref<6400x128x64xf32, #tpu.memory_space<hbm>> -> memref<1x128x64xf32, #tpu.memory_space<hbm>>
      %dma_start3A_210 = arith.constant 0 : i32
      %dma_start3A_211 = arith.constant 0 : i32
      %dma_start3A_212 = tpu.memref_slice %arg4[%add3A_202, %dma_start3A_210, %dma_start3A_211] : memref<6400x128x64xf32, #tpu.memory_space<hbm>> -> memref<1x128x64xf32, #tpu.memory_space<hbm>>
      %dma_start3A_213 = arith.constant 1 : i32
      %dma_start3A_214 = arith.constant 0 : i32
      %dma_start3A_215 = arith.constant 0 : i32
      %dma_start3A_216 = tpu.memref_slice %arg6[%dma_start3A_213, %dma_start3A_214, %dma_start3A_215] : memref<5x128x64xf32, #tpu.memory_space<vmem>> -> memref<1x128x64xf32, #tpu.memory_space<vmem>>
      tpu.enqueue_dma source(%dma_start3A_216 : memref<1x128x64xf32, #tpu.memory_space<vmem>>) target(%dma_start3A_212 : memref<1x128x64xf32, #tpu.memory_space<hbm>>) target_semaphore(%arg13 : memref<!tpu.dma_semaphore, #tpu.memory_space<semaphore_mem>>)
      %add3A_217 = arith.constant 2 : i32
      %add3A_218 = arith.addi %add3A_125, %add3A_217 : i32
      %add3A_219 = arith.constant 3 : i32
      %add3A_220 = arith.addi %add3A_218, %add3A_219 : i32
      %lt3A_221 = arith.constant 200 : i32
      %lt3A_222 = arith.cmpi slt, %add3A_220, %lt3A_221 : i32
      %ge3A_223 = arith.constant 5 : i32
      %ge3A_224 = arith.cmpi sge, %add3A_220, %ge3A_223 : i32
      %and3A_225 = arith.andi %lt3A_222, %ge3A_224 : i1
      %convert_element_type3A_226 = arith.extui %and3A_225 : i1 to i32
      %cond3A_227 = arith.constant 0 : i32
      %cond3A_228 = arith.cmpi ne, %convert_element_type3A_226, %cond3A_227 : i32
      scf.if %cond3A_228 {
        %sub3A = arith.constant 5 : i32
        %sub3A_361 = arith.subi %add3A_220, %sub3A : i32
        %add3A_362 = arith.addi %mul3A_2, %sub3A_361 : i32
        %dma_wait3A_363 = arith.constant 0 : i32
        %dma_wait3A_364 = arith.constant 0 : i32
        %dma_wait3A_365 = arith.constant 0 : i32
        %dma_wait3A_366 = tpu.memref_slice %arg6[%dma_wait3A_363, %dma_wait3A_364, %dma_wait3A_365] : memref<5x128x64xf32, #tpu.memory_space<vmem>> -> memref<1x128x64xf32, #tpu.memory_space<vmem>>
        %dma_wait3A_367 = arith.constant 0 : i32
        %dma_wait3A_368 = arith.constant 0 : i32
        %dma_wait3A_369 = tpu.memref_slice %arg4[%add3A_362, %dma_wait3A_367, %dma_wait3A_368] : memref<6400x128x64xf32, #tpu.memory_space<hbm>> -> memref<1x128x64xf32, #tpu.memory_space<hbm>>
        %dma_wait3A_370 = arith.constant 0 : i32
        %dma_wait3A_371 = arith.constant 0 : i32
        %dma_wait3A_372 = tpu.memref_slice %arg4[%add3A_362, %dma_wait3A_370, %dma_wait3A_371] : memref<6400x128x64xf32, #tpu.memory_space<hbm>> -> memref<1x128x64xf32, #tpu.memory_space<hbm>>
        %dma_wait3A_373 = arith.constant 0 : i32
        %dma_wait3A_374 = arith.constant 0 : i32
        %dma_wait3A_375 = arith.constant 0 : i32
        %dma_wait3A_376 = tpu.memref_slice %arg6[%dma_wait3A_373, %dma_wait3A_374, %dma_wait3A_375] : memref<5x128x64xf32, #tpu.memory_space<vmem>> -> memref<1x128x64xf32, #tpu.memory_space<vmem>>
        tpu.wait_dma2 semaphore(%arg12 : memref<!tpu.dma_semaphore, #tpu.memory_space<semaphore_mem>>) src(%dma_wait3A_376 : memref<1x128x64xf32, #tpu.memory_space<vmem>>) dst(%dma_wait3A_372 : memref<1x128x64xf32, #tpu.memory_space<hbm>>)
      } else {
      }
      %lt3A_229 = arith.constant 200 : i32
      %lt3A_230 = arith.cmpi slt, %add3A_220, %lt3A_229 : i32
      %convert_element_type3A_231 = arith.extui %lt3A_230 : i1 to i32
      %cond3A_232 = arith.constant 0 : i32
      %cond3A_233 = arith.cmpi ne, %convert_element_type3A_231, %cond3A_232 : i32
      scf.if %cond3A_233 {
        %dma_start3A_361 = arith.constant 0 : i32
        %dma_start3A_362 = arith.constant 0 : i32
        %dma_start3A_363 = arith.constant 0 : i32
        %dma_start3A_364 = tpu.memref_slice %arg6[%dma_start3A_361, %dma_start3A_362, %dma_start3A_363] : memref<5x128x64xf32, #tpu.memory_space<vmem>> -> memref<1x128x64xf32, #tpu.memory_space<vmem>>
        %dma_start3A_365 = tpu.memref_squeeze %dma_start3A_364 : memref<1x128x64xf32, #tpu.memory_space<vmem>> -> memref<128x64xf32, #tpu.memory_space<vmem>>
        %dma_start3A_366 = arith.constant 0 : i32
        %dma_start3A_367 = tpu.memref_slice %arg5[%add3A_220, %dma_start3A_366] : memref<200x128xi32, #tpu.memory_space<vmem>> -> memref<1x128xi32, #tpu.memory_space<vmem>>
        %dma_start3A_368 = tpu.memref_squeeze %dma_start3A_367 : memref<1x128xi32, #tpu.memory_space<vmem>> -> memref<128xi32, #tpu.memory_space<vmem>>
        %dma_start3A_369 = arith.constant 0 : i32
        %dma_start3A_370 = arith.constant 0 : i32
        %dma_start3A_371 = tpu.memref_slice %arg2[%dma_start3A_369, %dma_start3A_370] : memref<1000000x64xf32, #tpu.memory_space<hbm>> -> memref<1000000x64xf32, #tpu.memory_space<hbm>>
        tpu.enqueue_indirect_dma source(%dma_start3A_371 : memref<1000000x64xf32, #tpu.memory_space<hbm>>) target(%dma_start3A_365 : memref<128x64xf32, #tpu.memory_space<vmem>>) offsets(%dma_start3A_368 : memref<128xi32, #tpu.memory_space<vmem>>) semaphore(%arg7 : memref<!tpu.dma_semaphore, #tpu.memory_space<semaphore_mem>>)
      } else {
      }
      %dma_wait3A_234 = arith.constant 2 : i32
      %dma_wait3A_235 = arith.constant 0 : i32
      %dma_wait3A_236 = arith.constant 0 : i32
      %dma_wait3A_237 = tpu.memref_slice %arg6[%dma_wait3A_234, %dma_wait3A_235, %dma_wait3A_236] : memref<5x128x64xf32, #tpu.memory_space<vmem>> -> memref<1x128x64xf32, #tpu.memory_space<vmem>>
      %dma_wait3A_238 = tpu.memref_squeeze %dma_wait3A_237 : memref<1x128x64xf32, #tpu.memory_space<vmem>> -> memref<128x64xf32, #tpu.memory_space<vmem>>
      %dma_wait3A_239 = arith.constant 0 : i32
      %dma_wait3A_240 = tpu.memref_slice %arg5[%add3A_218, %dma_wait3A_239] : memref<200x128xi32, #tpu.memory_space<vmem>> -> memref<1x128xi32, #tpu.memory_space<vmem>>
      %dma_wait3A_241 = tpu.memref_squeeze %dma_wait3A_240 : memref<1x128xi32, #tpu.memory_space<vmem>> -> memref<128xi32, #tpu.memory_space<vmem>>
      %dma_wait3A_242 = arith.constant 0 : i32
      %dma_wait3A_243 = arith.constant 0 : i32
      %dma_wait3A_244 = tpu.memref_slice %arg2[%dma_wait3A_242, %dma_wait3A_243] : memref<1000000x64xf32, #tpu.memory_space<hbm>> -> memref<1000000x64xf32, #tpu.memory_space<hbm>>
      tpu.wait_indirect_dma semaphore(%arg9 : memref<!tpu.dma_semaphore, #tpu.memory_space<semaphore_mem>>) src(%dma_wait3A_244 : memref<1000000x64xf32, #tpu.memory_space<hbm>>) dst(%dma_wait3A_238 : memref<128x64xf32, #tpu.memory_space<vmem>>)
      %scan3A_245 = arith.constant 0 : i32
      %scan3A_246 = arith.constant 128 : i32
      %scan3A_247 = arith.addi %scan3A_245, %scan3A_246 : i32
      %scan3A_248 = arith.constant 4 : i32
      scf.for %scan3A_361 = %scan3A_245 to %scan3A_247 step %scan3A_248  : i32 {
        %mul3A_362 = arith.constant 1 : i32
        %mul3A_363 = arith.muli %scan3A_361, %mul3A_362 : i32
        %add3A_364 = arith.constant 0 : i32
        %add3A_365 = arith.addi %add3A_364, %mul3A_363 : i32
        %get3A = arith.constant 2 : i32
        %get3A_366 = arith.index_cast %get3A : i32 to index
        %get3A_367 = arith.index_cast %add3A_365 : i32 to index
        %get3A_368 = arith.constant 0 : index
        %get3A_369 = tpu.vector_load %arg6[%get3A_366, %get3A_367, %get3A_368] {strides = array<i32>} : memref<5x128x64xf32, #tpu.memory_space<vmem>>, vector<1x1x16xf32>,
        %get3A_370 = vector.shape_cast %get3A_369 : vector<1x1x16xf32> to vector<16xf32>
        %mul3A_371 = arith.constant 8.000000e+00 : f32
        %mul3A_372 = vector.broadcast %mul3A_371 : f32 to vector<16xf32>
        %mul3A_373 = arith.mulf %get3A_370, %mul3A_372 : vector<16xf32>
        %swap3A = arith.constant 2 : i32
        %swap3A_374 = arith.index_cast %swap3A : i32 to index
        %swap3A_375 = arith.index_cast %add3A_365 : i32 to index
        %swap3A_376 = arith.constant 0 : index
        %swap3A_377 = tpu.vector_load %arg6[%swap3A_374, %swap3A_375, %swap3A_376] {strides = array<i32>} : memref<5x128x64xf32, #tpu.memory_space<vmem>>, vector<1x1x16xf32>,
        %swap3A_378 = vector.shape_cast %swap3A_377 : vector<1x1x16xf32> to vector<16xf32>
        %swap3A_379 = vector.shape_cast %mul3A_373 : vector<16xf32> to vector<1x1x16xf32>
        tpu.vector_store %arg6[%swap3A_374, %swap3A_375, %swap3A_376], %swap3A_379 {strides = array<i32>} : memref<5x128x64xf32, #tpu.memory_space<vmem>>, vector<1x1x16xf32>,
        %get3A_380 = arith.constant 2 : i32
        %get3A_381 = arith.index_cast %get3A_380 : i32 to index
        %get3A_382 = arith.index_cast %add3A_365 : i32 to index
        %get3A_383 = arith.constant 16 : index
        %get3A_384 = tpu.vector_load %arg6[%get3A_381, %get3A_382, %get3A_383] {strides = array<i32>} : memref<5x128x64xf32, #tpu.memory_space<vmem>>, vector<1x1x16xf32>,
        %get3A_385 = vector.shape_cast %get3A_384 : vector<1x1x16xf32> to vector<16xf32>
        %mul3A_386 = arith.constant 8.000000e+00 : f32
        %mul3A_387 = vector.broadcast %mul3A_386 : f32 to vector<16xf32>
        %mul3A_388 = arith.mulf %get3A_385, %mul3A_387 : vector<16xf32>
        %swap3A_389 = arith.constant 2 : i32
        %swap3A_390 = arith.index_cast %swap3A_389 : i32 to index
        %swap3A_391 = arith.index_cast %add3A_365 : i32 to index
        %swap3A_392 = arith.constant 16 : index
        %swap3A_393 = tpu.vector_load %arg6[%swap3A_390, %swap3A_391, %swap3A_392] {strides = array<i32>} : memref<5x128x64xf32, #tpu.memory_space<vmem>>, vector<1x1x16xf32>,
        %swap3A_394 = vector.shape_cast %swap3A_393 : vector<1x1x16xf32> to vector<16xf32>
        %swap3A_395 = vector.shape_cast %mul3A_388 : vector<16xf32> to vector<1x1x16xf32>
        tpu.vector_store %arg6[%swap3A_390, %swap3A_391, %swap3A_392], %swap3A_395 {strides = array<i32>} : memref<5x128x64xf32, #tpu.memory_space<vmem>>, vector<1x1x16xf32>,
        %get3A_396 = arith.constant 2 : i32
        %get3A_397 = arith.index_cast %get3A_396 : i32 to index
        %get3A_398 = arith.index_cast %add3A_365 : i32 to index
        %get3A_399 = arith.constant 32 : index
        %get3A_400 = tpu.vector_load %arg6[%get3A_397, %get3A_398, %get3A_399] {strides = array<i32>} : memref<5x128x64xf32, #tpu.memory_space<vmem>>, vector<1x1x16xf32>,
        %get3A_401 = vector.shape_cast %get3A_400 : vector<1x1x16xf32> to vector<16xf32>
        %mul3A_402 = arith.constant 8.000000e+00 : f32
        %mul3A_403 = vector.broadcast %mul3A_402 : f32 to vector<16xf32>
        %mul3A_404 = arith.mulf %get3A_401, %mul3A_403 : vector<16xf32>
        %swap3A_405 = arith.constant 2 : i32
        %swap3A_406 = arith.index_cast %swap3A_405 : i32 to index
        %swap3A_407 = arith.index_cast %add3A_365 : i32 to index
        %swap3A_408 = arith.constant 32 : index
        %swap3A_409 = tpu.vector_load %arg6[%swap3A_406, %swap3A_407, %swap3A_408] {strides = array<i32>} : memref<5x128x64xf32, #tpu.memory_space<vmem>>, vector<1x1x16xf32>,
        %swap3A_410 = vector.shape_cast %swap3A_409 : vector<1x1x16xf32> to vector<16xf32>
        %swap3A_411 = vector.shape_cast %mul3A_404 : vector<16xf32> to vector<1x1x16xf32>
        tpu.vector_store %arg6[%swap3A_406, %swap3A_407, %swap3A_408], %swap3A_411 {strides = array<i32>} : memref<5x128x64xf32, #tpu.memory_space<vmem>>, vector<1x1x16xf32>,
        %get3A_412 = arith.constant 2 : i32
        %get3A_413 = arith.index_cast %get3A_412 : i32 to index
        %get3A_414 = arith.index_cast %add3A_365 : i32 to index
        %get3A_415 = arith.constant 48 : index
        %get3A_416 = tpu.vector_load %arg6[%get3A_413, %get3A_414, %get3A_415] {strides = array<i32>} : memref<5x128x64xf32, #tpu.memory_space<vmem>>, vector<1x1x16xf32>,
        %get3A_417 = vector.shape_cast %get3A_416 : vector<1x1x16xf32> to vector<16xf32>
        %mul3A_418 = arith.constant 8.000000e+00 : f32
        %mul3A_419 = vector.broadcast %mul3A_418 : f32 to vector<16xf32>
        %mul3A_420 = arith.mulf %get3A_417, %mul3A_419 : vector<16xf32>
        %swap3A_421 = arith.constant 2 : i32
        %swap3A_422 = arith.index_cast %swap3A_421 : i32 to index
        %swap3A_423 = arith.index_cast %add3A_365 : i32 to index
        %swap3A_424 = arith.constant 48 : index
        %swap3A_425 = tpu.vector_load %arg6[%swap3A_422, %swap3A_423, %swap3A_424] {strides = array<i32>} : memref<5x128x64xf32, #tpu.memory_space<vmem>>, vector<1x1x16xf32>,
        %swap3A_426 = vector.shape_cast %swap3A_425 : vector<1x1x16xf32> to vector<16xf32>
        %swap3A_427 = vector.shape_cast %mul3A_420 : vector<16xf32> to vector<1x1x16xf32>
        tpu.vector_store %arg6[%swap3A_422, %swap3A_423, %swap3A_424], %swap3A_427 {strides = array<i32>} : memref<5x128x64xf32, #tpu.memory_space<vmem>>, vector<1x1x16xf32>,
        %scan3A_428 = arith.constant 1 : i32
        %scan3A_429 = arith.addi %scan3A_361, %scan3A_428 : i32
        %mul3A_430 = arith.constant 1 : i32
        %mul3A_431 = arith.muli %scan3A_429, %mul3A_430 : i32
        %add3A_432 = arith.constant 0 : i32
        %add3A_433 = arith.addi %add3A_432, %mul3A_431 : i32
        %get3A_434 = arith.constant 2 : i32
        %get3A_435 = arith.index_cast %get3A_434 : i32 to index
        %get3A_436 = arith.index_cast %add3A_433 : i32 to index
        %get3A_437 = arith.constant 0 : index
        %get3A_438 = tpu.vector_load %arg6[%get3A_435, %get3A_436, %get3A_437] {strides = array<i32>} : memref<5x128x64xf32, #tpu.memory_space<vmem>>, vector<1x1x16xf32>,
        %get3A_439 = vector.shape_cast %get3A_438 : vector<1x1x16xf32> to vector<16xf32>
        %mul3A_440 = arith.constant 8.000000e+00 : f32
        %mul3A_441 = vector.broadcast %mul3A_440 : f32 to vector<16xf32>
        %mul3A_442 = arith.mulf %get3A_439, %mul3A_441 : vector<16xf32>
        %swap3A_443 = arith.constant 2 : i32
        %swap3A_444 = arith.index_cast %swap3A_443 : i32 to index
        %swap3A_445 = arith.index_cast %add3A_433 : i32 to index
        %swap3A_446 = arith.constant 0 : index
        %swap3A_447 = tpu.vector_load %arg6[%swap3A_444, %swap3A_445, %swap3A_446] {strides = array<i32>} : memref<5x128x64xf32, #tpu.memory_space<vmem>>, vector<1x1x16xf32>,
        %swap3A_448 = vector.shape_cast %swap3A_447 : vector<1x1x16xf32> to vector<16xf32>
        %swap3A_449 = vector.shape_cast %mul3A_442 : vector<16xf32> to vector<1x1x16xf32>
        tpu.vector_store %arg6[%swap3A_444, %swap3A_445, %swap3A_446], %swap3A_449 {strides = array<i32>} : memref<5x128x64xf32, #tpu.memory_space<vmem>>, vector<1x1x16xf32>,
        %get3A_450 = arith.constant 2 : i32
        %get3A_451 = arith.index_cast %get3A_450 : i32 to index
        %get3A_452 = arith.index_cast %add3A_433 : i32 to index
        %get3A_453 = arith.constant 16 : index
        %get3A_454 = tpu.vector_load %arg6[%get3A_451, %get3A_452, %get3A_453] {strides = array<i32>} : memref<5x128x64xf32, #tpu.memory_space<vmem>>, vector<1x1x16xf32>,
        %get3A_455 = vector.shape_cast %get3A_454 : vector<1x1x16xf32> to vector<16xf32>
        %mul3A_456 = arith.constant 8.000000e+00 : f32
        %mul3A_457 = vector.broadcast %mul3A_456 : f32 to vector<16xf32>
        %mul3A_458 = arith.mulf %get3A_455, %mul3A_457 : vector<16xf32>
        %swap3A_459 = arith.constant 2 : i32
        %swap3A_460 = arith.index_cast %swap3A_459 : i32 to index
        %swap3A_461 = arith.index_cast %add3A_433 : i32 to index
        %swap3A_462 = arith.constant 16 : index
        %swap3A_463 = tpu.vector_load %arg6[%swap3A_460, %swap3A_461, %swap3A_462] {strides = array<i32>} : memref<5x128x64xf32, #tpu.memory_space<vmem>>, vector<1x1x16xf32>,
        %swap3A_464 = vector.shape_cast %swap3A_463 : vector<1x1x16xf32> to vector<16xf32>
        %swap3A_465 = vector.shape_cast %mul3A_458 : vector<16xf32> to vector<1x1x16xf32>
        tpu.vector_store %arg6[%swap3A_460, %swap3A_461, %swap3A_462], %swap3A_465 {strides = array<i32>} : memref<5x128x64xf32, #tpu.memory_space<vmem>>, vector<1x1x16xf32>,
        %get3A_466 = arith.constant 2 : i32
        %get3A_467 = arith.index_cast %get3A_466 : i32 to index
        %get3A_468 = arith.index_cast %add3A_433 : i32 to index
        %get3A_469 = arith.constant 32 : index
        %get3A_470 = tpu.vector_load %arg6[%get3A_467, %get3A_468, %get3A_469] {strides = array<i32>} : memref<5x128x64xf32, #tpu.memory_space<vmem>>, vector<1x1x16xf32>,
        %get3A_471 = vector.shape_cast %get3A_470 : vector<1x1x16xf32> to vector<16xf32>
        %mul3A_472 = arith.constant 8.000000e+00 : f32
        %mul3A_473 = vector.broadcast %mul3A_472 : f32 to vector<16xf32>
        %mul3A_474 = arith.mulf %get3A_471, %mul3A_473 : vector<16xf32>
        %swap3A_475 = arith.constant 2 : i32
        %swap3A_476 = arith.index_cast %swap3A_475 : i32 to index
        %swap3A_477 = arith.index_cast %add3A_433 : i32 to index
        %swap3A_478 = arith.constant 32 : index
        %swap3A_479 = tpu.vector_load %arg6[%swap3A_476, %swap3A_477, %swap3A_478] {strides = array<i32>} : memref<5x128x64xf32, #tpu.memory_space<vmem>>, vector<1x1x16xf32>,
        %swap3A_480 = vector.shape_cast %swap3A_479 : vector<1x1x16xf32> to vector<16xf32>
        %swap3A_481 = vector.shape_cast %mul3A_474 : vector<16xf32> to vector<1x1x16xf32>
        tpu.vector_store %arg6[%swap3A_476, %swap3A_477, %swap3A_478], %swap3A_481 {strides = array<i32>} : memref<5x128x64xf32, #tpu.memory_space<vmem>>, vector<1x1x16xf32>,
        %get3A_482 = arith.constant 2 : i32
        %get3A_483 = arith.index_cast %get3A_482 : i32 to index
        %get3A_484 = arith.index_cast %add3A_433 : i32 to index
        %get3A_485 = arith.constant 48 : index
        %get3A_486 = tpu.vector_load %arg6[%get3A_483, %get3A_484, %get3A_485] {strides = array<i32>} : memref<5x128x64xf32, #tpu.memory_space<vmem>>, vector<1x1x16xf32>,
        %get3A_487 = vector.shape_cast %get3A_486 : vector<1x1x16xf32> to vector<16xf32>
        %mul3A_488 = arith.constant 8.000000e+00 : f32
        %mul3A_489 = vector.broadcast %mul3A_488 : f32 to vector<16xf32>
        %mul3A_490 = arith.mulf %get3A_487, %mul3A_489 : vector<16xf32>
        %swap3A_491 = arith.constant 2 : i32
        %swap3A_492 = arith.index_cast %swap3A_491 : i32 to index
        %swap3A_493 = arith.index_cast %add3A_433 : i32 to index
        %swap3A_494 = arith.constant 48 : index
        %swap3A_495 = tpu.vector_load %arg6[%swap3A_492, %swap3A_493, %swap3A_494] {strides = array<i32>} : memref<5x128x64xf32, #tpu.memory_space<vmem>>, vector<1x1x16xf32>,
        %swap3A_496 = vector.shape_cast %swap3A_495 : vector<1x1x16xf32> to vector<16xf32>
        %swap3A_497 = vector.shape_cast %mul3A_490 : vector<16xf32> to vector<1x1x16xf32>
        tpu.vector_store %arg6[%swap3A_492, %swap3A_493, %swap3A_494], %swap3A_497 {strides = array<i32>} : memref<5x128x64xf32, #tpu.memory_space<vmem>>, vector<1x1x16xf32>,
        %scan3A_498 = arith.constant 2 : i32
        %scan3A_499 = arith.addi %scan3A_361, %scan3A_498 : i32
        %mul3A_500 = arith.constant 1 : i32
        %mul3A_501 = arith.muli %scan3A_499, %mul3A_500 : i32
        %add3A_502 = arith.constant 0 : i32
        %add3A_503 = arith.addi %add3A_502, %mul3A_501 : i32
        %get3A_504 = arith.constant 2 : i32
        %get3A_505 = arith.index_cast %get3A_504 : i32 to index
        %get3A_506 = arith.index_cast %add3A_503 : i32 to index
        %get3A_507 = arith.constant 0 : index
        %get3A_508 = tpu.vector_load %arg6[%get3A_505, %get3A_506, %get3A_507] {strides = array<i32>} : memref<5x128x64xf32, #tpu.memory_space<vmem>>, vector<1x1x16xf32>,
        %get3A_509 = vector.shape_cast %get3A_508 : vector<1x1x16xf32> to vector<16xf32>
        %mul3A_510 = arith.constant 8.000000e+00 : f32
        %mul3A_511 = vector.broadcast %mul3A_510 : f32 to vector<16xf32>
        %mul3A_512 = arith.mulf %get3A_509, %mul3A_511 : vector<16xf32>
        %swap3A_513 = arith.constant 2 : i32
        %swap3A_514 = arith.index_cast %swap3A_513 : i32 to index
        %swap3A_515 = arith.index_cast %add3A_503 : i32 to index
        %swap3A_516 = arith.constant 0 : index
        %swap3A_517 = tpu.vector_load %arg6[%swap3A_514, %swap3A_515, %swap3A_516] {strides = array<i32>} : memref<5x128x64xf32, #tpu.memory_space<vmem>>, vector<1x1x16xf32>,
        %swap3A_518 = vector.shape_cast %swap3A_517 : vector<1x1x16xf32> to vector<16xf32>
        %swap3A_519 = vector.shape_cast %mul3A_512 : vector<16xf32> to vector<1x1x16xf32>
        tpu.vector_store %arg6[%swap3A_514, %swap3A_515, %swap3A_516], %swap3A_519 {strides = array<i32>} : memref<5x128x64xf32, #tpu.memory_space<vmem>>, vector<1x1x16xf32>,
        %get3A_520 = arith.constant 2 : i32
        %get3A_521 = arith.index_cast %get3A_520 : i32 to index
        %get3A_522 = arith.index_cast %add3A_503 : i32 to index
        %get3A_523 = arith.constant 16 : index
        %get3A_524 = tpu.vector_load %arg6[%get3A_521, %get3A_522, %get3A_523] {strides = array<i32>} : memref<5x128x64xf32, #tpu.memory_space<vmem>>, vector<1x1x16xf32>,
        %get3A_525 = vector.shape_cast %get3A_524 : vector<1x1x16xf32> to vector<16xf32>
        %mul3A_526 = arith.constant 8.000000e+00 : f32
        %mul3A_527 = vector.broadcast %mul3A_526 : f32 to vector<16xf32>
        %mul3A_528 = arith.mulf %get3A_525, %mul3A_527 : vector<16xf32>
        %swap3A_529 = arith.constant 2 : i32
        %swap3A_530 = arith.index_cast %swap3A_529 : i32 to index
        %swap3A_531 = arith.index_cast %add3A_503 : i32 to index
        %swap3A_532 = arith.constant 16 : index
        %swap3A_533 = tpu.vector_load %arg6[%swap3A_530, %swap3A_531, %swap3A_532] {strides = array<i32>} : memref<5x128x64xf32, #tpu.memory_space<vmem>>, vector<1x1x16xf32>,
        %swap3A_534 = vector.shape_cast %swap3A_533 : vector<1x1x16xf32> to vector<16xf32>
        %swap3A_535 = vector.shape_cast %mul3A_528 : vector<16xf32> to vector<1x1x16xf32>
        tpu.vector_store %arg6[%swap3A_530, %swap3A_531, %swap3A_532], %swap3A_535 {strides = array<i32>} : memref<5x128x64xf32, #tpu.memory_space<vmem>>, vector<1x1x16xf32>,
        %get3A_536 = arith.constant 2 : i32
        %get3A_537 = arith.index_cast %get3A_536 : i32 to index
        %get3A_538 = arith.index_cast %add3A_503 : i32 to index
        %get3A_539 = arith.constant 32 : index
        %get3A_540 = tpu.vector_load %arg6[%get3A_537, %get3A_538, %get3A_539] {strides = array<i32>} : memref<5x128x64xf32, #tpu.memory_space<vmem>>, vector<1x1x16xf32>,
        %get3A_541 = vector.shape_cast %get3A_540 : vector<1x1x16xf32> to vector<16xf32>
        %mul3A_542 = arith.constant 8.000000e+00 : f32
        %mul3A_543 = vector.broadcast %mul3A_542 : f32 to vector<16xf32>
        %mul3A_544 = arith.mulf %get3A_541, %mul3A_543 : vector<16xf32>
        %swap3A_545 = arith.constant 2 : i32
        %swap3A_546 = arith.index_cast %swap3A_545 : i32 to index
        %swap3A_547 = arith.index_cast %add3A_503 : i32 to index
        %swap3A_548 = arith.constant 32 : index
        %swap3A_549 = tpu.vector_load %arg6[%swap3A_546, %swap3A_547, %swap3A_548] {strides = array<i32>} : memref<5x128x64xf32, #tpu.memory_space<vmem>>, vector<1x1x16xf32>,
        %swap3A_550 = vector.shape_cast %swap3A_549 : vector<1x1x16xf32> to vector<16xf32>
        %swap3A_551 = vector.shape_cast %mul3A_544 : vector<16xf32> to vector<1x1x16xf32>
        tpu.vector_store %arg6[%swap3A_546, %swap3A_547, %swap3A_548], %swap3A_551 {strides = array<i32>} : memref<5x128x64xf32, #tpu.memory_space<vmem>>, vector<1x1x16xf32>,
        %get3A_552 = arith.constant 2 : i32
        %get3A_553 = arith.index_cast %get3A_552 : i32 to index
        %get3A_554 = arith.index_cast %add3A_503 : i32 to index
        %get3A_555 = arith.constant 48 : index
        %get3A_556 = tpu.vector_load %arg6[%get3A_553, %get3A_554, %get3A_555] {strides = array<i32>} : memref<5x128x64xf32, #tpu.memory_space<vmem>>, vector<1x1x16xf32>,
        %get3A_557 = vector.shape_cast %get3A_556 : vector<1x1x16xf32> to vector<16xf32>
        %mul3A_558 = arith.constant 8.000000e+00 : f32
        %mul3A_559 = vector.broadcast %mul3A_558 : f32 to vector<16xf32>
        %mul3A_560 = arith.mulf %get3A_557, %mul3A_559 : vector<16xf32>
        %swap3A_561 = arith.constant 2 : i32
        %swap3A_562 = arith.index_cast %swap3A_561 : i32 to index
        %swap3A_563 = arith.index_cast %add3A_503 : i32 to index
        %swap3A_564 = arith.constant 48 : index
        %swap3A_565 = tpu.vector_load %arg6[%swap3A_562, %swap3A_563, %swap3A_564] {strides = array<i32>} : memref<5x128x64xf32, #tpu.memory_space<vmem>>, vector<1x1x16xf32>,
        %swap3A_566 = vector.shape_cast %swap3A_565 : vector<1x1x16xf32> to vector<16xf32>
        %swap3A_567 = vector.shape_cast %mul3A_560 : vector<16xf32> to vector<1x1x16xf32>
        tpu.vector_store %arg6[%swap3A_562, %swap3A_563, %swap3A_564], %swap3A_567 {strides = array<i32>} : memref<5x128x64xf32, #tpu.memory_space<vmem>>, vector<1x1x16xf32>,
        %scan3A_568 = arith.constant 3 : i32
        %scan3A_569 = arith.addi %scan3A_361, %scan3A_568 : i32
        %mul3A_570 = arith.constant 1 : i32
        %mul3A_571 = arith.muli %scan3A_569, %mul3A_570 : i32
        %add3A_572 = arith.constant 0 : i32
        %add3A_573 = arith.addi %add3A_572, %mul3A_571 : i32
        %get3A_574 = arith.constant 2 : i32
        %get3A_575 = arith.index_cast %get3A_574 : i32 to index
        %get3A_576 = arith.index_cast %add3A_573 : i32 to index
        %get3A_577 = arith.constant 0 : index
        %get3A_578 = tpu.vector_load %arg6[%get3A_575, %get3A_576, %get3A_577] {strides = array<i32>} : memref<5x128x64xf32, #tpu.memory_space<vmem>>, vector<1x1x16xf32>,
        %get3A_579 = vector.shape_cast %get3A_578 : vector<1x1x16xf32> to vector<16xf32>
        %mul3A_580 = arith.constant 8.000000e+00 : f32
        %mul3A_581 = vector.broadcast %mul3A_580 : f32 to vector<16xf32>
        %mul3A_582 = arith.mulf %get3A_579, %mul3A_581 : vector<16xf32>
        %swap3A_583 = arith.constant 2 : i32
        %swap3A_584 = arith.index_cast %swap3A_583 : i32 to index
        %swap3A_585 = arith.index_cast %add3A_573 : i32 to index
        %swap3A_586 = arith.constant 0 : index
        %swap3A_587 = tpu.vector_load %arg6[%swap3A_584, %swap3A_585, %swap3A_586] {strides = array<i32>} : memref<5x128x64xf32, #tpu.memory_space<vmem>>, vector<1x1x16xf32>,
        %swap3A_588 = vector.shape_cast %swap3A_587 : vector<1x1x16xf32> to vector<16xf32>
        %swap3A_589 = vector.shape_cast %mul3A_582 : vector<16xf32> to vector<1x1x16xf32>
        tpu.vector_store %arg6[%swap3A_584, %swap3A_585, %swap3A_586], %swap3A_589 {strides = array<i32>} : memref<5x128x64xf32, #tpu.memory_space<vmem>>, vector<1x1x16xf32>,
        %get3A_590 = arith.constant 2 : i32
        %get3A_591 = arith.index_cast %get3A_590 : i32 to index
        %get3A_592 = arith.index_cast %add3A_573 : i32 to index
        %get3A_593 = arith.constant 16 : index
        %get3A_594 = tpu.vector_load %arg6[%get3A_591, %get3A_592, %get3A_593] {strides = array<i32>} : memref<5x128x64xf32, #tpu.memory_space<vmem>>, vector<1x1x16xf32>,
        %get3A_595 = vector.shape_cast %get3A_594 : vector<1x1x16xf32> to vector<16xf32>
        %mul3A_596 = arith.constant 8.000000e+00 : f32
        %mul3A_597 = vector.broadcast %mul3A_596 : f32 to vector<16xf32>
        %mul3A_598 = arith.mulf %get3A_595, %mul3A_597 : vector<16xf32>
        %swap3A_599 = arith.constant 2 : i32
        %swap3A_600 = arith.index_cast %swap3A_599 : i32 to index
        %swap3A_601 = arith.index_cast %add3A_573 : i32 to index
        %swap3A_602 = arith.constant 16 : index
        %swap3A_603 = tpu.vector_load %arg6[%swap3A_600, %swap3A_601, %swap3A_602] {strides = array<i32>} : memref<5x128x64xf32, #tpu.memory_space<vmem>>, vector<1x1x16xf32>,
        %swap3A_604 = vector.shape_cast %swap3A_603 : vector<1x1x16xf32> to vector<16xf32>
        %swap3A_605 = vector.shape_cast %mul3A_598 : vector<16xf32> to vector<1x1x16xf32>
        tpu.vector_store %arg6[%swap3A_600, %swap3A_601, %swap3A_602], %swap3A_605 {strides = array<i32>} : memref<5x128x64xf32, #tpu.memory_space<vmem>>, vector<1x1x16xf32>,
        %get3A_606 = arith.constant 2 : i32
        %get3A_607 = arith.index_cast %get3A_606 : i32 to index
        %get3A_608 = arith.index_cast %add3A_573 : i32 to index
        %get3A_609 = arith.constant 32 : index
        %get3A_610 = tpu.vector_load %arg6[%get3A_607, %get3A_608, %get3A_609] {strides = array<i32>} : memref<5x128x64xf32, #tpu.memory_space<vmem>>, vector<1x1x16xf32>,
        %get3A_611 = vector.shape_cast %get3A_610 : vector<1x1x16xf32> to vector<16xf32>
        %mul3A_612 = arith.constant 8.000000e+00 : f32
        %mul3A_613 = vector.broadcast %mul3A_612 : f32 to vector<16xf32>
        %mul3A_614 = arith.mulf %get3A_611, %mul3A_613 : vector<16xf32>
        %swap3A_615 = arith.constant 2 : i32
        %swap3A_616 = arith.index_cast %swap3A_615 : i32 to index
        %swap3A_617 = arith.index_cast %add3A_573 : i32 to index
        %swap3A_618 = arith.constant 32 : index
        %swap3A_619 = tpu.vector_load %arg6[%swap3A_616, %swap3A_617, %swap3A_618] {strides = array<i32>} : memref<5x128x64xf32, #tpu.memory_space<vmem>>, vector<1x1x16xf32>,
        %swap3A_620 = vector.shape_cast %swap3A_619 : vector<1x1x16xf32> to vector<16xf32>
        %swap3A_621 = vector.shape_cast %mul3A_614 : vector<16xf32> to vector<1x1x16xf32>
        tpu.vector_store %arg6[%swap3A_616, %swap3A_617, %swap3A_618], %swap3A_621 {strides = array<i32>} : memref<5x128x64xf32, #tpu.memory_space<vmem>>, vector<1x1x16xf32>,
        %get3A_622 = arith.constant 2 : i32
        %get3A_623 = arith.index_cast %get3A_622 : i32 to index
        %get3A_624 = arith.index_cast %add3A_573 : i32 to index
        %get3A_625 = arith.constant 48 : index
        %get3A_626 = tpu.vector_load %arg6[%get3A_623, %get3A_624, %get3A_625] {strides = array<i32>} : memref<5x128x64xf32, #tpu.memory_space<vmem>>, vector<1x1x16xf32>,
        %get3A_627 = vector.shape_cast %get3A_626 : vector<1x1x16xf32> to vector<16xf32>
        %mul3A_628 = arith.constant 8.000000e+00 : f32
        %mul3A_629 = vector.broadcast %mul3A_628 : f32 to vector<16xf32>
        %mul3A_630 = arith.mulf %get3A_627, %mul3A_629 : vector<16xf32>
        %swap3A_631 = arith.constant 2 : i32
        %swap3A_632 = arith.index_cast %swap3A_631 : i32 to index
        %swap3A_633 = arith.index_cast %add3A_573 : i32 to index
        %swap3A_634 = arith.constant 48 : index
        %swap3A_635 = tpu.vector_load %arg6[%swap3A_632, %swap3A_633, %swap3A_634] {strides = array<i32>} : memref<5x128x64xf32, #tpu.memory_space<vmem>>, vector<1x1x16xf32>,
        %swap3A_636 = vector.shape_cast %swap3A_635 : vector<1x1x16xf32> to vector<16xf32>
        %swap3A_637 = vector.shape_cast %mul3A_630 : vector<16xf32> to vector<1x1x16xf32>
        tpu.vector_store %arg6[%swap3A_632, %swap3A_633, %swap3A_634], %swap3A_637 {strides = array<i32>} : memref<5x128x64xf32, #tpu.memory_space<vmem>>, vector<1x1x16xf32>,
      }
      %scan3A_249 = arith.constant 128 : i32
      %add3A_250 = arith.addi %mul3A_2, %add3A_218 : i32
      %dma_start3A_251 = arith.constant 2 : i32
      %dma_start3A_252 = arith.constant 0 : i32
      %dma_start3A_253 = arith.constant 0 : i32
      %dma_start3A_254 = tpu.memref_slice %arg6[%dma_start3A_251, %dma_start3A_252, %dma_start3A_253] : memref<5x128x64xf32, #tpu.memory_space<vmem>> -> memref<1x128x64xf32, #tpu.memory_space<vmem>>
      %dma_start3A_255 = arith.constant 0 : i32
      %dma_start3A_256 = arith.constant 0 : i32
      %dma_start3A_257 = tpu.memref_slice %arg4[%add3A_250, %dma_start3A_255, %dma_start3A_256] : memref<6400x128x64xf32, #tpu.memory_space<hbm>> -> memref<1x128x64xf32, #tpu.memory_space<hbm>>
      %dma_start3A_258 = arith.constant 0 : i32
      %dma_start3A_259 = arith.constant 0 : i32
      %dma_start3A_260 = tpu.memref_slice %arg4[%add3A_250, %dma_start3A_258, %dma_start3A_259] : memref<6400x128x64xf32, #tpu.memory_space<hbm>> -> memref<1x128x64xf32, #tpu.memory_space<hbm>>
      %dma_start3A_261 = arith.constant 2 : i32
      %dma_start3A_262 = arith.constant 0 : i32
      %dma_start3A_263 = arith.constant 0 : i32
      %dma_start3A_264 = tpu.memref_slice %arg6[%dma_start3A_261, %dma_start3A_262, %dma_start3A_263] : memref<5x128x64xf32, #tpu.memory_space<vmem>> -> memref<1x128x64xf32, #tpu.memory_space<vmem>>
      tpu.enqueue_dma source(%dma_start3A_264 : memref<1x128x64xf32, #tpu.memory_space<vmem>>) target(%dma_start3A_260 : memref<1x128x64xf32, #tpu.memory_space<hbm>>) target_semaphore(%arg14 : memref<!tpu.dma_semaphore, #tpu.memory_space<semaphore_mem>>)
      %add3A_265 = arith.constant 3 : i32
      %add3A_266 = arith.addi %add3A_125, %add3A_265 : i32
      %add3A_267 = arith.constant 3 : i32
      %add3A_268 = arith.addi %add3A_266, %add3A_267 : i32
      %lt3A_269 = arith.constant 200 : i32
      %lt3A_270 = arith.cmpi slt, %add3A_268, %lt3A_269 : i32
      %ge3A_271 = arith.constant 5 : i32
      %ge3A_272 = arith.cmpi sge, %add3A_268, %ge3A_271 : i32
      %and3A_273 = arith.andi %lt3A_270, %ge3A_272 : i1
      %convert_element_type3A_274 = arith.extui %and3A_273 : i1 to i32
      %cond3A_275 = arith.constant 0 : i32
      %cond3A_276 = arith.cmpi ne, %convert_element_type3A_274, %cond3A_275 : i32
      scf.if %cond3A_276 {
        %sub3A = arith.constant 5 : i32
        %sub3A_361 = arith.subi %add3A_268, %sub3A : i32
        %add3A_362 = arith.addi %mul3A_2, %sub3A_361 : i32
        %dma_wait3A_363 = arith.constant 1 : i32
        %dma_wait3A_364 = arith.constant 0 : i32
        %dma_wait3A_365 = arith.constant 0 : i32
        %dma_wait3A_366 = tpu.memref_slice %arg6[%dma_wait3A_363, %dma_wait3A_364, %dma_wait3A_365] : memref<5x128x64xf32, #tpu.memory_space<vmem>> -> memref<1x128x64xf32, #tpu.memory_space<vmem>>
        %dma_wait3A_367 = arith.constant 0 : i32
        %dma_wait3A_368 = arith.constant 0 : i32
        %dma_wait3A_369 = tpu.memref_slice %arg4[%add3A_362, %dma_wait3A_367, %dma_wait3A_368] : memref<6400x128x64xf32, #tpu.memory_space<hbm>> -> memref<1x128x64xf32, #tpu.memory_space<hbm>>
        %dma_wait3A_370 = arith.constant 0 : i32
        %dma_wait3A_371 = arith.constant 0 : i32
        %dma_wait3A_372 = tpu.memref_slice %arg4[%add3A_362, %dma_wait3A_370, %dma_wait3A_371] : memref<6400x128x64xf32, #tpu.memory_space<hbm>> -> memref<1x128x64xf32, #tpu.memory_space<hbm>>
        %dma_wait3A_373 = arith.constant 1 : i32
        %dma_wait3A_374 = arith.constant 0 : i32
        %dma_wait3A_375 = arith.constant 0 : i32
        %dma_wait3A_376 = tpu.memref_slice %arg6[%dma_wait3A_373, %dma_wait3A_374, %dma_wait3A_375] : memref<5x128x64xf32, #tpu.memory_space<vmem>> -> memref<1x128x64xf32, #tpu.memory_space<vmem>>
        tpu.wait_dma2 semaphore(%arg13 : memref<!tpu.dma_semaphore, #tpu.memory_space<semaphore_mem>>) src(%dma_wait3A_376 : memref<1x128x64xf32, #tpu.memory_space<vmem>>) dst(%dma_wait3A_372 : memref<1x128x64xf32, #tpu.memory_space<hbm>>)
      } else {
      }
      %lt3A_277 = arith.constant 200 : i32
      %lt3A_278 = arith.cmpi slt, %add3A_268, %lt3A_277 : i32
      %convert_element_type3A_279 = arith.extui %lt3A_278 : i1 to i32
      %cond3A_280 = arith.constant 0 : i32
      %cond3A_281 = arith.cmpi ne, %convert_element_type3A_279, %cond3A_280 : i32
      scf.if %cond3A_281 {
        %dma_start3A_361 = arith.constant 1 : i32
        %dma_start3A_362 = arith.constant 0 : i32
        %dma_start3A_363 = arith.constant 0 : i32
        %dma_start3A_364 = tpu.memref_slice %arg6[%dma_start3A_361, %dma_start3A_362, %dma_start3A_363] : memref<5x128x64xf32, #tpu.memory_space<vmem>> -> memref<1x128x64xf32, #tpu.memory_space<vmem>>
        %dma_start3A_365 = tpu.memref_squeeze %dma_start3A_364 : memref<1x128x64xf32, #tpu.memory_space<vmem>> -> memref<128x64xf32, #tpu.memory_space<vmem>>
        %dma_start3A_366 = arith.constant 0 : i32
        %dma_start3A_367 = tpu.memref_slice %arg5[%add3A_268, %dma_start3A_366] : memref<200x128xi32, #tpu.memory_space<vmem>> -> memref<1x128xi32, #tpu.memory_space<vmem>>
        %dma_start3A_368 = tpu.memref_squeeze %dma_start3A_367 : memref<1x128xi32, #tpu.memory_space<vmem>> -> memref<128xi32, #tpu.memory_space<vmem>>
        %dma_start3A_369 = arith.constant 0 : i32
        %dma_start3A_370 = arith.constant 0 : i32
        %dma_start3A_371 = tpu.memref_slice %arg2[%dma_start3A_369, %dma_start3A_370] : memref<1000000x64xf32, #tpu.memory_space<hbm>> -> memref<1000000x64xf32, #tpu.memory_space<hbm>>
        tpu.enqueue_indirect_dma source(%dma_start3A_371 : memref<1000000x64xf32, #tpu.memory_space<hbm>>) target(%dma_start3A_365 : memref<128x64xf32, #tpu.memory_space<vmem>>) offsets(%dma_start3A_368 : memref<128xi32, #tpu.memory_space<vmem>>) semaphore(%arg8 : memref<!tpu.dma_semaphore, #tpu.memory_space<semaphore_mem>>)
      } else {
      }
      %dma_wait3A_282 = arith.constant 3 : i32
      %dma_wait3A_283 = arith.constant 0 : i32
      %dma_wait3A_284 = arith.constant 0 : i32
      %dma_wait3A_285 = tpu.memref_slice %arg6[%dma_wait3A_282, %dma_wait3A_283, %dma_wait3A_284] : memref<5x128x64xf32, #tpu.memory_space<vmem>> -> memref<1x128x64xf32, #tpu.memory_space<vmem>>
      %dma_wait3A_286 = tpu.memref_squeeze %dma_wait3A_285 : memref<1x128x64xf32, #tpu.memory_space<vmem>> -> memref<128x64xf32, #tpu.memory_space<vmem>>
      %dma_wait3A_287 = arith.constant 0 : i32
      %dma_wait3A_288 = tpu.memref_slice %arg5[%add3A_266, %dma_wait3A_287] : memref<200x128xi32, #tpu.memory_space<vmem>> -> memref<1x128xi32, #tpu.memory_space<vmem>>
      %dma_wait3A_289 = tpu.memref_squeeze %dma_wait3A_288 : memref<1x128xi32, #tpu.memory_space<vmem>> -> memref<128xi32, #tpu.memory_space<vmem>>
      %dma_wait3A_290 = arith.constant 0 : i32
      %dma_wait3A_291 = arith.constant 0 : i32
      %dma_wait3A_292 = tpu.memref_slice %arg2[%dma_wait3A_290, %dma_wait3A_291] : memref<1000000x64xf32, #tpu.memory_space<hbm>> -> memref<1000000x64xf32, #tpu.memory_space<hbm>>
      tpu.wait_indirect_dma semaphore(%arg10 : memref<!tpu.dma_semaphore, #tpu.memory_space<semaphore_mem>>) src(%dma_wait3A_292 : memref<1000000x64xf32, #tpu.memory_space<hbm>>) dst(%dma_wait3A_286 : memref<128x64xf32, #tpu.memory_space<vmem>>)
      %scan3A_293 = arith.constant 0 : i32
      %scan3A_294 = arith.constant 128 : i32
      %scan3A_295 = arith.addi %scan3A_293, %scan3A_294 : i32
      %scan3A_296 = arith.constant 4 : i32
      scf.for %scan3A_361 = %scan3A_293 to %scan3A_295 step %scan3A_296  : i32 {
        %mul3A_362 = arith.constant 1 : i32
        %mul3A_363 = arith.muli %scan3A_361, %mul3A_362 : i32
        %add3A_364 = arith.constant 0 : i32
        %add3A_365 = arith.addi %add3A_364, %mul3A_363 : i32
        %get3A = arith.constant 3 : i32
        %get3A_366 = arith.index_cast %get3A : i32 to index
        %get3A_367 = arith.index_cast %add3A_365 : i32 to index
        %get3A_368 = arith.constant 0 : index
        %get3A_369 = tpu.vector_load %arg6[%get3A_366, %get3A_367, %get3A_368] {strides = array<i32>} : memref<5x128x64xf32, #tpu.memory_space<vmem>>, vector<1x1x16xf32>,
        %get3A_370 = vector.shape_cast %get3A_369 : vector<1x1x16xf32> to vector<16xf32>
        %mul3A_371 = arith.constant 8.000000e+00 : f32
        %mul3A_372 = vector.broadcast %mul3A_371 : f32 to vector<16xf32>
        %mul3A_373 = arith.mulf %get3A_370, %mul3A_372 : vector<16xf32>
        %swap3A = arith.constant 3 : i32
        %swap3A_374 = arith.index_cast %swap3A : i32 to index
        %swap3A_375 = arith.index_cast %add3A_365 : i32 to index
        %swap3A_376 = arith.constant 0 : index
        %swap3A_377 = tpu.vector_load %arg6[%swap3A_374, %swap3A_375, %swap3A_376] {strides = array<i32>} : memref<5x128x64xf32, #tpu.memory_space<vmem>>, vector<1x1x16xf32>,
        %swap3A_378 = vector.shape_cast %swap3A_377 : vector<1x1x16xf32> to vector<16xf32>
        %swap3A_379 = vector.shape_cast %mul3A_373 : vector<16xf32> to vector<1x1x16xf32>
        tpu.vector_store %arg6[%swap3A_374, %swap3A_375, %swap3A_376], %swap3A_379 {strides = array<i32>} : memref<5x128x64xf32, #tpu.memory_space<vmem>>, vector<1x1x16xf32>,
        %get3A_380 = arith.constant 3 : i32
        %get3A_381 = arith.index_cast %get3A_380 : i32 to index
        %get3A_382 = arith.index_cast %add3A_365 : i32 to index
        %get3A_383 = arith.constant 16 : index
        %get3A_384 = tpu.vector_load %arg6[%get3A_381, %get3A_382, %get3A_383] {strides = array<i32>} : memref<5x128x64xf32, #tpu.memory_space<vmem>>, vector<1x1x16xf32>,
        %get3A_385 = vector.shape_cast %get3A_384 : vector<1x1x16xf32> to vector<16xf32>
        %mul3A_386 = arith.constant 8.000000e+00 : f32
        %mul3A_387 = vector.broadcast %mul3A_386 : f32 to vector<16xf32>
        %mul3A_388 = arith.mulf %get3A_385, %mul3A_387 : vector<16xf32>
        %swap3A_389 = arith.constant 3 : i32
        %swap3A_390 = arith.index_cast %swap3A_389 : i32 to index
        %swap3A_391 = arith.index_cast %add3A_365 : i32 to index
        %swap3A_392 = arith.constant 16 : index
        %swap3A_393 = tpu.vector_load %arg6[%swap3A_390, %swap3A_391, %swap3A_392] {strides = array<i32>} : memref<5x128x64xf32, #tpu.memory_space<vmem>>, vector<1x1x16xf32>,
        %swap3A_394 = vector.shape_cast %swap3A_393 : vector<1x1x16xf32> to vector<16xf32>
        %swap3A_395 = vector.shape_cast %mul3A_388 : vector<16xf32> to vector<1x1x16xf32>
        tpu.vector_store %arg6[%swap3A_390, %swap3A_391, %swap3A_392], %swap3A_395 {strides = array<i32>} : memref<5x128x64xf32, #tpu.memory_space<vmem>>, vector<1x1x16xf32>,
        %get3A_396 = arith.constant 3 : i32
        %get3A_397 = arith.index_cast %get3A_396 : i32 to index
        %get3A_398 = arith.index_cast %add3A_365 : i32 to index
        %get3A_399 = arith.constant 32 : index
        %get3A_400 = tpu.vector_load %arg6[%get3A_397, %get3A_398, %get3A_399] {strides = array<i32>} : memref<5x128x64xf32, #tpu.memory_space<vmem>>, vector<1x1x16xf32>,
        %get3A_401 = vector.shape_cast %get3A_400 : vector<1x1x16xf32> to vector<16xf32>
        %mul3A_402 = arith.constant 8.000000e+00 : f32
        %mul3A_403 = vector.broadcast %mul3A_402 : f32 to vector<16xf32>
        %mul3A_404 = arith.mulf %get3A_401, %mul3A_403 : vector<16xf32>
        %swap3A_405 = arith.constant 3 : i32
        %swap3A_406 = arith.index_cast %swap3A_405 : i32 to index
        %swap3A_407 = arith.index_cast %add3A_365 : i32 to index
        %swap3A_408 = arith.constant 32 : index
        %swap3A_409 = tpu.vector_load %arg6[%swap3A_406, %swap3A_407, %swap3A_408] {strides = array<i32>} : memref<5x128x64xf32, #tpu.memory_space<vmem>>, vector<1x1x16xf32>,
        %swap3A_410 = vector.shape_cast %swap3A_409 : vector<1x1x16xf32> to vector<16xf32>
        %swap3A_411 = vector.shape_cast %mul3A_404 : vector<16xf32> to vector<1x1x16xf32>
        tpu.vector_store %arg6[%swap3A_406, %swap3A_407, %swap3A_408], %swap3A_411 {strides = array<i32>} : memref<5x128x64xf32, #tpu.memory_space<vmem>>, vector<1x1x16xf32>,
        %get3A_412 = arith.constant 3 : i32
        %get3A_413 = arith.index_cast %get3A_412 : i32 to index
        %get3A_414 = arith.index_cast %add3A_365 : i32 to index
        %get3A_415 = arith.constant 48 : index
        %get3A_416 = tpu.vector_load %arg6[%get3A_413, %get3A_414, %get3A_415] {strides = array<i32>} : memref<5x128x64xf32, #tpu.memory_space<vmem>>, vector<1x1x16xf32>,
        %get3A_417 = vector.shape_cast %get3A_416 : vector<1x1x16xf32> to vector<16xf32>
        %mul3A_418 = arith.constant 8.000000e+00 : f32
        %mul3A_419 = vector.broadcast %mul3A_418 : f32 to vector<16xf32>
        %mul3A_420 = arith.mulf %get3A_417, %mul3A_419 : vector<16xf32>
        %swap3A_421 = arith.constant 3 : i32
        %swap3A_422 = arith.index_cast %swap3A_421 : i32 to index
        %swap3A_423 = arith.index_cast %add3A_365 : i32 to index
        %swap3A_424 = arith.constant 48 : index
        %swap3A_425 = tpu.vector_load %arg6[%swap3A_422, %swap3A_423, %swap3A_424] {strides = array<i32>} : memref<5x128x64xf32, #tpu.memory_space<vmem>>, vector<1x1x16xf32>,
        %swap3A_426 = vector.shape_cast %swap3A_425 : vector<1x1x16xf32> to vector<16xf32>
        %swap3A_427 = vector.shape_cast %mul3A_420 : vector<16xf32> to vector<1x1x16xf32>
        tpu.vector_store %arg6[%swap3A_422, %swap3A_423, %swap3A_424], %swap3A_427 {strides = array<i32>} : memref<5x128x64xf32, #tpu.memory_space<vmem>>, vector<1x1x16xf32>,
        %scan3A_428 = arith.constant 1 : i32
        %scan3A_429 = arith.addi %scan3A_361, %scan3A_428 : i32
        %mul3A_430 = arith.constant 1 : i32
        %mul3A_431 = arith.muli %scan3A_429, %mul3A_430 : i32
        %add3A_432 = arith.constant 0 : i32
        %add3A_433 = arith.addi %add3A_432, %mul3A_431 : i32
        %get3A_434 = arith.constant 3 : i32
        %get3A_435 = arith.index_cast %get3A_434 : i32 to index
        %get3A_436 = arith.index_cast %add3A_433 : i32 to index
        %get3A_437 = arith.constant 0 : index
        %get3A_438 = tpu.vector_load %arg6[%get3A_435, %get3A_436, %get3A_437] {strides = array<i32>} : memref<5x128x64xf32, #tpu.memory_space<vmem>>, vector<1x1x16xf32>,
        %get3A_439 = vector.shape_cast %get3A_438 : vector<1x1x16xf32> to vector<16xf32>
        %mul3A_440 = arith.constant 8.000000e+00 : f32
        %mul3A_441 = vector.broadcast %mul3A_440 : f32 to vector<16xf32>
        %mul3A_442 = arith.mulf %get3A_439, %mul3A_441 : vector<16xf32>
        %swap3A_443 = arith.constant 3 : i32
        %swap3A_444 = arith.index_cast %swap3A_443 : i32 to index
        %swap3A_445 = arith.index_cast %add3A_433 : i32 to index
        %swap3A_446 = arith.constant 0 : index
        %swap3A_447 = tpu.vector_load %arg6[%swap3A_444, %swap3A_445, %swap3A_446] {strides = array<i32>} : memref<5x128x64xf32, #tpu.memory_space<vmem>>, vector<1x1x16xf32>,
        %swap3A_448 = vector.shape_cast %swap3A_447 : vector<1x1x16xf32> to vector<16xf32>
        %swap3A_449 = vector.shape_cast %mul3A_442 : vector<16xf32> to vector<1x1x16xf32>
        tpu.vector_store %arg6[%swap3A_444, %swap3A_445, %swap3A_446], %swap3A_449 {strides = array<i32>} : memref<5x128x64xf32, #tpu.memory_space<vmem>>, vector<1x1x16xf32>,
        %get3A_450 = arith.constant 3 : i32
        %get3A_451 = arith.index_cast %get3A_450 : i32 to index
        %get3A_452 = arith.index_cast %add3A_433 : i32 to index
        %get3A_453 = arith.constant 16 : index
        %get3A_454 = tpu.vector_load %arg6[%get3A_451, %get3A_452, %get3A_453] {strides = array<i32>} : memref<5x128x64xf32, #tpu.memory_space<vmem>>, vector<1x1x16xf32>,
        %get3A_455 = vector.shape_cast %get3A_454 : vector<1x1x16xf32> to vector<16xf32>
        %mul3A_456 = arith.constant 8.000000e+00 : f32
        %mul3A_457 = vector.broadcast %mul3A_456 : f32 to vector<16xf32>
        %mul3A_458 = arith.mulf %get3A_455, %mul3A_457 : vector<16xf32>
        %swap3A_459 = arith.constant 3 : i32
        %swap3A_460 = arith.index_cast %swap3A_459 : i32 to index
        %swap3A_461 = arith.index_cast %add3A_433 : i32 to index
        %swap3A_462 = arith.constant 16 : index
        %swap3A_463 = tpu.vector_load %arg6[%swap3A_460, %swap3A_461, %swap3A_462] {strides = array<i32>} : memref<5x128x64xf32, #tpu.memory_space<vmem>>, vector<1x1x16xf32>,
        %swap3A_464 = vector.shape_cast %swap3A_463 : vector<1x1x16xf32> to vector<16xf32>
        %swap3A_465 = vector.shape_cast %mul3A_458 : vector<16xf32> to vector<1x1x16xf32>
        tpu.vector_store %arg6[%swap3A_460, %swap3A_461, %swap3A_462], %swap3A_465 {strides = array<i32>} : memref<5x128x64xf32, #tpu.memory_space<vmem>>, vector<1x1x16xf32>,
        %get3A_466 = arith.constant 3 : i32
        %get3A_467 = arith.index_cast %get3A_466 : i32 to index
        %get3A_468 = arith.index_cast %add3A_433 : i32 to index
        %get3A_469 = arith.constant 32 : index
        %get3A_470 = tpu.vector_load %arg6[%get3A_467, %get3A_468, %get3A_469] {strides = array<i32>} : memref<5x128x64xf32, #tpu.memory_space<vmem>>, vector<1x1x16xf32>,
        %get3A_471 = vector.shape_cast %get3A_470 : vector<1x1x16xf32> to vector<16xf32>
        %mul3A_472 = arith.constant 8.000000e+00 : f32
        %mul3A_473 = vector.broadcast %mul3A_472 : f32 to vector<16xf32>
        %mul3A_474 = arith.mulf %get3A_471, %mul3A_473 : vector<16xf32>
        %swap3A_475 = arith.constant 3 : i32
        %swap3A_476 = arith.index_cast %swap3A_475 : i32 to index
        %swap3A_477 = arith.index_cast %add3A_433 : i32 to index
        %swap3A_478 = arith.constant 32 : index
        %swap3A_479 = tpu.vector_load %arg6[%swap3A_476, %swap3A_477, %swap3A_478] {strides = array<i32>} : memref<5x128x64xf32, #tpu.memory_space<vmem>>, vector<1x1x16xf32>,
        %swap3A_480 = vector.shape_cast %swap3A_479 : vector<1x1x16xf32> to vector<16xf32>
        %swap3A_481 = vector.shape_cast %mul3A_474 : vector<16xf32> to vector<1x1x16xf32>
        tpu.vector_store %arg6[%swap3A_476, %swap3A_477, %swap3A_478], %swap3A_481 {strides = array<i32>} : memref<5x128x64xf32, #tpu.memory_space<vmem>>, vector<1x1x16xf32>,
        %get3A_482 = arith.constant 3 : i32
        %get3A_483 = arith.index_cast %get3A_482 : i32 to index
        %get3A_484 = arith.index_cast %add3A_433 : i32 to index
        %get3A_485 = arith.constant 48 : index
        %get3A_486 = tpu.vector_load %arg6[%get3A_483, %get3A_484, %get3A_485] {strides = array<i32>} : memref<5x128x64xf32, #tpu.memory_space<vmem>>, vector<1x1x16xf32>,
        %get3A_487 = vector.shape_cast %get3A_486 : vector<1x1x16xf32> to vector<16xf32>
        %mul3A_488 = arith.constant 8.000000e+00 : f32
        %mul3A_489 = vector.broadcast %mul3A_488 : f32 to vector<16xf32>
        %mul3A_490 = arith.mulf %get3A_487, %mul3A_489 : vector<16xf32>
        %swap3A_491 = arith.constant 3 : i32
        %swap3A_492 = arith.index_cast %swap3A_491 : i32 to index
        %swap3A_493 = arith.index_cast %add3A_433 : i32 to index
        %swap3A_494 = arith.constant 48 : index
        %swap3A_495 = tpu.vector_load %arg6[%swap3A_492, %swap3A_493, %swap3A_494] {strides = array<i32>} : memref<5x128x64xf32, #tpu.memory_space<vmem>>, vector<1x1x16xf32>,
        %swap3A_496 = vector.shape_cast %swap3A_495 : vector<1x1x16xf32> to vector<16xf32>
        %swap3A_497 = vector.shape_cast %mul3A_490 : vector<16xf32> to vector<1x1x16xf32>
        tpu.vector_store %arg6[%swap3A_492, %swap3A_493, %swap3A_494], %swap3A_497 {strides = array<i32>} : memref<5x128x64xf32, #tpu.memory_space<vmem>>, vector<1x1x16xf32>,
        %scan3A_498 = arith.constant 2 : i32
        %scan3A_499 = arith.addi %scan3A_361, %scan3A_498 : i32
        %mul3A_500 = arith.constant 1 : i32
        %mul3A_501 = arith.muli %scan3A_499, %mul3A_500 : i32
        %add3A_502 = arith.constant 0 : i32
        %add3A_503 = arith.addi %add3A_502, %mul3A_501 : i32
        %get3A_504 = arith.constant 3 : i32
        %get3A_505 = arith.index_cast %get3A_504 : i32 to index
        %get3A_506 = arith.index_cast %add3A_503 : i32 to index
        %get3A_507 = arith.constant 0 : index
        %get3A_508 = tpu.vector_load %arg6[%get3A_505, %get3A_506, %get3A_507] {strides = array<i32>} : memref<5x128x64xf32, #tpu.memory_space<vmem>>, vector<1x1x16xf32>,
        %get3A_509 = vector.shape_cast %get3A_508 : vector<1x1x16xf32> to vector<16xf32>
        %mul3A_510 = arith.constant 8.000000e+00 : f32
        %mul3A_511 = vector.broadcast %mul3A_510 : f32 to vector<16xf32>
        %mul3A_512 = arith.mulf %get3A_509, %mul3A_511 : vector<16xf32>
        %swap3A_513 = arith.constant 3 : i32
        %swap3A_514 = arith.index_cast %swap3A_513 : i32 to index
        %swap3A_515 = arith.index_cast %add3A_503 : i32 to index
        %swap3A_516 = arith.constant 0 : index
        %swap3A_517 = tpu.vector_load %arg6[%swap3A_514, %swap3A_515, %swap3A_516] {strides = array<i32>} : memref<5x128x64xf32, #tpu.memory_space<vmem>>, vector<1x1x16xf32>,
        %swap3A_518 = vector.shape_cast %swap3A_517 : vector<1x1x16xf32> to vector<16xf32>
        %swap3A_519 = vector.shape_cast %mul3A_512 : vector<16xf32> to vector<1x1x16xf32>
        tpu.vector_store %arg6[%swap3A_514, %swap3A_515, %swap3A_516], %swap3A_519 {strides = array<i32>} : memref<5x128x64xf32, #tpu.memory_space<vmem>>, vector<1x1x16xf32>,
        %get3A_520 = arith.constant 3 : i32
        %get3A_521 = arith.index_cast %get3A_520 : i32 to index
        %get3A_522 = arith.index_cast %add3A_503 : i32 to index
        %get3A_523 = arith.constant 16 : index
        %get3A_524 = tpu.vector_load %arg6[%get3A_521, %get3A_522, %get3A_523] {strides = array<i32>} : memref<5x128x64xf32, #tpu.memory_space<vmem>>, vector<1x1x16xf32>,
        %get3A_525 = vector.shape_cast %get3A_524 : vector<1x1x16xf32> to vector<16xf32>
        %mul3A_526 = arith.constant 8.000000e+00 : f32
        %mul3A_527 = vector.broadcast %mul3A_526 : f32 to vector<16xf32>
        %mul3A_528 = arith.mulf %get3A_525, %mul3A_527 : vector<16xf32>
        %swap3A_529 = arith.constant 3 : i32
        %swap3A_530 = arith.index_cast %swap3A_529 : i32 to index
        %swap3A_531 = arith.index_cast %add3A_503 : i32 to index
        %swap3A_532 = arith.constant 16 : index
        %swap3A_533 = tpu.vector_load %arg6[%swap3A_530, %swap3A_531, %swap3A_532] {strides = array<i32>} : memref<5x128x64xf32, #tpu.memory_space<vmem>>, vector<1x1x16xf32>,
        %swap3A_534 = vector.shape_cast %swap3A_533 : vector<1x1x16xf32> to vector<16xf32>
        %swap3A_535 = vector.shape_cast %mul3A_528 : vector<16xf32> to vector<1x1x16xf32>
        tpu.vector_store %arg6[%swap3A_530, %swap3A_531, %swap3A_532], %swap3A_535 {strides = array<i32>} : memref<5x128x64xf32, #tpu.memory_space<vmem>>, vector<1x1x16xf32>,
        %get3A_536 = arith.constant 3 : i32
        %get3A_537 = arith.index_cast %get3A_536 : i32 to index
        %get3A_538 = arith.index_cast %add3A_503 : i32 to index
        %get3A_539 = arith.constant 32 : index
        %get3A_540 = tpu.vector_load %arg6[%get3A_537, %get3A_538, %get3A_539] {strides = array<i32>} : memref<5x128x64xf32, #tpu.memory_space<vmem>>, vector<1x1x16xf32>,
        %get3A_541 = vector.shape_cast %get3A_540 : vector<1x1x16xf32> to vector<16xf32>
        %mul3A_542 = arith.constant 8.000000e+00 : f32
        %mul3A_543 = vector.broadcast %mul3A_542 : f32 to vector<16xf32>
        %mul3A_544 = arith.mulf %get3A_541, %mul3A_543 : vector<16xf32>
        %swap3A_545 = arith.constant 3 : i32
        %swap3A_546 = arith.index_cast %swap3A_545 : i32 to index
        %swap3A_547 = arith.index_cast %add3A_503 : i32 to index
        %swap3A_548 = arith.constant 32 : index
        %swap3A_549 = tpu.vector_load %arg6[%swap3A_546, %swap3A_547, %swap3A_548] {strides = array<i32>} : memref<5x128x64xf32, #tpu.memory_space<vmem>>, vector<1x1x16xf32>,
        %swap3A_550 = vector.shape_cast %swap3A_549 : vector<1x1x16xf32> to vector<16xf32>
        %swap3A_551 = vector.shape_cast %mul3A_544 : vector<16xf32> to vector<1x1x16xf32>
        tpu.vector_store %arg6[%swap3A_546, %swap3A_547, %swap3A_548], %swap3A_551 {strides = array<i32>} : memref<5x128x64xf32, #tpu.memory_space<vmem>>, vector<1x1x16xf32>,
        %get3A_552 = arith.constant 3 : i32
        %get3A_553 = arith.index_cast %get3A_552 : i32 to index
        %get3A_554 = arith.index_cast %add3A_503 : i32 to index
        %get3A_555 = arith.constant 48 : index
        %get3A_556 = tpu.vector_load %arg6[%get3A_553, %get3A_554, %get3A_555] {strides = array<i32>} : memref<5x128x64xf32, #tpu.memory_space<vmem>>, vector<1x1x16xf32>,
        %get3A_557 = vector.shape_cast %get3A_556 : vector<1x1x16xf32> to vector<16xf32>
        %mul3A_558 = arith.constant 8.000000e+00 : f32
        %mul3A_559 = vector.broadcast %mul3A_558 : f32 to vector<16xf32>
        %mul3A_560 = arith.mulf %get3A_557, %mul3A_559 : vector<16xf32>
        %swap3A_561 = arith.constant 3 : i32
        %swap3A_562 = arith.index_cast %swap3A_561 : i32 to index
        %swap3A_563 = arith.index_cast %add3A_503 : i32 to index
        %swap3A_564 = arith.constant 48 : index
        %swap3A_565 = tpu.vector_load %arg6[%swap3A_562, %swap3A_563, %swap3A_564] {strides = array<i32>} : memref<5x128x64xf32, #tpu.memory_space<vmem>>, vector<1x1x16xf32>,
        %swap3A_566 = vector.shape_cast %swap3A_565 : vector<1x1x16xf32> to vector<16xf32>
        %swap3A_567 = vector.shape_cast %mul3A_560 : vector<16xf32> to vector<1x1x16xf32>
        tpu.vector_store %arg6[%swap3A_562, %swap3A_563, %swap3A_564], %swap3A_567 {strides = array<i32>} : memref<5x128x64xf32, #tpu.memory_space<vmem>>, vector<1x1x16xf32>,
        %scan3A_568 = arith.constant 3 : i32
        %scan3A_569 = arith.addi %scan3A_361, %scan3A_568 : i32
        %mul3A_570 = arith.constant 1 : i32
        %mul3A_571 = arith.muli %scan3A_569, %mul3A_570 : i32
        %add3A_572 = arith.constant 0 : i32
        %add3A_573 = arith.addi %add3A_572, %mul3A_571 : i32
        %get3A_574 = arith.constant 3 : i32
        %get3A_575 = arith.index_cast %get3A_574 : i32 to index
        %get3A_576 = arith.index_cast %add3A_573 : i32 to index
        %get3A_577 = arith.constant 0 : index
        %get3A_578 = tpu.vector_load %arg6[%get3A_575, %get3A_576, %get3A_577] {strides = array<i32>} : memref<5x128x64xf32, #tpu.memory_space<vmem>>, vector<1x1x16xf32>,
        %get3A_579 = vector.shape_cast %get3A_578 : vector<1x1x16xf32> to vector<16xf32>
        %mul3A_580 = arith.constant 8.000000e+00 : f32
        %mul3A_581 = vector.broadcast %mul3A_580 : f32 to vector<16xf32>
        %mul3A_582 = arith.mulf %get3A_579, %mul3A_581 : vector<16xf32>
        %swap3A_583 = arith.constant 3 : i32
        %swap3A_584 = arith.index_cast %swap3A_583 : i32 to index
        %swap3A_585 = arith.index_cast %add3A_573 : i32 to index
        %swap3A_586 = arith.constant 0 : index
        %swap3A_587 = tpu.vector_load %arg6[%swap3A_584, %swap3A_585, %swap3A_586] {strides = array<i32>} : memref<5x128x64xf32, #tpu.memory_space<vmem>>, vector<1x1x16xf32>,
        %swap3A_588 = vector.shape_cast %swap3A_587 : vector<1x1x16xf32> to vector<16xf32>
        %swap3A_589 = vector.shape_cast %mul3A_582 : vector<16xf32> to vector<1x1x16xf32>
        tpu.vector_store %arg6[%swap3A_584, %swap3A_585, %swap3A_586], %swap3A_589 {strides = array<i32>} : memref<5x128x64xf32, #tpu.memory_space<vmem>>, vector<1x1x16xf32>,
        %get3A_590 = arith.constant 3 : i32
        %get3A_591 = arith.index_cast %get3A_590 : i32 to index
        %get3A_592 = arith.index_cast %add3A_573 : i32 to index
        %get3A_593 = arith.constant 16 : index
        %get3A_594 = tpu.vector_load %arg6[%get3A_591, %get3A_592, %get3A_593] {strides = array<i32>} : memref<5x128x64xf32, #tpu.memory_space<vmem>>, vector<1x1x16xf32>,
        %get3A_595 = vector.shape_cast %get3A_594 : vector<1x1x16xf32> to vector<16xf32>
        %mul3A_596 = arith.constant 8.000000e+00 : f32
        %mul3A_597 = vector.broadcast %mul3A_596 : f32 to vector<16xf32>
        %mul3A_598 = arith.mulf %get3A_595, %mul3A_597 : vector<16xf32>
        %swap3A_599 = arith.constant 3 : i32
        %swap3A_600 = arith.index_cast %swap3A_599 : i32 to index
        %swap3A_601 = arith.index_cast %add3A_573 : i32 to index
        %swap3A_602 = arith.constant 16 : index
        %swap3A_603 = tpu.vector_load %arg6[%swap3A_600, %swap3A_601, %swap3A_602] {strides = array<i32>} : memref<5x128x64xf32, #tpu.memory_space<vmem>>, vector<1x1x16xf32>,
        %swap3A_604 = vector.shape_cast %swap3A_603 : vector<1x1x16xf32> to vector<16xf32>
        %swap3A_605 = vector.shape_cast %mul3A_598 : vector<16xf32> to vector<1x1x16xf32>
        tpu.vector_store %arg6[%swap3A_600, %swap3A_601, %swap3A_602], %swap3A_605 {strides = array<i32>} : memref<5x128x64xf32, #tpu.memory_space<vmem>>, vector<1x1x16xf32>,
        %get3A_606 = arith.constant 3 : i32
        %get3A_607 = arith.index_cast %get3A_606 : i32 to index
        %get3A_608 = arith.index_cast %add3A_573 : i32 to index
        %get3A_609 = arith.constant 32 : index
        %get3A_610 = tpu.vector_load %arg6[%get3A_607, %get3A_608, %get3A_609] {strides = array<i32>} : memref<5x128x64xf32, #tpu.memory_space<vmem>>, vector<1x1x16xf32>,
        %get3A_611 = vector.shape_cast %get3A_610 : vector<1x1x16xf32> to vector<16xf32>
        %mul3A_612 = arith.constant 8.000000e+00 : f32
        %mul3A_613 = vector.broadcast %mul3A_612 : f32 to vector<16xf32>
        %mul3A_614 = arith.mulf %get3A_611, %mul3A_613 : vector<16xf32>
        %swap3A_615 = arith.constant 3 : i32
        %swap3A_616 = arith.index_cast %swap3A_615 : i32 to index
        %swap3A_617 = arith.index_cast %add3A_573 : i32 to index
        %swap3A_618 = arith.constant 32 : index
        %swap3A_619 = tpu.vector_load %arg6[%swap3A_616, %swap3A_617, %swap3A_618] {strides = array<i32>} : memref<5x128x64xf32, #tpu.memory_space<vmem>>, vector<1x1x16xf32>,
        %swap3A_620 = vector.shape_cast %swap3A_619 : vector<1x1x16xf32> to vector<16xf32>
        %swap3A_621 = vector.shape_cast %mul3A_614 : vector<16xf32> to vector<1x1x16xf32>
        tpu.vector_store %arg6[%swap3A_616, %swap3A_617, %swap3A_618], %swap3A_621 {strides = array<i32>} : memref<5x128x64xf32, #tpu.memory_space<vmem>>, vector<1x1x16xf32>,
        %get3A_622 = arith.constant 3 : i32
        %get3A_623 = arith.index_cast %get3A_622 : i32 to index
        %get3A_624 = arith.index_cast %add3A_573 : i32 to index
        %get3A_625 = arith.constant 48 : index
        %get3A_626 = tpu.vector_load %arg6[%get3A_623, %get3A_624, %get3A_625] {strides = array<i32>} : memref<5x128x64xf32, #tpu.memory_space<vmem>>, vector<1x1x16xf32>,
        %get3A_627 = vector.shape_cast %get3A_626 : vector<1x1x16xf32> to vector<16xf32>
        %mul3A_628 = arith.constant 8.000000e+00 : f32
        %mul3A_629 = vector.broadcast %mul3A_628 : f32 to vector<16xf32>
        %mul3A_630 = arith.mulf %get3A_627, %mul3A_629 : vector<16xf32>
        %swap3A_631 = arith.constant 3 : i32
        %swap3A_632 = arith.index_cast %swap3A_631 : i32 to index
        %swap3A_633 = arith.index_cast %add3A_573 : i32 to index
        %swap3A_634 = arith.constant 48 : index
        %swap3A_635 = tpu.vector_load %arg6[%swap3A_632, %swap3A_633, %swap3A_634] {strides = array<i32>} : memref<5x128x64xf32, #tpu.memory_space<vmem>>, vector<1x1x16xf32>,
        %swap3A_636 = vector.shape_cast %swap3A_635 : vector<1x1x16xf32> to vector<16xf32>
        %swap3A_637 = vector.shape_cast %mul3A_630 : vector<16xf32> to vector<1x1x16xf32>
        tpu.vector_store %arg6[%swap3A_632, %swap3A_633, %swap3A_634], %swap3A_637 {strides = array<i32>} : memref<5x128x64xf32, #tpu.memory_space<vmem>>, vector<1x1x16xf32>,
      }
      %scan3A_297 = arith.constant 128 : i32
      %add3A_298 = arith.addi %mul3A_2, %add3A_266 : i32
      %dma_start3A_299 = arith.constant 3 : i32
      %dma_start3A_300 = arith.constant 0 : i32
      %dma_start3A_301 = arith.constant 0 : i32
      %dma_start3A_302 = tpu.memref_slice %arg6[%dma_start3A_299, %dma_start3A_300, %dma_start3A_301] : memref<5x128x64xf32, #tpu.memory_space<vmem>> -> memref<1x128x64xf32, #tpu.memory_space<vmem>>
      %dma_start3A_303 = arith.constant 0 : i32
      %dma_start3A_304 = arith.constant 0 : i32
      %dma_start3A_305 = tpu.memref_slice %arg4[%add3A_298, %dma_start3A_303, %dma_start3A_304] : memref<6400x128x64xf32, #tpu.memory_space<hbm>> -> memref<1x128x64xf32, #tpu.memory_space<hbm>>
      %dma_start3A_306 = arith.constant 0 : i32
      %dma_start3A_307 = arith.constant 0 : i32
      %dma_start3A_308 = tpu.memref_slice %arg4[%add3A_298, %dma_start3A_306, %dma_start3A_307] : memref<6400x128x64xf32, #tpu.memory_space<hbm>> -> memref<1x128x64xf32, #tpu.memory_space<hbm>>
      %dma_start3A_309 = arith.constant 3 : i32
      %dma_start3A_310 = arith.constant 0 : i32
      %dma_start3A_311 = arith.constant 0 : i32
      %dma_start3A_312 = tpu.memref_slice %arg6[%dma_start3A_309, %dma_start3A_310, %dma_start3A_311] : memref<5x128x64xf32, #tpu.memory_space<vmem>> -> memref<1x128x64xf32, #tpu.memory_space<vmem>>
      tpu.enqueue_dma source(%dma_start3A_312 : memref<1x128x64xf32, #tpu.memory_space<vmem>>) target(%dma_start3A_308 : memref<1x128x64xf32, #tpu.memory_space<hbm>>) target_semaphore(%arg15 : memref<!tpu.dma_semaphore, #tpu.memory_space<semaphore_mem>>)
      %add3A_313 = arith.constant 4 : i32
      %add3A_314 = arith.addi %add3A_125, %add3A_313 : i32
      %add3A_315 = arith.constant 3 : i32
      %add3A_316 = arith.addi %add3A_314, %add3A_315 : i32
      %lt3A_317 = arith.constant 200 : i32
      %lt3A_318 = arith.cmpi slt, %add3A_316, %lt3A_317 : i32
      %ge3A_319 = arith.constant 5 : i32
      %ge3A_320 = arith.cmpi sge, %add3A_316, %ge3A_319 : i32
      %and3A_321 = arith.andi %lt3A_318, %ge3A_320 : i1
      %convert_element_type3A_322 = arith.extui %and3A_321 : i1 to i32
      %cond3A_323 = arith.constant 0 : i32
      %cond3A_324 = arith.cmpi ne, %convert_element_type3A_322, %cond3A_323 : i32
      scf.if %cond3A_324 {
        %sub3A = arith.constant 5 : i32
        %sub3A_361 = arith.subi %add3A_316, %sub3A : i32
        %add3A_362 = arith.addi %mul3A_2, %sub3A_361 : i32
        %dma_wait3A_363 = arith.constant 2 : i32
        %dma_wait3A_364 = arith.constant 0 : i32
        %dma_wait3A_365 = arith.constant 0 : i32
        %dma_wait3A_366 = tpu.memref_slice %arg6[%dma_wait3A_363, %dma_wait3A_364, %dma_wait3A_365] : memref<5x128x64xf32, #tpu.memory_space<vmem>> -> memref<1x128x64xf32, #tpu.memory_space<vmem>>
        %dma_wait3A_367 = arith.constant 0 : i32
        %dma_wait3A_368 = arith.constant 0 : i32
        %dma_wait3A_369 = tpu.memref_slice %arg4[%add3A_362, %dma_wait3A_367, %dma_wait3A_368] : memref<6400x128x64xf32, #tpu.memory_space<hbm>> -> memref<1x128x64xf32, #tpu.memory_space<hbm>>
        %dma_wait3A_370 = arith.constant 0 : i32
        %dma_wait3A_371 = arith.constant 0 : i32
        %dma_wait3A_372 = tpu.memref_slice %arg4[%add3A_362, %dma_wait3A_370, %dma_wait3A_371] : memref<6400x128x64xf32, #tpu.memory_space<hbm>> -> memref<1x128x64xf32, #tpu.memory_space<hbm>>
        %dma_wait3A_373 = arith.constant 2 : i32
        %dma_wait3A_374 = arith.constant 0 : i32
        %dma_wait3A_375 = arith.constant 0 : i32
        %dma_wait3A_376 = tpu.memref_slice %arg6[%dma_wait3A_373, %dma_wait3A_374, %dma_wait3A_375] : memref<5x128x64xf32, #tpu.memory_space<vmem>> -> memref<1x128x64xf32, #tpu.memory_space<vmem>>
        tpu.wait_dma2 semaphore(%arg14 : memref<!tpu.dma_semaphore, #tpu.memory_space<semaphore_mem>>) src(%dma_wait3A_376 : memref<1x128x64xf32, #tpu.memory_space<vmem>>) dst(%dma_wait3A_372 : memref<1x128x64xf32, #tpu.memory_space<hbm>>)
      } else {
      }
      %lt3A_325 = arith.constant 200 : i32
      %lt3A_326 = arith.cmpi slt, %add3A_316, %lt3A_325 : i32
      %convert_element_type3A_327 = arith.extui %lt3A_326 : i1 to i32
      %cond3A_328 = arith.constant 0 : i32
      %cond3A_329 = arith.cmpi ne, %convert_element_type3A_327, %cond3A_328 : i32
      scf.if %cond3A_329 {
        %dma_start3A_361 = arith.constant 2 : i32
        %dma_start3A_362 = arith.constant 0 : i32
        %dma_start3A_363 = arith.constant 0 : i32
        %dma_start3A_364 = tpu.memref_slice %arg6[%dma_start3A_361, %dma_start3A_362, %dma_start3A_363] : memref<5x128x64xf32, #tpu.memory_space<vmem>> -> memref<1x128x64xf32, #tpu.memory_space<vmem>>
        %dma_start3A_365 = tpu.memref_squeeze %dma_start3A_364 : memref<1x128x64xf32, #tpu.memory_space<vmem>> -> memref<128x64xf32, #tpu.memory_space<vmem>>
        %dma_start3A_366 = arith.constant 0 : i32
        %dma_start3A_367 = tpu.memref_slice %arg5[%add3A_316, %dma_start3A_366] : memref<200x128xi32, #tpu.memory_space<vmem>> -> memref<1x128xi32, #tpu.memory_space<vmem>>
        %dma_start3A_368 = tpu.memref_squeeze %dma_start3A_367 : memref<1x128xi32, #tpu.memory_space<vmem>> -> memref<128xi32, #tpu.memory_space<vmem>>
        %dma_start3A_369 = arith.constant 0 : i32
        %dma_start3A_370 = arith.constant 0 : i32
        %dma_start3A_371 = tpu.memref_slice %arg2[%dma_start3A_369, %dma_start3A_370] : memref<1000000x64xf32, #tpu.memory_space<hbm>> -> memref<1000000x64xf32, #tpu.memory_space<hbm>>
        tpu.enqueue_indirect_dma source(%dma_start3A_371 : memref<1000000x64xf32, #tpu.memory_space<hbm>>) target(%dma_start3A_365 : memref<128x64xf32, #tpu.memory_space<vmem>>) offsets(%dma_start3A_368 : memref<128xi32, #tpu.memory_space<vmem>>) semaphore(%arg9 : memref<!tpu.dma_semaphore, #tpu.memory_space<semaphore_mem>>)
      } else {
      }
      %dma_wait3A_330 = arith.constant 4 : i32
      %dma_wait3A_331 = arith.constant 0 : i32
      %dma_wait3A_332 = arith.constant 0 : i32
      %dma_wait3A_333 = tpu.memref_slice %arg6[%dma_wait3A_330, %dma_wait3A_331, %dma_wait3A_332] : memref<5x128x64xf32, #tpu.memory_space<vmem>> -> memref<1x128x64xf32, #tpu.memory_space<vmem>>
      %dma_wait3A_334 = tpu.memref_squeeze %dma_wait3A_333 : memref<1x128x64xf32, #tpu.memory_space<vmem>> -> memref<128x64xf32, #tpu.memory_space<vmem>>
      %dma_wait3A_335 = arith.constant 0 : i32
      %dma_wait3A_336 = tpu.memref_slice %arg5[%add3A_314, %dma_wait3A_335] : memref<200x128xi32, #tpu.memory_space<vmem>> -> memref<1x128xi32, #tpu.memory_space<vmem>>
      %dma_wait3A_337 = tpu.memref_squeeze %dma_wait3A_336 : memref<1x128xi32, #tpu.memory_space<vmem>> -> memref<128xi32, #tpu.memory_space<vmem>>
      %dma_wait3A_338 = arith.constant 0 : i32
      %dma_wait3A_339 = arith.constant 0 : i32
      %dma_wait3A_340 = tpu.memref_slice %arg2[%dma_wait3A_338, %dma_wait3A_339] : memref<1000000x64xf32, #tpu.memory_space<hbm>> -> memref<1000000x64xf32, #tpu.memory_space<hbm>>
      tpu.wait_indirect_dma semaphore(%arg11 : memref<!tpu.dma_semaphore, #tpu.memory_space<semaphore_mem>>) src(%dma_wait3A_340 : memref<1000000x64xf32, #tpu.memory_space<hbm>>) dst(%dma_wait3A_334 : memref<128x64xf32, #tpu.memory_space<vmem>>)
      %scan3A_341 = arith.constant 0 : i32
      %scan3A_342 = arith.constant 128 : i32
      %scan3A_343 = arith.addi %scan3A_341, %scan3A_342 : i32
      %scan3A_344 = arith.constant 4 : i32
      scf.for %scan3A_361 = %scan3A_341 to %scan3A_343 step %scan3A_344  : i32 {
        %mul3A_362 = arith.constant 1 : i32
        %mul3A_363 = arith.muli %scan3A_361, %mul3A_362 : i32
        %add3A_364 = arith.constant 0 : i32
        %add3A_365 = arith.addi %add3A_364, %mul3A_363 : i32
        %get3A = arith.constant 4 : i32
        %get3A_366 = arith.index_cast %get3A : i32 to index
        %get3A_367 = arith.index_cast %add3A_365 : i32 to index
        %get3A_368 = arith.constant 0 : index
        %get3A_369 = tpu.vector_load %arg6[%get3A_366, %get3A_367, %get3A_368] {strides = array<i32>} : memref<5x128x64xf32, #tpu.memory_space<vmem>>, vector<1x1x16xf32>,
        %get3A_370 = vector.shape_cast %get3A_369 : vector<1x1x16xf32> to vector<16xf32>
        %mul3A_371 = arith.constant 8.000000e+00 : f32
        %mul3A_372 = vector.broadcast %mul3A_371 : f32 to vector<16xf32>
        %mul3A_373 = arith.mulf %get3A_370, %mul3A_372 : vector<16xf32>
        %swap3A = arith.constant 4 : i32
        %swap3A_374 = arith.index_cast %swap3A : i32 to index
        %swap3A_375 = arith.index_cast %add3A_365 : i32 to index
        %swap3A_376 = arith.constant 0 : index
        %swap3A_377 = tpu.vector_load %arg6[%swap3A_374, %swap3A_375, %swap3A_376] {strides = array<i32>} : memref<5x128x64xf32, #tpu.memory_space<vmem>>, vector<1x1x16xf32>,
        %swap3A_378 = vector.shape_cast %swap3A_377 : vector<1x1x16xf32> to vector<16xf32>
        %swap3A_379 = vector.shape_cast %mul3A_373 : vector<16xf32> to vector<1x1x16xf32>
        tpu.vector_store %arg6[%swap3A_374, %swap3A_375, %swap3A_376], %swap3A_379 {strides = array<i32>} : memref<5x128x64xf32, #tpu.memory_space<vmem>>, vector<1x1x16xf32>,
        %get3A_380 = arith.constant 4 : i32
        %get3A_381 = arith.index_cast %get3A_380 : i32 to index
        %get3A_382 = arith.index_cast %add3A_365 : i32 to index
        %get3A_383 = arith.constant 16 : index
        %get3A_384 = tpu.vector_load %arg6[%get3A_381, %get3A_382, %get3A_383] {strides = array<i32>} : memref<5x128x64xf32, #tpu.memory_space<vmem>>, vector<1x1x16xf32>,
        %get3A_385 = vector.shape_cast %get3A_384 : vector<1x1x16xf32> to vector<16xf32>
        %mul3A_386 = arith.constant 8.000000e+00 : f32
        %mul3A_387 = vector.broadcast %mul3A_386 : f32 to vector<16xf32>
        %mul3A_388 = arith.mulf %get3A_385, %mul3A_387 : vector<16xf32>
        %swap3A_389 = arith.constant 4 : i32
        %swap3A_390 = arith.index_cast %swap3A_389 : i32 to index
        %swap3A_391 = arith.index_cast %add3A_365 : i32 to index
        %swap3A_392 = arith.constant 16 : index
        %swap3A_393 = tpu.vector_load %arg6[%swap3A_390, %swap3A_391, %swap3A_392] {strides = array<i32>} : memref<5x128x64xf32, #tpu.memory_space<vmem>>, vector<1x1x16xf32>,
        %swap3A_394 = vector.shape_cast %swap3A_393 : vector<1x1x16xf32> to vector<16xf32>
        %swap3A_395 = vector.shape_cast %mul3A_388 : vector<16xf32> to vector<1x1x16xf32>
        tpu.vector_store %arg6[%swap3A_390, %swap3A_391, %swap3A_392], %swap3A_395 {strides = array<i32>} : memref<5x128x64xf32, #tpu.memory_space<vmem>>, vector<1x1x16xf32>,
        %get3A_396 = arith.constant 4 : i32
        %get3A_397 = arith.index_cast %get3A_396 : i32 to index
        %get3A_398 = arith.index_cast %add3A_365 : i32 to index
        %get3A_399 = arith.constant 32 : index
        %get3A_400 = tpu.vector_load %arg6[%get3A_397, %get3A_398, %get3A_399] {strides = array<i32>} : memref<5x128x64xf32, #tpu.memory_space<vmem>>, vector<1x1x16xf32>,
        %get3A_401 = vector.shape_cast %get3A_400 : vector<1x1x16xf32> to vector<16xf32>
        %mul3A_402 = arith.constant 8.000000e+00 : f32
        %mul3A_403 = vector.broadcast %mul3A_402 : f32 to vector<16xf32>
        %mul3A_404 = arith.mulf %get3A_401, %mul3A_403 : vector<16xf32>
        %swap3A_405 = arith.constant 4 : i32
        %swap3A_406 = arith.index_cast %swap3A_405 : i32 to index
        %swap3A_407 = arith.index_cast %add3A_365 : i32 to index
        %swap3A_408 = arith.constant 32 : index
        %swap3A_409 = tpu.vector_load %arg6[%swap3A_406, %swap3A_407, %swap3A_408] {strides = array<i32>} : memref<5x128x64xf32, #tpu.memory_space<vmem>>, vector<1x1x16xf32>,
        %swap3A_410 = vector.shape_cast %swap3A_409 : vector<1x1x16xf32> to vector<16xf32>
        %swap3A_411 = vector.shape_cast %mul3A_404 : vector<16xf32> to vector<1x1x16xf32>
        tpu.vector_store %arg6[%swap3A_406, %swap3A_407, %swap3A_408], %swap3A_411 {strides = array<i32>} : memref<5x128x64xf32, #tpu.memory_space<vmem>>, vector<1x1x16xf32>,
        %get3A_412 = arith.constant 4 : i32
        %get3A_413 = arith.index_cast %get3A_412 : i32 to index
        %get3A_414 = arith.index_cast %add3A_365 : i32 to index
        %get3A_415 = arith.constant 48 : index
        %get3A_416 = tpu.vector_load %arg6[%get3A_413, %get3A_414, %get3A_415] {strides = array<i32>} : memref<5x128x64xf32, #tpu.memory_space<vmem>>, vector<1x1x16xf32>,
        %get3A_417 = vector.shape_cast %get3A_416 : vector<1x1x16xf32> to vector<16xf32>
        %mul3A_418 = arith.constant 8.000000e+00 : f32
        %mul3A_419 = vector.broadcast %mul3A_418 : f32 to vector<16xf32>
        %mul3A_420 = arith.mulf %get3A_417, %mul3A_419 : vector<16xf32>
        %swap3A_421 = arith.constant 4 : i32
        %swap3A_422 = arith.index_cast %swap3A_421 : i32 to index
        %swap3A_423 = arith.index_cast %add3A_365 : i32 to index
        %swap3A_424 = arith.constant 48 : index
        %swap3A_425 = tpu.vector_load %arg6[%swap3A_422, %swap3A_423, %swap3A_424] {strides = array<i32>} : memref<5x128x64xf32, #tpu.memory_space<vmem>>, vector<1x1x16xf32>,
        %swap3A_426 = vector.shape_cast %swap3A_425 : vector<1x1x16xf32> to vector<16xf32>
        %swap3A_427 = vector.shape_cast %mul3A_420 : vector<16xf32> to vector<1x1x16xf32>
        tpu.vector_store %arg6[%swap3A_422, %swap3A_423, %swap3A_424], %swap3A_427 {strides = array<i32>} : memref<5x128x64xf32, #tpu.memory_space<vmem>>, vector<1x1x16xf32>,
        %scan3A_428 = arith.constant 1 : i32
        %scan3A_429 = arith.addi %scan3A_361, %scan3A_428 : i32
        %mul3A_430 = arith.constant 1 : i32
        %mul3A_431 = arith.muli %scan3A_429, %mul3A_430 : i32
        %add3A_432 = arith.constant 0 : i32
        %add3A_433 = arith.addi %add3A_432, %mul3A_431 : i32
        %get3A_434 = arith.constant 4 : i32
        %get3A_435 = arith.index_cast %get3A_434 : i32 to index
        %get3A_436 = arith.index_cast %add3A_433 : i32 to index
        %get3A_437 = arith.constant 0 : index
        %get3A_438 = tpu.vector_load %arg6[%get3A_435, %get3A_436, %get3A_437] {strides = array<i32>} : memref<5x128x64xf32, #tpu.memory_space<vmem>>, vector<1x1x16xf32>,
        %get3A_439 = vector.shape_cast %get3A_438 : vector<1x1x16xf32> to vector<16xf32>
        %mul3A_440 = arith.constant 8.000000e+00 : f32
        %mul3A_441 = vector.broadcast %mul3A_440 : f32 to vector<16xf32>
        %mul3A_442 = arith.mulf %get3A_439, %mul3A_441 : vector<16xf32>
        %swap3A_443 = arith.constant 4 : i32
        %swap3A_444 = arith.index_cast %swap3A_443 : i32 to index
        %swap3A_445 = arith.index_cast %add3A_433 : i32 to index
        %swap3A_446 = arith.constant 0 : index
        %swap3A_447 = tpu.vector_load %arg6[%swap3A_444, %swap3A_445, %swap3A_446] {strides = array<i32>} : memref<5x128x64xf32, #tpu.memory_space<vmem>>, vector<1x1x16xf32>,
        %swap3A_448 = vector.shape_cast %swap3A_447 : vector<1x1x16xf32> to vector<16xf32>
        %swap3A_449 = vector.shape_cast %mul3A_442 : vector<16xf32> to vector<1x1x16xf32>
        tpu.vector_store %arg6[%swap3A_444, %swap3A_445, %swap3A_446], %swap3A_449 {strides = array<i32>} : memref<5x128x64xf32, #tpu.memory_space<vmem>>, vector<1x1x16xf32>,
        %get3A_450 = arith.constant 4 : i32
        %get3A_451 = arith.index_cast %get3A_450 : i32 to index
        %get3A_452 = arith.index_cast %add3A_433 : i32 to index
        %get3A_453 = arith.constant 16 : index
        %get3A_454 = tpu.vector_load %arg6[%get3A_451, %get3A_452, %get3A_453] {strides = array<i32>} : memref<5x128x64xf32, #tpu.memory_space<vmem>>, vector<1x1x16xf32>,
        %get3A_455 = vector.shape_cast %get3A_454 : vector<1x1x16xf32> to vector<16xf32>
        %mul3A_456 = arith.constant 8.000000e+00 : f32
        %mul3A_457 = vector.broadcast %mul3A_456 : f32 to vector<16xf32>
        %mul3A_458 = arith.mulf %get3A_455, %mul3A_457 : vector<16xf32>
        %swap3A_459 = arith.constant 4 : i32
        %swap3A_460 = arith.index_cast %swap3A_459 : i32 to index
        %swap3A_461 = arith.index_cast %add3A_433 : i32 to index
        %swap3A_462 = arith.constant 16 : index
        %swap3A_463 = tpu.vector_load %arg6[%swap3A_460, %swap3A_461, %swap3A_462] {strides = array<i32>} : memref<5x128x64xf32, #tpu.memory_space<vmem>>, vector<1x1x16xf32>,
        %swap3A_464 = vector.shape_cast %swap3A_463 : vector<1x1x16xf32> to vector<16xf32>
        %swap3A_465 = vector.shape_cast %mul3A_458 : vector<16xf32> to vector<1x1x16xf32>
        tpu.vector_store %arg6[%swap3A_460, %swap3A_461, %swap3A_462], %swap3A_465 {strides = array<i32>} : memref<5x128x64xf32, #tpu.memory_space<vmem>>, vector<1x1x16xf32>,
        %get3A_466 = arith.constant 4 : i32
        %get3A_467 = arith.index_cast %get3A_466 : i32 to index
        %get3A_468 = arith.index_cast %add3A_433 : i32 to index
        %get3A_469 = arith.constant 32 : index
        %get3A_470 = tpu.vector_load %arg6[%get3A_467, %get3A_468, %get3A_469] {strides = array<i32>} : memref<5x128x64xf32, #tpu.memory_space<vmem>>, vector<1x1x16xf32>,
        %get3A_471 = vector.shape_cast %get3A_470 : vector<1x1x16xf32> to vector<16xf32>
        %mul3A_472 = arith.constant 8.000000e+00 : f32
        %mul3A_473 = vector.broadcast %mul3A_472 : f32 to vector<16xf32>
        %mul3A_474 = arith.mulf %get3A_471, %mul3A_473 : vector<16xf32>
        %swap3A_475 = arith.constant 4 : i32
        %swap3A_476 = arith.index_cast %swap3A_475 : i32 to index
        %swap3A_477 = arith.index_cast %add3A_433 : i32 to index
        %swap3A_478 = arith.constant 32 : index
        %swap3A_479 = tpu.vector_load %arg6[%swap3A_476, %swap3A_477, %swap3A_478] {strides = array<i32>} : memref<5x128x64xf32, #tpu.memory_space<vmem>>, vector<1x1x16xf32>,
        %swap3A_480 = vector.shape_cast %swap3A_479 : vector<1x1x16xf32> to vector<16xf32>
        %swap3A_481 = vector.shape_cast %mul3A_474 : vector<16xf32> to vector<1x1x16xf32>
        tpu.vector_store %arg6[%swap3A_476, %swap3A_477, %swap3A_478], %swap3A_481 {strides = array<i32>} : memref<5x128x64xf32, #tpu.memory_space<vmem>>, vector<1x1x16xf32>,
        %get3A_482 = arith.constant 4 : i32
        %get3A_483 = arith.index_cast %get3A_482 : i32 to index
        %get3A_484 = arith.index_cast %add3A_433 : i32 to index
        %get3A_485 = arith.constant 48 : index
        %get3A_486 = tpu.vector_load %arg6[%get3A_483, %get3A_484, %get3A_485] {strides = array<i32>} : memref<5x128x64xf32, #tpu.memory_space<vmem>>, vector<1x1x16xf32>,
        %get3A_487 = vector.shape_cast %get3A_486 : vector<1x1x16xf32> to vector<16xf32>
        %mul3A_488 = arith.constant 8.000000e+00 : f32
        %mul3A_489 = vector.broadcast %mul3A_488 : f32 to vector<16xf32>
        %mul3A_490 = arith.mulf %get3A_487, %mul3A_489 : vector<16xf32>
        %swap3A_491 = arith.constant 4 : i32
        %swap3A_492 = arith.index_cast %swap3A_491 : i32 to index
        %swap3A_493 = arith.index_cast %add3A_433 : i32 to index
        %swap3A_494 = arith.constant 48 : index
        %swap3A_495 = tpu.vector_load %arg6[%swap3A_492, %swap3A_493, %swap3A_494] {strides = array<i32>} : memref<5x128x64xf32, #tpu.memory_space<vmem>>, vector<1x1x16xf32>,
        %swap3A_496 = vector.shape_cast %swap3A_495 : vector<1x1x16xf32> to vector<16xf32>
        %swap3A_497 = vector.shape_cast %mul3A_490 : vector<16xf32> to vector<1x1x16xf32>
        tpu.vector_store %arg6[%swap3A_492, %swap3A_493, %swap3A_494], %swap3A_497 {strides = array<i32>} : memref<5x128x64xf32, #tpu.memory_space<vmem>>, vector<1x1x16xf32>,
        %scan3A_498 = arith.constant 2 : i32
        %scan3A_499 = arith.addi %scan3A_361, %scan3A_498 : i32
        %mul3A_500 = arith.constant 1 : i32
        %mul3A_501 = arith.muli %scan3A_499, %mul3A_500 : i32
        %add3A_502 = arith.constant 0 : i32
        %add3A_503 = arith.addi %add3A_502, %mul3A_501 : i32
        %get3A_504 = arith.constant 4 : i32
        %get3A_505 = arith.index_cast %get3A_504 : i32 to index
        %get3A_506 = arith.index_cast %add3A_503 : i32 to index
        %get3A_507 = arith.constant 0 : index
        %get3A_508 = tpu.vector_load %arg6[%get3A_505, %get3A_506, %get3A_507] {strides = array<i32>} : memref<5x128x64xf32, #tpu.memory_space<vmem>>, vector<1x1x16xf32>,
        %get3A_509 = vector.shape_cast %get3A_508 : vector<1x1x16xf32> to vector<16xf32>
        %mul3A_510 = arith.constant 8.000000e+00 : f32
        %mul3A_511 = vector.broadcast %mul3A_510 : f32 to vector<16xf32>
        %mul3A_512 = arith.mulf %get3A_509, %mul3A_511 : vector<16xf32>
        %swap3A_513 = arith.constant 4 : i32
        %swap3A_514 = arith.index_cast %swap3A_513 : i32 to index
        %swap3A_515 = arith.index_cast %add3A_503 : i32 to index
        %swap3A_516 = arith.constant 0 : index
        %swap3A_517 = tpu.vector_load %arg6[%swap3A_514, %swap3A_515, %swap3A_516] {strides = array<i32>} : memref<5x128x64xf32, #tpu.memory_space<vmem>>, vector<1x1x16xf32>,
        %swap3A_518 = vector.shape_cast %swap3A_517 : vector<1x1x16xf32> to vector<16xf32>
        %swap3A_519 = vector.shape_cast %mul3A_512 : vector<16xf32> to vector<1x1x16xf32>
        tpu.vector_store %arg6[%swap3A_514, %swap3A_515, %swap3A_516], %swap3A_519 {strides = array<i32>} : memref<5x128x64xf32, #tpu.memory_space<vmem>>, vector<1x1x16xf32>,
        %get3A_520 = arith.constant 4 : i32
        %get3A_521 = arith.index_cast %get3A_520 : i32 to index
        %get3A_522 = arith.index_cast %add3A_503 : i32 to index
        %get3A_523 = arith.constant 16 : index
        %get3A_524 = tpu.vector_load %arg6[%get3A_521, %get3A_522, %get3A_523] {strides = array<i32>} : memref<5x128x64xf32, #tpu.memory_space<vmem>>, vector<1x1x16xf32>,
        %get3A_525 = vector.shape_cast %get3A_524 : vector<1x1x16xf32> to vector<16xf32>
        %mul3A_526 = arith.constant 8.000000e+00 : f32
        %mul3A_527 = vector.broadcast %mul3A_526 : f32 to vector<16xf32>
        %mul3A_528 = arith.mulf %get3A_525, %mul3A_527 : vector<16xf32>
        %swap3A_529 = arith.constant 4 : i32
        %swap3A_530 = arith.index_cast %swap3A_529 : i32 to index
        %swap3A_531 = arith.index_cast %add3A_503 : i32 to index
        %swap3A_532 = arith.constant 16 : index
        %swap3A_533 = tpu.vector_load %arg6[%swap3A_530, %swap3A_531, %swap3A_532] {strides = array<i32>} : memref<5x128x64xf32, #tpu.memory_space<vmem>>, vector<1x1x16xf32>,
        %swap3A_534 = vector.shape_cast %swap3A_533 : vector<1x1x16xf32> to vector<16xf32>
        %swap3A_535 = vector.shape_cast %mul3A_528 : vector<16xf32> to vector<1x1x16xf32>
        tpu.vector_store %arg6[%swap3A_530, %swap3A_531, %swap3A_532], %swap3A_535 {strides = array<i32>} : memref<5x128x64xf32, #tpu.memory_space<vmem>>, vector<1x1x16xf32>,
        %get3A_536 = arith.constant 4 : i32
        %get3A_537 = arith.index_cast %get3A_536 : i32 to index
        %get3A_538 = arith.index_cast %add3A_503 : i32 to index
        %get3A_539 = arith.constant 32 : index
        %get3A_540 = tpu.vector_load %arg6[%get3A_537, %get3A_538, %get3A_539] {strides = array<i32>} : memref<5x128x64xf32, #tpu.memory_space<vmem>>, vector<1x1x16xf32>,
        %get3A_541 = vector.shape_cast %get3A_540 : vector<1x1x16xf32> to vector<16xf32>
        %mul3A_542 = arith.constant 8.000000e+00 : f32
        %mul3A_543 = vector.broadcast %mul3A_542 : f32 to vector<16xf32>
        %mul3A_544 = arith.mulf %get3A_541, %mul3A_543 : vector<16xf32>
        %swap3A_545 = arith.constant 4 : i32
        %swap3A_546 = arith.index_cast %swap3A_545 : i32 to index
        %swap3A_547 = arith.index_cast %add3A_503 : i32 to index
        %swap3A_548 = arith.constant 32 : index
        %swap3A_549 = tpu.vector_load %arg6[%swap3A_546, %swap3A_547, %swap3A_548] {strides = array<i32>} : memref<5x128x64xf32, #tpu.memory_space<vmem>>, vector<1x1x16xf32>,
        %swap3A_550 = vector.shape_cast %swap3A_549 : vector<1x1x16xf32> to vector<16xf32>
        %swap3A_551 = vector.shape_cast %mul3A_544 : vector<16xf32> to vector<1x1x16xf32>
        tpu.vector_store %arg6[%swap3A_546, %swap3A_547, %swap3A_548], %swap3A_551 {strides = array<i32>} : memref<5x128x64xf32, #tpu.memory_space<vmem>>, vector<1x1x16xf32>,
        %get3A_552 = arith.constant 4 : i32
        %get3A_553 = arith.index_cast %get3A_552 : i32 to index
        %get3A_554 = arith.index_cast %add3A_503 : i32 to index
        %get3A_555 = arith.constant 48 : index
        %get3A_556 = tpu.vector_load %arg6[%get3A_553, %get3A_554, %get3A_555] {strides = array<i32>} : memref<5x128x64xf32, #tpu.memory_space<vmem>>, vector<1x1x16xf32>,
        %get3A_557 = vector.shape_cast %get3A_556 : vector<1x1x16xf32> to vector<16xf32>
        %mul3A_558 = arith.constant 8.000000e+00 : f32
        %mul3A_559 = vector.broadcast %mul3A_558 : f32 to vector<16xf32>
        %mul3A_560 = arith.mulf %get3A_557, %mul3A_559 : vector<16xf32>
        %swap3A_561 = arith.constant 4 : i32
        %swap3A_562 = arith.index_cast %swap3A_561 : i32 to index
        %swap3A_563 = arith.index_cast %add3A_503 : i32 to index
        %swap3A_564 = arith.constant 48 : index
        %swap3A_565 = tpu.vector_load %arg6[%swap3A_562, %swap3A_563, %swap3A_564] {strides = array<i32>} : memref<5x128x64xf32, #tpu.memory_space<vmem>>, vector<1x1x16xf32>,
        %swap3A_566 = vector.shape_cast %swap3A_565 : vector<1x1x16xf32> to vector<16xf32>
        %swap3A_567 = vector.shape_cast %mul3A_560 : vector<16xf32> to vector<1x1x16xf32>
        tpu.vector_store %arg6[%swap3A_562, %swap3A_563, %swap3A_564], %swap3A_567 {strides = array<i32>} : memref<5x128x64xf32, #tpu.memory_space<vmem>>, vector<1x1x16xf32>,
        %scan3A_568 = arith.constant 3 : i32
        %scan3A_569 = arith.addi %scan3A_361, %scan3A_568 : i32
        %mul3A_570 = arith.constant 1 : i32
        %mul3A_571 = arith.muli %scan3A_569, %mul3A_570 : i32
        %add3A_572 = arith.constant 0 : i32
        %add3A_573 = arith.addi %add3A_572, %mul3A_571 : i32
        %get3A_574 = arith.constant 4 : i32
        %get3A_575 = arith.index_cast %get3A_574 : i32 to index
        %get3A_576 = arith.index_cast %add3A_573 : i32 to index
        %get3A_577 = arith.constant 0 : index
        %get3A_578 = tpu.vector_load %arg6[%get3A_575, %get3A_576, %get3A_577] {strides = array<i32>} : memref<5x128x64xf32, #tpu.memory_space<vmem>>, vector<1x1x16xf32>,
        %get3A_579 = vector.shape_cast %get3A_578 : vector<1x1x16xf32> to vector<16xf32>
        %mul3A_580 = arith.constant 8.000000e+00 : f32
        %mul3A_581 = vector.broadcast %mul3A_580 : f32 to vector<16xf32>
        %mul3A_582 = arith.mulf %get3A_579, %mul3A_581 : vector<16xf32>
        %swap3A_583 = arith.constant 4 : i32
        %swap3A_584 = arith.index_cast %swap3A_583 : i32 to index
        %swap3A_585 = arith.index_cast %add3A_573 : i32 to index
        %swap3A_586 = arith.constant 0 : index
        %swap3A_587 = tpu.vector_load %arg6[%swap3A_584, %swap3A_585, %swap3A_586] {strides = array<i32>} : memref<5x128x64xf32, #tpu.memory_space<vmem>>, vector<1x1x16xf32>,
        %swap3A_588 = vector.shape_cast %swap3A_587 : vector<1x1x16xf32> to vector<16xf32>
        %swap3A_589 = vector.shape_cast %mul3A_582 : vector<16xf32> to vector<1x1x16xf32>
        tpu.vector_store %arg6[%swap3A_584, %swap3A_585, %swap3A_586], %swap3A_589 {strides = array<i32>} : memref<5x128x64xf32, #tpu.memory_space<vmem>>, vector<1x1x16xf32>,
        %get3A_590 = arith.constant 4 : i32
        %get3A_591 = arith.index_cast %get3A_590 : i32 to index
        %get3A_592 = arith.index_cast %add3A_573 : i32 to index
        %get3A_593 = arith.constant 16 : index
        %get3A_594 = tpu.vector_load %arg6[%get3A_591, %get3A_592, %get3A_593] {strides = array<i32>} : memref<5x128x64xf32, #tpu.memory_space<vmem>>, vector<1x1x16xf32>,
        %get3A_595 = vector.shape_cast %get3A_594 : vector<1x1x16xf32> to vector<16xf32>
        %mul3A_596 = arith.constant 8.000000e+00 : f32
        %mul3A_597 = vector.broadcast %mul3A_596 : f32 to vector<16xf32>
        %mul3A_598 = arith.mulf %get3A_595, %mul3A_597 : vector<16xf32>
        %swap3A_599 = arith.constant 4 : i32
        %swap3A_600 = arith.index_cast %swap3A_599 : i32 to index
        %swap3A_601 = arith.index_cast %add3A_573 : i32 to index
        %swap3A_602 = arith.constant 16 : index
        %swap3A_603 = tpu.vector_load %arg6[%swap3A_600, %swap3A_601, %swap3A_602] {strides = array<i32>} : memref<5x128x64xf32, #tpu.memory_space<vmem>>, vector<1x1x16xf32>,
        %swap3A_604 = vector.shape_cast %swap3A_603 : vector<1x1x16xf32> to vector<16xf32>
        %swap3A_605 = vector.shape_cast %mul3A_598 : vector<16xf32> to vector<1x1x16xf32>
        tpu.vector_store %arg6[%swap3A_600, %swap3A_601, %swap3A_602], %swap3A_605 {strides = array<i32>} : memref<5x128x64xf32, #tpu.memory_space<vmem>>, vector<1x1x16xf32>,
        %get3A_606 = arith.constant 4 : i32
        %get3A_607 = arith.index_cast %get3A_606 : i32 to index
        %get3A_608 = arith.index_cast %add3A_573 : i32 to index
        %get3A_609 = arith.constant 32 : index
        %get3A_610 = tpu.vector_load %arg6[%get3A_607, %get3A_608, %get3A_609] {strides = array<i32>} : memref<5x128x64xf32, #tpu.memory_space<vmem>>, vector<1x1x16xf32>,
        %get3A_611 = vector.shape_cast %get3A_610 : vector<1x1x16xf32> to vector<16xf32>
        %mul3A_612 = arith.constant 8.000000e+00 : f32
        %mul3A_613 = vector.broadcast %mul3A_612 : f32 to vector<16xf32>
        %mul3A_614 = arith.mulf %get3A_611, %mul3A_613 : vector<16xf32>
        %swap3A_615 = arith.constant 4 : i32
        %swap3A_616 = arith.index_cast %swap3A_615 : i32 to index
        %swap3A_617 = arith.index_cast %add3A_573 : i32 to index
        %swap3A_618 = arith.constant 32 : index
        %swap3A_619 = tpu.vector_load %arg6[%swap3A_616, %swap3A_617, %swap3A_618] {strides = array<i32>} : memref<5x128x64xf32, #tpu.memory_space<vmem>>, vector<1x1x16xf32>,
        %swap3A_620 = vector.shape_cast %swap3A_619 : vector<1x1x16xf32> to vector<16xf32>
        %swap3A_621 = vector.shape_cast %mul3A_614 : vector<16xf32> to vector<1x1x16xf32>
        tpu.vector_store %arg6[%swap3A_616, %swap3A_617, %swap3A_618], %swap3A_621 {strides = array<i32>} : memref<5x128x64xf32, #tpu.memory_space<vmem>>, vector<1x1x16xf32>,
        %get3A_622 = arith.constant 4 : i32
        %get3A_623 = arith.index_cast %get3A_622 : i32 to index
        %get3A_624 = arith.index_cast %add3A_573 : i32 to index
        %get3A_625 = arith.constant 48 : index
        %get3A_626 = tpu.vector_load %arg6[%get3A_623, %get3A_624, %get3A_625] {strides = array<i32>} : memref<5x128x64xf32, #tpu.memory_space<vmem>>, vector<1x1x16xf32>,
        %get3A_627 = vector.shape_cast %get3A_626 : vector<1x1x16xf32> to vector<16xf32>
        %mul3A_628 = arith.constant 8.000000e+00 : f32
        %mul3A_629 = vector.broadcast %mul3A_628 : f32 to vector<16xf32>
        %mul3A_630 = arith.mulf %get3A_627, %mul3A_629 : vector<16xf32>
        %swap3A_631 = arith.constant 4 : i32
        %swap3A_632 = arith.index_cast %swap3A_631 : i32 to index
        %swap3A_633 = arith.index_cast %add3A_573 : i32 to index
        %swap3A_634 = arith.constant 48 : index
        %swap3A_635 = tpu.vector_load %arg6[%swap3A_632, %swap3A_633, %swap3A_634] {strides = array<i32>} : memref<5x128x64xf32, #tpu.memory_space<vmem>>, vector<1x1x16xf32>,
        %swap3A_636 = vector.shape_cast %swap3A_635 : vector<1x1x16xf32> to vector<16xf32>
        %swap3A_637 = vector.shape_cast %mul3A_630 : vector<16xf32> to vector<1x1x16xf32>
        tpu.vector_store %arg6[%swap3A_632, %swap3A_633, %swap3A_634], %swap3A_637 {strides = array<i32>} : memref<5x128x64xf32, #tpu.memory_space<vmem>>, vector<1x1x16xf32>,
      }
      %scan3A_345 = arith.constant 128 : i32
      %add3A_346 = arith.addi %mul3A_2, %add3A_314 : i32
      %dma_start3A_347 = arith.constant 4 : i32
      %dma_start3A_348 = arith.constant 0 : i32
      %dma_start3A_349 = arith.constant 0 : i32
      %dma_start3A_350 = tpu.memref_slice %arg6[%dma_start3A_347, %dma_start3A_348, %dma_start3A_349] : memref<5x128x64xf32, #tpu.memory_space<vmem>> -> memref<1x128x64xf32, #tpu.memory_space<vmem>>
      %dma_start3A_351 = arith.constant 0 : i32
      %dma_start3A_352 = arith.constant 0 : i32
      %dma_start3A_353 = tpu.memref_slice %arg4[%add3A_346, %dma_start3A_351, %dma_start3A_352] : memref<6400x128x64xf32, #tpu.memory_space<hbm>> -> memref<1x128x64xf32, #tpu.memory_space<hbm>>
      %dma_start3A_354 = arith.constant 0 : i32
      %dma_start3A_355 = arith.constant 0 : i32
      %dma_start3A_356 = tpu.memref_slice %arg4[%add3A_346, %dma_start3A_354, %dma_start3A_355] : memref<6400x128x64xf32, #tpu.memory_space<hbm>> -> memref<1x128x64xf32, #tpu.memory_space<hbm>>
      %dma_start3A_357 = arith.constant 4 : i32
      %dma_start3A_358 = arith.constant 0 : i32
      %dma_start3A_359 = arith.constant 0 : i32
      %dma_start3A_360 = tpu.memref_slice %arg6[%dma_start3A_357, %dma_start3A_358, %dma_start3A_359] : memref<5x128x64xf32, #tpu.memory_space<vmem>> -> memref<1x128x64xf32, #tpu.memory_space<vmem>>
      tpu.enqueue_dma source(%dma_start3A_360 : memref<1x128x64xf32, #tpu.memory_space<vmem>>) target(%dma_start3A_356 : memref<1x128x64xf32, #tpu.memory_space<hbm>>) target_semaphore(%arg16 : memref<!tpu.dma_semaphore, #tpu.memory_space<semaphore_mem>>)
    }
    %scan3A_41 = arith.constant 40 : i32
    %add3A_42 = arith.constant 195 : i32
    %add3A_43 = arith.addi %mul3A_2, %add3A_42 : i32
    %dma_wait3A = arith.constant 0 : i32
    %dma_wait3A_44 = arith.constant 0 : i32
    %dma_wait3A_45 = arith.constant 0 : i32
    %dma_wait3A_46 = tpu.memref_slice %arg6[%dma_wait3A, %dma_wait3A_44, %dma_wait3A_45] : memref<5x128x64xf32, #tpu.memory_space<vmem>> -> memref<1x128x64xf32, #tpu.memory_space<vmem>>
    %dma_wait3A_47 = arith.constant 0 : i32
    %dma_wait3A_48 = arith.constant 0 : i32
    %dma_wait3A_49 = tpu.memref_slice %arg4[%add3A_43, %dma_wait3A_47, %dma_wait3A_48] : memref<6400x128x64xf32, #tpu.memory_space<hbm>> -> memref<1x128x64xf32, #tpu.memory_space<hbm>>
    %dma_wait3A_50 = arith.constant 0 : i32
    %dma_wait3A_51 = arith.constant 0 : i32
    %dma_wait3A_52 = tpu.memref_slice %arg4[%add3A_43, %dma_wait3A_50, %dma_wait3A_51] : memref<6400x128x64xf32, #tpu.memory_space<hbm>> -> memref<1x128x64xf32, #tpu.memory_space<hbm>>
    %dma_wait3A_53 = arith.constant 0 : i32
    %dma_wait3A_54 = arith.constant 0 : i32
    %dma_wait3A_55 = arith.constant 0 : i32
    %dma_wait3A_56 = tpu.memref_slice %arg6[%dma_wait3A_53, %dma_wait3A_54, %dma_wait3A_55] : memref<5x128x64xf32, #tpu.memory_space<vmem>> -> memref<1x128x64xf32, #tpu.memory_space<vmem>>
    tpu.wait_dma2 semaphore(%arg12 : memref<!tpu.dma_semaphore, #tpu.memory_space<semaphore_mem>>) src(%dma_wait3A_56 : memref<1x128x64xf32, #tpu.memory_space<vmem>>) dst(%dma_wait3A_52 : memref<1x128x64xf32, #tpu.memory_space<hbm>>)
    %add3A_57 = arith.constant 196 : i32
    %add3A_58 = arith.addi %mul3A_2, %add3A_57 : i32
    %dma_wait3A_59 = arith.constant 1 : i32
    %dma_wait3A_60 = arith.constant 0 : i32
    %dma_wait3A_61 = arith.constant 0 : i32
    %dma_wait3A_62 = tpu.memref_slice %arg6[%dma_wait3A_59, %dma_wait3A_60, %dma_wait3A_61] : memref<5x128x64xf32, #tpu.memory_space<vmem>> -> memref<1x128x64xf32, #tpu.memory_space<vmem>>
    %dma_wait3A_63 = arith.constant 0 : i32
    %dma_wait3A_64 = arith.constant 0 : i32
    %dma_wait3A_65 = tpu.memref_slice %arg4[%add3A_58, %dma_wait3A_63, %dma_wait3A_64] : memref<6400x128x64xf32, #tpu.memory_space<hbm>> -> memref<1x128x64xf32, #tpu.memory_space<hbm>>
    %dma_wait3A_66 = arith.constant 0 : i32
    %dma_wait3A_67 = arith.constant 0 : i32
    %dma_wait3A_68 = tpu.memref_slice %arg4[%add3A_58, %dma_wait3A_66, %dma_wait3A_67] : memref<6400x128x64xf32, #tpu.memory_space<hbm>> -> memref<1x128x64xf32, #tpu.memory_space<hbm>>
    %dma_wait3A_69 = arith.constant 1 : i32
    %dma_wait3A_70 = arith.constant 0 : i32
    %dma_wait3A_71 = arith.constant 0 : i32
    %dma_wait3A_72 = tpu.memref_slice %arg6[%dma_wait3A_69, %dma_wait3A_70, %dma_wait3A_71] : memref<5x128x64xf32, #tpu.memory_space<vmem>> -> memref<1x128x64xf32, #tpu.memory_space<vmem>>
    tpu.wait_dma2 semaphore(%arg13 : memref<!tpu.dma_semaphore, #tpu.memory_space<semaphore_mem>>) src(%dma_wait3A_72 : memref<1x128x64xf32, #tpu.memory_space<vmem>>) dst(%dma_wait3A_68 : memref<1x128x64xf32, #tpu.memory_space<hbm>>)
    %add3A_73 = arith.constant 197 : i32
    %add3A_74 = arith.addi %mul3A_2, %add3A_73 : i32
    %dma_wait3A_75 = arith.constant 2 : i32
    %dma_wait3A_76 = arith.constant 0 : i32
    %dma_wait3A_77 = arith.constant 0 : i32
    %dma_wait3A_78 = tpu.memref_slice %arg6[%dma_wait3A_75, %dma_wait3A_76, %dma_wait3A_77] : memref<5x128x64xf32, #tpu.memory_space<vmem>> -> memref<1x128x64xf32, #tpu.memory_space<vmem>>
    %dma_wait3A_79 = arith.constant 0 : i32
    %dma_wait3A_80 = arith.constant 0 : i32
    %dma_wait3A_81 = tpu.memref_slice %arg4[%add3A_74, %dma_wait3A_79, %dma_wait3A_80] : memref<6400x128x64xf32, #tpu.memory_space<hbm>> -> memref<1x128x64xf32, #tpu.memory_space<hbm>>
    %dma_wait3A_82 = arith.constant 0 : i32
    %dma_wait3A_83 = arith.constant 0 : i32
    %dma_wait3A_84 = tpu.memref_slice %arg4[%add3A_74, %dma_wait3A_82, %dma_wait3A_83] : memref<6400x128x64xf32, #tpu.memory_space<hbm>> -> memref<1x128x64xf32, #tpu.memory_space<hbm>>
    %dma_wait3A_85 = arith.constant 2 : i32
    %dma_wait3A_86 = arith.constant 0 : i32
    %dma_wait3A_87 = arith.constant 0 : i32
    %dma_wait3A_88 = tpu.memref_slice %arg6[%dma_wait3A_85, %dma_wait3A_86, %dma_wait3A_87] : memref<5x128x64xf32, #tpu.memory_space<vmem>> -> memref<1x128x64xf32, #tpu.memory_space<vmem>>
    tpu.wait_dma2 semaphore(%arg14 : memref<!tpu.dma_semaphore, #tpu.memory_space<semaphore_mem>>) src(%dma_wait3A_88 : memref<1x128x64xf32, #tpu.memory_space<vmem>>) dst(%dma_wait3A_84 : memref<1x128x64xf32, #tpu.memory_space<hbm>>)
    %add3A_89 = arith.constant 198 : i32
    %add3A_90 = arith.addi %mul3A_2, %add3A_89 : i32
    %dma_wait3A_91 = arith.constant 3 : i32
    %dma_wait3A_92 = arith.constant 0 : i32
    %dma_wait3A_93 = arith.constant 0 : i32
    %dma_wait3A_94 = tpu.memref_slice %arg6[%dma_wait3A_91, %dma_wait3A_92, %dma_wait3A_93] : memref<5x128x64xf32, #tpu.memory_space<vmem>> -> memref<1x128x64xf32, #tpu.memory_space<vmem>>
    %dma_wait3A_95 = arith.constant 0 : i32
    %dma_wait3A_96 = arith.constant 0 : i32
    %dma_wait3A_97 = tpu.memref_slice %arg4[%add3A_90, %dma_wait3A_95, %dma_wait3A_96] : memref<6400x128x64xf32, #tpu.memory_space<hbm>> -> memref<1x128x64xf32, #tpu.memory_space<hbm>>
    %dma_wait3A_98 = arith.constant 0 : i32
    %dma_wait3A_99 = arith.constant 0 : i32
    %dma_wait3A_100 = tpu.memref_slice %arg4[%add3A_90, %dma_wait3A_98, %dma_wait3A_99] : memref<6400x128x64xf32, #tpu.memory_space<hbm>> -> memref<1x128x64xf32, #tpu.memory_space<hbm>>
    %dma_wait3A_101 = arith.constant 3 : i32
    %dma_wait3A_102 = arith.constant 0 : i32
    %dma_wait3A_103 = arith.constant 0 : i32
    %dma_wait3A_104 = tpu.memref_slice %arg6[%dma_wait3A_101, %dma_wait3A_102, %dma_wait3A_103] : memref<5x128x64xf32, #tpu.memory_space<vmem>> -> memref<1x128x64xf32, #tpu.memory_space<vmem>>
    tpu.wait_dma2 semaphore(%arg15 : memref<!tpu.dma_semaphore, #tpu.memory_space<semaphore_mem>>) src(%dma_wait3A_104 : memref<1x128x64xf32, #tpu.memory_space<vmem>>) dst(%dma_wait3A_100 : memref<1x128x64xf32, #tpu.memory_space<hbm>>)
    %add3A_105 = arith.constant 199 : i32
    %add3A_106 = arith.addi %mul3A_2, %add3A_105 : i32
    %dma_wait3A_107 = arith.constant 4 : i32
    %dma_wait3A_108 = arith.constant 0 : i32
    %dma_wait3A_109 = arith.constant 0 : i32
    %dma_wait3A_110 = tpu.memref_slice %arg6[%dma_wait3A_107, %dma_wait3A_108, %dma_wait3A_109] : memref<5x128x64xf32, #tpu.memory_space<vmem>> -> memref<1x128x64xf32, #tpu.memory_space<vmem>>
    %dma_wait3A_111 = arith.constant 0 : i32
    %dma_wait3A_112 = arith.constant 0 : i32
    %dma_wait3A_113 = tpu.memref_slice %arg4[%add3A_106, %dma_wait3A_111, %dma_wait3A_112] : memref<6400x128x64xf32, #tpu.memory_space<hbm>> -> memref<1x128x64xf32, #tpu.memory_space<hbm>>
    %dma_wait3A_114 = arith.constant 0 : i32
    %dma_wait3A_115 = arith.constant 0 : i32
    %dma_wait3A_116 = tpu.memref_slice %arg4[%add3A_106, %dma_wait3A_114, %dma_wait3A_115] : memref<6400x128x64xf32, #tpu.memory_space<hbm>> -> memref<1x128x64xf32, #tpu.memory_space<hbm>>
    %dma_wait3A_117 = arith.constant 4 : i32
    %dma_wait3A_118 = arith.constant 0 : i32
    %dma_wait3A_119 = arith.constant 0 : i32
    %dma_wait3A_120 = tpu.memref_slice %arg6[%dma_wait3A_117, %dma_wait3A_118, %dma_wait3A_119] : memref<5x128x64xf32, #tpu.memory_space<vmem>> -> memref<1x128x64xf32, #tpu.memory_space<vmem>>
    tpu.wait_dma2 semaphore(%arg16 : memref<!tpu.dma_semaphore, #tpu.memory_space<semaphore_mem>>) src(%dma_wait3A_120 : memref<1x128x64xf32, #tpu.memory_space<vmem>>) dst(%dma_wait3A_116 : memref<1x128x64xf32, #tpu.memory_space<hbm>>)
    return
  }
}

</mosaic_0001>

<sc_bundles>
// kernel: kernel.3.cloned.1.call-start
scs
__scs_entry_jumppad:
0x0: {  	(pc) =	sbr.rel $0x88, $3  }
0x1: {  	(tag) =	ssettag $0x0;
	lr =	simm.s32 $0x1  }
0x2: {  	[smem:$0x3F9F] =	sst lr;
	_ =	strace $0xD0000000  }
0x3: {  	_ = 	snop  }
0x4: {  	_ = 	snop  }
0x5: {  	_ = 	snop  }
0x6: {  	_ = 	snop  }
0x7: {  	_ = 	snop  }
__scs_overlays_trampoline_lowered:
0x8: {  	[smem:$0x3FAE] =	sst s0  }
0x9: {  	[smem:$0x3FAF] =	sst s1  }
0xa: {  	[smem:$0x3FB0] =	sst s2  }
0xb: {  	[smem:$0x3FB1] =	sst s3  }
0xc: {  	[smem:$0x3FB2] =	sst s4  }
0xd: {  	[smem:$0x3FB3] =	sst s5  }
0xe: {  	[smem:$0x3FB4] =	sst s6  }
0xf: {  	[smem:$0x3FB5] =	sst s7  }
0x10: {  	[smem:$0x3FB6] =	sst s8  }
0x11: {  	[smem:$0x3FB7] =	sst s9;
	s0 =	simm.s32 @!p0 $0x0  }
0x12: {  	s1 =	sld [smem:$0x3F9D];
	s0 =	simm.s32 @p0 $0x1  }
0x13: {  	[smem:$0x3FB8] =	sst s0;
	s0 =	simm.s32 @!p1 $0x0  }
0x14: {  	s2 =	sld [smem:$0x3F9C];
	s0 =	simm.s32 @p1 $0x1  }
0x15: {  	[smem:$0x3FB9] =	sst s0;
	s0 =	simm.s32 @!p2 $0x0  }
0x16: {  	s3 =	sld [smem:$0x3FDB];
	s0 =	simm.s32 @p2 $0x1  }
0x17: {  	s4 =	simm.s32 $0x1BF5;
	[smem:$0x3FBB] =	sst s0  }
0x18: {  	s0 =	sld [smem:$0x3F9E];
	_ =	swait.ge [sflag:s4], $0x0  }
0x19: {  	s7 =	sld [smem:$0x3F9F]  }
0x1a: {  	s8 =	sadd.s32 $0xFFFFE003, lr  }
0x1b: {  	s9 =	sadd.s32 $0xFFFFFEF7, lr;
	s5 =	simm.s32 $0xFFFFFFFF;
	p2 =	slt.u32 s8, $0xFFFFF086  }
0x1c: {  	p1 =	slt.u32 s9, $0xF7A;
	s5 =	simm.s32 @!p2 $0x0  }
0x1d: {  	s5 =	simm.s32 @p1 $0x1;
	p0 =	seq.s32 s7, s2  }
0x1e: {  	s7 =	smul.u32 @!p0 $0xF7A, s2;
	p2 =	seq.s32 @!p0 s5, $0x0  }
0x1f: {  	s9 =	smul.u32 $0xF7A, s1;
	s8 =	simm.s32 @!p0 $0x1BF5;
	p2 =	por !p2, p0  }
0x20: {  	[sflag:s8] =	ssyncset.s32 @!p0 $0xFFFFF086;
	s6 =	sadd.s32 @!p0 s3, s7;
	s7 =	simm.s32 @!p0 $0x108  }
0x21: {  	s3 =	sadd.s32 s3, s9;
	s6 =	sadd.s32 @!p0 $0x88, s6;
	s7 =	simm.s32 @p2 $0x1082  }
0x22: {  	[simem:s7], [sflag:s8] =	dma.local @!p0 [hbm:s6], $0xF7A  }
0x23: {  	s9 =	sor.u32 $0xD0000000, s2;
	s6 =	simm.s32 $0x108;
	_ =	swait.ge @!p0 [sflag:s8], $0x0  }
0x24: {  	s3 =	sadd.s32 $0x88, s3;
	s6 =	simm.s32 @!p1 $0x1082;
	[sflag:s4] =	ssyncset.s32 $0xFFFFF086  }
0x25: {  	[simem:s6], [sflag:s4] =	dma.local [hbm:s3], $0xF7A  }
0x26: {  	[smem:$0x3F9F] =	sst s1;
	(tag) =	ssettag s2;
	_ =	strace s9  }
0x27: {  	s1 =	sld [smem:$0x3FAF]  }
0x28: {  	s2 =	sld [smem:$0x3FB0]  }
0x29: {  	s4 =	sld [smem:$0x3FB2]  }
0x2a: {  	p0 =	seq.s32 s5, $0x0;
	s5 =	sld [smem:$0x3FB3]  }
0x2b: {  	s6 =	sld [smem:$0x3FB4]  }
0x2c: {  	s7 =	sld [smem:$0x3FB5]  }
0x2d: {  	s3 =	simm.s32 $0x108;
	s8 =	sld [smem:$0x3FB6]  }
0x2e: {  	s3 =	simm.s32 @!p0 $0x1082;
	s9 =	sld [smem:$0x3FB7]  }
0x2f: {  	lr =	sadd.s32 s0, s3;
	s0 =	sld [smem:$0x3FAE]  }
0x30: {  	s3 =	sld [smem:$0x3FB1]  }
0x31: {  	[smem:$0x3FBA] =	sst s10  }
0x32: {  	s10 =	sld [smem:$0x3FB8];
	_ =	sdelay $0x3  }
0x33: {  	p0 =	seq.s32 s10, $0x1;
	s10 =	sld [smem:$0x3FBA];
	_ =	sdelay $0x3  }
0x34: {  	[smem:$0x3FBA] =	sst s10  }
0x35: {  	s10 =	sld [smem:$0x3FB9];
	_ =	sdelay $0x3  }
0x36: {  	p1 =	seq.s32 s10, $0x1;
	s10 =	sld [smem:$0x3FBA];
	_ =	sdelay $0x3  }
0x37: {  	[smem:$0x3FBA] =	sst s10  }
0x38: {  	s10 =	sld [smem:$0x3FBB]  }
0x39: {  	_ = 	snop;
	(pc) =	sbr.ind lr, $3  }
0x3a: {  	_ = 	snop  }
0x3b: {  	_ = 	snop  }
0x3c: {  	p2 =	seq.s32 s10, $0x1;
	s10 =	sld [smem:$0x3FBA]  }
0x3d: {  	_ =	shalt  }
0x3e: {  	_ =	shalt  }
0x3f: {  	_ =	shalt  }
0x40: {  	_ =	shalt  }
0x41: {  	_ =	shalt  }
0x42: {  	_ =	shalt  }
0x43: {  	_ =	shalt  }
0x44: {  	_ =	shalt  }
0x45: {  	_ =	shalt  }
0x46: {  	_ =	shalt  }
0x47: {  	_ =	shalt  }
0x48: {  	_ =	shalt  }
0x49: {  	_ =	shalt  }
0x4a: {  	_ =	shalt  }
0x4b: {  	_ =	shalt  }
0x4c: {  	_ =	shalt  }
0x4d: {  	_ =	shalt  }
0x4e: {  	_ =	shalt  }
0x4f: {  	_ =	shalt  }
0x50: {  	_ =	shalt  }
0x51: {  	_ =	shalt  }
0x52: {  	_ =	shalt  }
0x53: {  	_ =	shalt  }
0x54: {  	_ =	shalt  }
0x55: {  	_ =	shalt  }
0x56: {  	_ =	shalt  }
0x57: {  	_ =	shalt  }
0x58: {  	_ =	shalt  }
0x59: {  	_ =	shalt  }
0x5a: {  	_ =	shalt  }
0x5b: {  	_ =	shalt  }
0x5c: {  	_ =	shalt  }
0x5d: {  	_ =	shalt  }
0x5e: {  	_ =	shalt  }
0x5f: {  	_ =	shalt  }
0x60: {  	_ =	shalt  }
0x61: {  	_ =	shalt  }
0x62: {  	_ =	shalt  }
0x63: {  	_ =	shalt  }
0x64: {  	_ =	shalt  }
0x65: {  	_ =	shalt  }
0x66: {  	_ =	shalt  }
0x67: {  	_ =	shalt  }
0x68: {  	_ =	shalt  }
0x69: {  	_ =	shalt  }
0x6a: {  	_ =	shalt  }
0x6b: {  	_ =	shalt  }
0x6c: {  	_ =	shalt  }
0x6d: {  	_ =	shalt  }
0x6e: {  	_ =	shalt  }
0x6f: {  	_ =	shalt  }
0x70: {  	_ =	shalt  }
0x71: {  	_ =	shalt  }
0x72: {  	_ =	shalt  }
0x73: {  	_ =	shalt  }
0x74: {  	_ =	shalt  }
0x75: {  	_ =	shalt  }
0x76: {  	_ =	shalt  }
0x77: {  	_ =	shalt  }
0x78: {  	_ =	shalt  }
0x79: {  	_ =	shalt  }
0x7a: {  	_ =	shalt  }
0x7b: {  	_ =	shalt  }
0x7c: {  	_ =	shalt  }
0x7d: {  	_ =	shalt  }
0x7e: {  	_ =	shalt  }
0x7f: {  	_ =	shalt  }
0x80: {  	_ =	shalt  }
0x81: {  	_ =	shalt  }
0x82: {  	_ =	shalt  }
0x83: {  	_ =	shalt  }
0x84: {  	_ =	shalt  }
0x85: {  	_ =	shalt  }
0x86: {  	_ =	shalt  }
0x87: {  	_ =	shalt  }
.Lfunc_end0:
.L_simem_size_0:
called_computation.1_lowered:
.L_overlay_start_0:
0x88: {  	s2 =	sld [smem:$0x3FD9]  }
0x89: {  	s3 =	sld [smem:$0x3FFE];
	_ =	sdelay $0x1  }
0x8a: {  	s1 =	srdreg.scid  }
0x8b: {  	s0 =	sand.u32 $0x1, s1  }
0x8c: {  	s17 =	sshll.u32 s0, $0xA;
	s2 =	sadd.s32 s3, s2  }
0x8d: {  	s2 =	sadd.s32 s2, s17  }
0x8e: {  	[smem:$0x3FC6] =	sst s2  }
0x8f: {  	_ = 	snop  }
0x90: {  	s2 =	sld [smem:$0x3FD0];
	(tm) =	ssettm $0x1  }
0x91: {  	s18 =	sld [smem:$0x3FFB];
	_ =	sdelay $0x3  }
0x92: {  	_ =	strace s18  }
0x93: {  	s3 =	sld [smem:$0x3FFC];
	_ =	sdelay $0x3  }
0x94: {  	_ =	strace s3  }
0x95: {  	s3 =	sld [smem:$0x3FFD];
	_ =	sdelay $0x3  }
0x96: {  	_ =	strace s3  }
0x97: {  	_ =	strace $0x8FFFFFFF  }
0x98: {  	s19 =	sld [smem:$0x3FDB];
	_ =	sdelay $0x1  }
0x99: {  	s4 =	simm.s32 $_scs_section_size  }
0x9a: {  	s5 =	simm.s32 $_size__tile_overlayer_lowered;
	s6 =	simm.s32 $_tile_overlayer_lowered  }
0x9b: {  	s22 =	simm.s32 $0x1BFF;
	s21 =	sshll.u32 s6, $0x1;
	s3 =	sadd.s32 s4, s19  }
0x9c: {  	s7 =	simm.s32 $0x0;
	s20 =	sshll.u32 s5, $0x1;
	s5 =	sadd.s32 s21, s3  }
0x9d: {  	[timem:s7], [sflag:s22] =	dma.local [hbm:s5], s20  }
0x9e: {  	_ =	swait.ge [sflag:s22], s20  }
0x9f: {  	s4 =	ssub.s32 $0x0, s20;
	[sflag:s22] =	ssyncset.done $0x0  }
0xa0: {  	[sflag:s22] =	ssyncadd.s32 s4;
	_ =	sdelay $0x1  }
0xa1: {  	s23 =	simm.s32 $0x1B8B  }
0xa2: {  	_ =	swait.ge [sflag:s23], $0x1  }
0xa3: {  	[sflag:s23] =	ssyncset.done $0x0  }
0xa4: {  	s25 =	simm.s32 $0x1B8E;
	s24 =	sld [smem:$0x3FFE];
	[sflag:s23] =	ssyncadd.s32 $0xFFFFFFFF  }
0xa5: {  	s26 =	simm.s32 $execute0_lowered;
	[smem:$0x3FD2] =	sst s25  }
0xa6: {  	s5 =	sshll.u32 s26, $0x1;
	_ =	strace $0x80000046;
	[dreg:$0x1] =	wrdreg $0xFFFFFFFF  }
0xa7: {  	s28 =	simm.s32 $_size_execute0_lowered;
	s3 =	sadd.s32 s3, s5;
	[dreg:$0x0] =	wrdreg $0x0  }
0xa8: {  	s5 =	sshll.u32 s28, $0x1;
	[dreg:$0x2] =	wrdreg s3  }
0xa9: {  	[dreg:$0x3] =	wrdreg s5  }
0xaa: {  	[dreg:$0x4] =	wrdreg $0xC0  }
0xab: {  	_ =	task [dreg:s7], $0x5FFFF  }
0xac: {  	[dreg:$0x1] =	wrdreg $0xFFFFFFFF  }
0xad: {  	[dreg:$0x0] =	wrdreg $0x60  }
0xae: {  	[dreg:$0x2] =	wrdreg s24  }
0xaf: {  	[dreg:$0x3] =	wrdreg s2  }
0xb0: {  	[dreg:$0x4] =	wrdreg $0x9  }
0xb1: {  	_ =	task.clear_ibuf [dreg:s7], $0x5FFFF;
	_ =	strace $0x90000046  }
0xb2: {  	s29 =	simm.s32 $0x9;
	_ =	strace $0x80000048  }
0xb3: {  	_ =	swait.ge [sflag:s29], $0x1  }
0xb4: {  	[sflag:s29] =	ssyncadd.s32 $0xFFFFFFFF  }
0xb5: {  	_ =	strace $0x90000048  }
0xb6: {  	_ =	sfence  }
0xb7: {  	s30 =	sld [smem:$0x0];
	_ =	sdelay $0x2  }
0xb8: {  	s31 =	sshll.u32 s1, $0xD;
	s1 =	sshrl.u32 s1, $0x2  }
0xb9: {  	s3 =	sand.u32 $0x4000, s31;
	s1 =	sadd.s32 s1, s30  }
0xba: {  	s0 =	sor.u32 s3, s0;
	s1 =	sshll.u32 s1, $0x11  }
0xbb: {  	s0 =	sor.u32 s1, s0  }
0xbc: {  	s0 =	sadd.s32 $0x8F2B, s0  }
0xbd: {  	[sflag:s0] =	ssyncadd.remote.s32 $0x1  }
0xbe: {  	_ =	sfence.sel $0xFFFF  }
0xbf: {  	[dreg:$0x0] =	wrdreg $0xFFFFFFFF;
	(pc) =	sbr.abs _section_cstart, $3  }
0xc0: {  	[dreg:$0x1] =	wrdreg $0xFFFFFFFF  }
0xc1: {  	_ =	task.clear_ibuf [dreg:s7], $0x2FFFF;
	_ =	strace $0x9FFFFFFF  }
0xc2: {  	(tm) =	ssettm $0x7FFFFFFF  }
0xc3: {  	_ =	shalt  }
tec
execute0_lowered:
.L_overlay_start_1:
0x0: {  	(tag) =	ssettag $0x1  }
0x1: {  	s0 =	rddreg [dreg:$0x0];
	s1 =	srdreg.scid  }
0x2: {  	s3 =	stileid.u32;
	s2 =	rddreg [dreg:$0x1]  }
0x3: {  	s11 =	simm.s32 $0x80;
	s12 =	simm.s32 $0x6400;
	s13 =	simm.s32 $0x8400  }
0x4: {  	s15 =	simm.s32 $0xA400;
	s16 =	simm.s32 $0xC400;
	s17 =	simm.s32 $0x1  }
0x5: {  	s18 =	simm.s32 $0xE400;
	s19 =	simm.s32 $0x2;
	s20 =	simm.s32 $0x3  }
0x6: {  	s21 =	simm.s32 $0x4;
	s22 =	simm.s32 $0x5;
	s23 =	simm.s32 $0x6  }
0x7: {  	s24 =	simm.s32 $0x7;
	s25 =	simm.s32 $0x8;
	s26 =	simm.s32 $0x9  }
0x8: {  	s28 =	simm.s32 $0xA;
	s1 =	sand.u32 $0x1, s1;
	s4 =	sshll.u32 s3, $0x1  }
0x9: {  	s29 =	simm.s32 $0x0;
	s4 =	sor.u32 s1, s4;
	s1 =	ssub.s32 $0x2, s1  }
0xa: {  	s3 =	simm.s32 $0x0;
	s6 =	smul.u32 $0xC80, s4;
	s30 =	sshrl.u32 s1, $0x1  }
0xb: {  	s5 =	sadd.s32 $0xF42E00, s0;
	[smem:$0x7FF] =	sst s3;
	s1 =	ssub.s32 s1, s30  }
0xc: {  	s4 =	smul.u32 $0xC8, s4;
	s0 =	sadd.s32 s6, s0;
	s31 =	smax.u32 s1, $0x1  }
0xd: {  	_ =	strace $0x80000047;
	s0 =	sadd.s32 $0xA00, s0;
	[dreg:$0x4] =	wrdreg s31  }
0xe: {  	s7 =	sor.u32 $0x1, s4;
	s8 =	sor.u32 $0x2, s4;
	[dreg:$0x3] =	wrdreg s0  }
.LBB2_1:
0xf: {  	s0 =	rddreg [dreg:$0x3];
	s14 =	simm.s32 $0xB  }
0x10: {  	[tilespmem:s3], [sflag:$0xB] =	stream.linear.gather [hbm4b:s0+s3], $0x6400, $0x38;
	[tilespmem:$0x10400] =	vst v63  }
0x11: {  	_ =	swait.ge [sflag:s14], $0x6400  }
0x12: {  	[sflag:s14] =	ssyncset.done $0x0  }
0x13: {  	[sflag:s14] =	ssyncadd.s32 $0xFFFF9C00  }
0x14: {  	[tilespmem:s12], [sflag:$0x1] =	stream.indirect.gather [hbm4b:s5+s11], $0x40, s3, s11, $0xb8;
	[tilespmem:$0x10400] =	vst v63  }
0x15: {  	_ = 	snop  }
0x16: {  	[tilespmem:s13], [sflag:$0x2] =	stream.indirect.gather [hbm4b:s5+s11], $0x40, s11, s11, $0xb8;
	[tilespmem:$0x10400] =	vst v63  }
0x17: {  	s31 =	simm.s32 $0x100;
	s30 =	simm.s32 $0x0  }
0x18: {  	[tilespmem:s15], [sflag:$0x3] =	stream.indirect.gather [hbm4b:s5+s11], $0x40, s31, s11, $0xb8;
	[tilespmem:$0x10400] =	vst v63  }
.LBB2_2:
0x19: {  	s0 =	smul.u32 $0x5, s30;
	_ =	sdelay $0x1  }
0x1a: {  	s1 =	sadd.s32 $0xFFFFFFFE, s0  }
0x1b: {  	p0 =	sgt.u32 s1, $0xC2  }
0x1c: {  	s1 =	simm.s32 @!p0 $0x9  }
0x1d: {  	s31 =	sadd.s32 $0x3, s0;
	_ =	swait.ge @!p0 [sflag:s1], $0x2000  }
0x1e: {  	s6 =	sshll.u32 s31, $0x7;
	[sflag:s1] =	ssyncset.done @!p0 $0x0  }
0x1f: {  	s14 =	sand.u32 $0x3FFFFF80, s6;
	[sflag:s1] =	ssyncadd.s32 @!p0 $0xFFFFE000  }
0x20: {  	[tilespmem:s16], [sflag:$0x4] =	stream.indirect.gather [hbm4b:s5+s11], $0x40, s14, s11, $0xb8;
	[tilespmem:$0x10400] =	vst v63  }
0x21: {  	_ =	swait.ge [sflag:s17], $0x2000  }
0x22: {  	[sflag:s17] =	ssyncset.done $0x0  }
0x23: {  	s1 =	simm.s32 $0x6480;
	[sflag:s17] =	ssyncadd.s32 $0xFFFFE000  }
0x24: {  	v0 =	vld [tilespmem:s1+$0xFFFFFF80]  }
0x25: {  	v1 =	vld [tilespmem:s1+$0xFFFFFF90]  }
0x26: {  	v2 =	vld [tilespmem:s1+$0xFFFFFFA0]  }
0x27: {  	v3 =	vld [tilespmem:s1+$0xFFFFFFB0]  }
0x28: {  	v4 =	vld [tilespmem:s1+$0xFFFFFFC0]  }
0x29: {  	v5 =	vld [tilespmem:s1+$0xFFFFFFD0];
	v0 =	vmul.f32 $8.000000000e+00, v0  }
0x2a: {  	v6 =	vld [tilespmem:s1+$0xFFFFFFE0];
	v1 =	vmul.f32 $8.000000000e+00, v1  }
0x2b: {  	[tilespmem:s1+$0xFFFFFF80] =	vst v0;
	v0 =	vmul.f32 $8.000000000e+00, v2;
	v2 =	vld [tilespmem:s1+$0x0]  }
0x2c: {  	[tilespmem:s1+$0xFFFFFF90] =	vst v1;
	v1 =	vmul.f32 $8.000000000e+00, v3;
	v3 =	vld [tilespmem:s1+$0x10]  }
0x2d: {  	[tilespmem:s1+$0xFFFFFFA0] =	vst v0;
	v0 =	vmul.f32 $8.000000000e+00, v4;
	v4 =	vld [tilespmem:s1+$0x20]  }
0x2e: {  	v7 =	vld [tilespmem:s1+$0x30];
	[tilespmem:s1+$0xFFFFFFB0] =	vst v1;
	v1 =	vmul.f32 $8.000000000e+00, v5  }
0x2f: {  	v5 =	vmul.f32 $8.000000000e+00, v6;
	[tilespmem:s1+$0xFFFFFFC0] =	vst v0;
	v0 =	vld [tilespmem:s1+$0x40]  }
0x30: {  	[tilespmem:s1+$0xFFFFFFD0] =	vst v1;
	v1 =	vld [tilespmem:s1+$0x50];
	v2 =	vmul.f32 $8.000000000e+00, v2  }
0x31: {  	[tilespmem:s1+$0xFFFFFFE0] =	vst v5;
	v6 =	vmul.f32 $8.000000000e+00, v3;
	v3 =	vld [tilespmem:s1+$0x60]  }
0x32: {  	[tilespmem:s1+$0x0] =	vst v2;
	v5 =	vmul.f32 $8.000000000e+00, v4;
	v4 =	vld [tilespmem:s1+$0x70]  }
0x33: {  	s9 =	simm.s32 $0x6580;
	s6 =	simm.s32 $0x0;
	v2 =	vld [tilespmem:s1+$0xFFFFFFF0];
	[tilespmem:s1+$0x10] =	vst v6;
	v6 =	vmul.f32 $8.000000000e+00, v7  }
.LBB2_3:
0x34: {  	v7 =	vld [tilespmem:s9+$0xFFFFFF80];
	[tilespmem:s1+$0x20] =	vst v5;
	v0 =	vmul.f32 $8.000000000e+00, v0  }
0x35: {  	v5 =	vld [tilespmem:s9+$0xFFFFFF90];
	[tilespmem:s1+$0x30] =	vst v6;
	v1 =	vmul.f32 $8.000000000e+00, v1  }
0x36: {  	v6 =	vld [tilespmem:s9+$0xFFFFFFA0];
	[tilespmem:s1+$0x40] =	vst v0;
	v0 =	vmul.f32 $8.000000000e+00, v3  }
0x37: {  	v3 =	vld [tilespmem:s9+$0xFFFFFFB0];
	[tilespmem:s1+$0x50] =	vst v1;
	v1 =	vmul.f32 $8.000000000e+00, v4  }
0x38: {  	v4 =	vld [tilespmem:s9+$0xFFFFFFC0];
	v2 =	vmul.f32 $8.000000000e+00, v2;
	[tilespmem:s1+$0x60] =	vst v0  }
0x39: {  	v0 =	vmul.f32 $8.000000000e+00, v7;
	v7 =	vld [tilespmem:s9+$0xFFFFFFD0];
	[tilespmem:s1+$0x70] =	vst v1  }
0x3a: {  	v1 =	vmul.f32 $8.000000000e+00, v5;
	v5 =	vld [tilespmem:s9+$0xFFFFFFE0];
	[tilespmem:s1+$0xFFFFFFF0] =	vst v2;
	s1 =	smov.u32 s9  }
0x3b: {  	[tilespmem:s9+$0xFFFFFF80] =	vst v0;
	v0 =	vmul.f32 $8.000000000e+00, v6;
	v2 =	vld [tilespmem:s9+$0x0]  }
0x3c: {  	[tilespmem:s9+$0xFFFFFF90] =	vst v1;
	v1 =	vmul.f32 $8.000000000e+00, v3;
	v3 =	vld [tilespmem:s9+$0x10]  }
0x3d: {  	s6 =	sadd.s32 $0x4, s6;
	[tilespmem:s9+$0xFFFFFFA0] =	vst v0;
	v0 =	vmul.f32 $8.000000000e+00, v4;
	v4 =	vld [tilespmem:s9+$0x20]  }
0x3e: {  	p0 =	slt.u32 s6, $0x7C;
	[tilespmem:s9+$0xFFFFFFB0] =	vst v1;
	v1 =	vmul.f32 $8.000000000e+00, v7;
	v6 =	vld [tilespmem:s9+$0x30]  }
.Ltmp0:
0x3f: {  	[tilespmem:s9+$0xFFFFFFC0] =	vst v0;
	v5 =	vmul.f32 $8.000000000e+00, v5;
	v0 =	vld [tilespmem:s9+$0x40];
	(pc) =	sbr.rel @p0 .LBB2_3-.Ltmp0, $4  }
0x40: {  	[tilespmem:s9+$0xFFFFFFD0] =	vst v1;
	v2 =	vmul.f32 $8.000000000e+00, v2;
	v1 =	vld [tilespmem:s9+$0x50]  }
0x41: {  	[tilespmem:s9+$0xFFFFFFE0] =	vst v5;
	v7 =	vmul.f32 $8.000000000e+00, v3;
	v3 =	vld [tilespmem:s9+$0x60]  }
0x42: {  	[tilespmem:s9+$0x0] =	vst v2;
	v5 =	vmul.f32 $8.000000000e+00, v4;
	v4 =	vld [tilespmem:s9+$0x70]  }
0x43: {  	s9 =	sadd.s32 $0x100, s9;
	v2 =	vld [tilespmem:s1+$0xFFFFFFF0];
	[tilespmem:s1+$0x10] =	vst v7;
	v6 =	vmul.f32 $8.000000000e+00, v6  }
0x44: {  	[tilespmem:s1+$0x20] =	vst v5;
	v0 =	vmul.f32 $8.000000000e+00, v0  }
0x45: {  	[tilespmem:s1+$0x30] =	vst v6;
	v1 =	vmul.f32 $8.000000000e+00, v1  }
0x46: {  	[tilespmem:s1+$0x40] =	vst v0;
	v0 =	vmul.f32 $8.000000000e+00, v3  }
0x47: {  	[tilespmem:s1+$0x50] =	vst v1;
	v1 =	vmul.f32 $8.000000000e+00, v4  }
0x48: {  	s6 =	sadd.s32 s4, s0;
	s10 =	sadd.s32 $0xFFFFFFFF, s0;
	v2 =	vmul.f32 $8.000000000e+00, v2;
	[tilespmem:s1+$0x60] =	vst v0  }
0x49: {  	s6 =	sshll.u32 s6, $0xA;
	p0 =	sgt.u32 s10, $0xC2;
	[tilespmem:s1+$0x70] =	vst v1  }
0x4a: {  	s9 =	sadd.s32 s2, s6;
	s6 =	simm.s32 @!p0 $0xA;
	[tilespmem:s1+$0xFFFFFFF0] =	vst v2  }
0x4b: {  	[hbm4b:s9+s3] =	stream.linear.scatter [tilespmem:s12], [sflag:$0x6], $0x2000, $0x38;
	[tilespmem:$0x10400] =	vst v63  }
0x4c: {  	s1 =	sadd.s32 $0x4, s0;
	_ =	swait.ge @!p0 [sflag:s6], $0x2000  }
0x4d: {  	s9 =	sshll.u32 s1, $0x7;
	[sflag:s6] =	ssyncset.done @!p0 $0x0  }
0x4e: {  	s14 =	sand.u32 $0x3FFFFF80, s9;
	[sflag:s6] =	ssyncadd.s32 @!p0 $0xFFFFE000  }
0x4f: {  	[tilespmem:s18], [sflag:$0x5] =	stream.indirect.gather [hbm4b:s5+s11], $0x40, s14, s11, $0xb8;
	[tilespmem:$0x10400] =	vst v63  }
0x50: {  	_ =	swait.ge [sflag:s19], $0x2000  }
0x51: {  	[sflag:s19] =	ssyncset.done $0x0  }
0x52: {  	s14 =	simm.s32 $0x84F0;
	[sflag:s19] =	ssyncadd.s32 $0xFFFFE000  }
0x53: {  	v0 =	vld [tilespmem:s14+$0xFFFFFF10]  }
0x54: {  	v1 =	vld [tilespmem:s14+$0xFFFFFF20]  }
0x55: {  	v2 =	vld [tilespmem:s14+$0xFFFFFF30]  }
0x56: {  	v3 =	vld [tilespmem:s14+$0xFFFFFF40]  }
0x57: {  	v4 =	vld [tilespmem:s14+$0xFFFFFF50]  }
0x58: {  	v5 =	vld [tilespmem:s14+$0xFFFFFF60];
	v0 =	vmul.f32 $8.000000000e+00, v0  }
0x59: {  	v6 =	vld [tilespmem:s14+$0xFFFFFF70];
	v1 =	vmul.f32 $8.000000000e+00, v1  }
0x5a: {  	[tilespmem:s14+$0xFFFFFF10] =	vst v0;
	v0 =	vmul.f32 $8.000000000e+00, v2;
	v2 =	vld [tilespmem:s14+$0xFFFFFF80]  }
0x5b: {  	[tilespmem:s14+$0xFFFFFF20] =	vst v1;
	v1 =	vmul.f32 $8.000000000e+00, v3;
	v3 =	vld [tilespmem:s14+$0xFFFFFF90]  }
0x5c: {  	[tilespmem:s14+$0xFFFFFF30] =	vst v0;
	v0 =	vmul.f32 $8.000000000e+00, v4;
	v4 =	vld [tilespmem:s14+$0xFFFFFFA0]  }
0x5d: {  	v7 =	vld [tilespmem:s14+$0xFFFFFFB0];
	[tilespmem:s14+$0xFFFFFF40] =	vst v1;
	v1 =	vmul.f32 $8.000000000e+00, v5  }
0x5e: {  	v5 =	vmul.f32 $8.000000000e+00, v6;
	[tilespmem:s14+$0xFFFFFF50] =	vst v0;
	v0 =	vld [tilespmem:s14+$0xFFFFFFC0]  }
0x5f: {  	[tilespmem:s14+$0xFFFFFF60] =	vst v1;
	v1 =	vld [tilespmem:s14+$0xFFFFFFD0];
	v6 =	vmul.f32 $8.000000000e+00, v2  }
0x60: {  	[tilespmem:s14+$0xFFFFFF70] =	vst v5;
	v8 =	vmul.f32 $8.000000000e+00, v3;
	v2 =	vld [tilespmem:s14+$0xFFFFFFE0]  }
0x61: {  	v3 =	vld [tilespmem:s14+$0x0];
	[tilespmem:s14+$0xFFFFFF80] =	vst v6;
	v5 =	vmul.f32 $8.000000000e+00, v4  }
0x62: {  	s9 =	simm.s32 $0x85F0;
	s6 =	simm.s32 $0x0;
	[tilespmem:s14+$0xFFFFFF90] =	vst v8;
	v6 =	vmul.f32 $8.000000000e+00, v7;
	v4 =	vld [tilespmem:s14+$0xFFFFFFF0]  }
.LBB2_5:
0x63: {  	v7 =	vld [tilespmem:s9+$0xFFFFFF10];
	[tilespmem:s14+$0xFFFFFFA0] =	vst v5;
	v0 =	vmul.f32 $8.000000000e+00, v0  }
0x64: {  	v5 =	vld [tilespmem:s9+$0xFFFFFF20];
	[tilespmem:s14+$0xFFFFFFB0] =	vst v6;
	v1 =	vmul.f32 $8.000000000e+00, v1  }
0x65: {  	v6 =	vld [tilespmem:s9+$0xFFFFFF30];
	[tilespmem:s14+$0xFFFFFFC0] =	vst v0;
	v0 =	vmul.f32 $8.000000000e+00, v2  }
0x66: {  	v2 =	vld [tilespmem:s9+$0xFFFFFF40];
	[tilespmem:s14+$0xFFFFFFD0] =	vst v1;
	v1 =	vmul.f32 $8.000000000e+00, v3  }
0x67: {  	v3 =	vld [tilespmem:s9+$0xFFFFFF50];
	[tilespmem:s14+$0xFFFFFFE0] =	vst v0;
	v0 =	vmul.f32 $8.000000000e+00, v4  }
0x68: {  	v4 =	vmul.f32 $8.000000000e+00, v7;
	v7 =	vld [tilespmem:s9+$0xFFFFFF60];
	[tilespmem:s14+$0x0] =	vst v1  }
0x69: {  	v1 =	vmul.f32 $8.000000000e+00, v5;
	v5 =	vld [tilespmem:s9+$0xFFFFFF70];
	[tilespmem:s14+$0xFFFFFFF0] =	vst v0;
	s14 =	smov.u32 s9  }
0x6a: {  	[tilespmem:s9+$0xFFFFFF10] =	vst v4;
	v0 =	vmul.f32 $8.000000000e+00, v6;
	v4 =	vld [tilespmem:s9+$0xFFFFFF80]  }
0x6b: {  	[tilespmem:s9+$0xFFFFFF20] =	vst v1;
	v1 =	vmul.f32 $8.000000000e+00, v2;
	v2 =	vld [tilespmem:s9+$0xFFFFFF90]  }
0x6c: {  	s6 =	sadd.s32 $0x4, s6;
	[tilespmem:s9+$0xFFFFFF30] =	vst v0;
	v0 =	vmul.f32 $8.000000000e+00, v3;
	v3 =	vld [tilespmem:s9+$0xFFFFFFA0]  }
0x6d: {  	p0 =	slt.u32 s6, $0x7C;
	[tilespmem:s9+$0xFFFFFF40] =	vst v1;
	v1 =	vmul.f32 $8.000000000e+00, v7;
	v6 =	vld [tilespmem:s9+$0xFFFFFFB0]  }
.Ltmp1:
0x6e: {  	[tilespmem:s9+$0xFFFFFF50] =	vst v0;
	v5 =	vmul.f32 $8.000000000e+00, v5;
	v0 =	vld [tilespmem:s9+$0xFFFFFFC0];
	(pc) =	sbr.rel @p0 .LBB2_5-.Ltmp1, $4  }
0x6f: {  	[tilespmem:s9+$0xFFFFFF60] =	vst v1;
	v4 =	vmul.f32 $8.000000000e+00, v4;
	v1 =	vld [tilespmem:s9+$0xFFFFFFD0]  }
0x70: {  	[tilespmem:s9+$0xFFFFFF70] =	vst v5;
	v7 =	vmul.f32 $8.000000000e+00, v2;
	v2 =	vld [tilespmem:s9+$0xFFFFFFE0]  }
0x71: {  	[tilespmem:s9+$0xFFFFFF80] =	vst v4;
	v5 =	vmul.f32 $8.000000000e+00, v3;
	v3 =	vld [tilespmem:s9+$0x0]  }
0x72: {  	s9 =	sadd.s32 $0x100, s9;
	[tilespmem:s14+$0xFFFFFF90] =	vst v7;
	v6 =	vmul.f32 $8.000000000e+00, v6;
	v4 =	vld [tilespmem:s14+$0xFFFFFFF0]  }
0x73: {  	[tilespmem:s14+$0xFFFFFFA0] =	vst v5;
	v0 =	vmul.f32 $8.000000000e+00, v0  }
0x74: {  	[tilespmem:s14+$0xFFFFFFB0] =	vst v6;
	v1 =	vmul.f32 $8.000000000e+00, v1  }
0x75: {  	[tilespmem:s14+$0xFFFFFFC0] =	vst v0;
	v0 =	vmul.f32 $8.000000000e+00, v2  }
0x76: {  	s6 =	sadd.s32 s0, s7;
	[tilespmem:s14+$0xFFFFFFD0] =	vst v1;
	v1 =	vmul.f32 $8.000000000e+00, v3  }
0x77: {  	s6 =	sshll.u32 s6, $0xA;
	[tilespmem:s14+$0xFFFFFFE0] =	vst v0;
	v0 =	vmul.f32 $8.000000000e+00, v4  }
0x78: {  	s6 =	sand.u32 $0x1FFFFC00, s6;
	[tilespmem:s14+$0x0] =	vst v1  }
0x79: {  	p0 =	seq.s32 s30, $0x27;
	s6 =	sadd.s32 s2, s6;
	[tilespmem:s14+$0xFFFFFFF0] =	vst v0  }
0x7a: {  	[hbm4b:s6+s3] =	stream.linear.scatter [tilespmem:s13], [sflag:$0x7], $0x2000, $0x38;
	[tilespmem:$0x10400] =	vst v63  }
0x7b: {  	s9 =	smul.u32 @!p0 $0xA00, s30;
	s6 =	simm.s32 @!p0 $0x6  }
0x7c: {  	_ =	swait.ge @!p0 [sflag:s6], $0x2000  }
0x7d: {  	s10 =	simm.s32 @!p0 $0x6400;
	s14 =	sshra.s32 @!p0 s9, $0x2;
	[sflag:s6] =	ssyncset.done @!p0 $0x0  }
0x7e: {  	s9 =	simm.s32 @!p0 $0x80;
	[sflag:s6] =	ssyncadd.s32 @!p0 $0xFFFFE000;
	s6 =	sadd.s32 @!p0 $0x280, s14  }
0x7f: {  	[tilespmem:s10], [sflag:$0x1] =	stream.indirect.gather @!p0 [hbm4b:s5+s9], $0x40, s6, s9, $0xb8;
	[tilespmem:$0x10400] =	vst v63  }
0x80: {  	_ =	swait.ge [sflag:s20], $0x2000  }
0x81: {  	[sflag:s20] =	ssyncset.done $0x0  }
0x82: {  	s6 =	simm.s32 $0xA400;
	[sflag:s20] =	ssyncadd.s32 $0xFFFFE000  }
0x83: {  	v1 =	vld [tilespmem:s6+$0xA0]  }
0x84: {  	v2 =	vld [tilespmem:s6+$0x40]  }
0x85: {  	v3 =	vld [tilespmem:s6+$0xE0]  }
0x86: {  	v4 =	vld [tilespmem:s6+$0xD0]  }
0x87: {  	v5 =	vld [tilespmem:s6+$0x20]  }
0x88: {  	v0 =	vld [tilespmem:s6+$0x90]  }
0x89: {  	v8 =	vld [tilespmem:s6+$0xC0]  }
0x8a: {  	v7 =	vld [tilespmem:s6+$0x10]  }
0x8b: {  	v9 =	vld [tilespmem:s6+$0x0];
	v1 =	vmul.f32 $8.000000000e+00, v1  }
0x8c: {  	v11 =	vld [tilespmem:s6+$0x50];
	v4 =	vmul.f32 $8.000000000e+00, v4  }
0x8d: {  	v10 =	vld [tilespmem:s6+$0xB0];
	v12 =	vmul.f32 $8.000000000e+00, v5;
	[tilespmem:s6+$0xA0] =	vst v1  }
0x8e: {  	v6 =	vld [tilespmem:s6+$0xF0];
	v13 =	vmul.f32 $8.000000000e+00, v8;
	[tilespmem:s6+$0xD0] =	vst v4  }
0x8f: {  	v1 =	vmul.f32 $8.000000000e+00, v2;
	v2 =	vmul.f32 $8.000000000e+00, v3;
	v3 =	vld [tilespmem:s6+$0x80];
	[tilespmem:s6+$0x20] =	vst v12  }
0x90: {  	v4 =	vld [tilespmem:s6+$0x70];
	[tilespmem:s6+$0xC0] =	vst v13  }
0x91: {  	v8 =	vmul.f32 $8.000000000e+00, v9;
	v5 =	vld [tilespmem:s6+$0x60];
	v9 =	vmul.f32 $8.000000000e+00, v11;
	[tilespmem:s6+$0x40] =	vst v1  }
0x92: {  	s9 =	simm.s32 $0x0;
	s10 =	simm.s32 $0xA500;
	[tilespmem:s6+$0xE0] =	vst v2;
	v1 =	vmul.f32 $8.000000000e+00, v7;
	v7 =	vld [tilespmem:s6+$0x30];
	v2 =	vmul.f32 $8.000000000e+00, v10  }
.LBB2_7:
0x93: {  	v10 =	vld [tilespmem:s10+$0xA0];
	s9 =	sadd.s32 $0x4, s9;
	[tilespmem:s6+$0x0] =	vst v8;
	v0 =	vmul.f32 $8.000000000e+00, v0;
	v6 =	vmul.f32 $8.000000000e+00, v6  }
0x94: {  	v8 =	vld [tilespmem:s10+$0x40];
	p1 =	slt.u32 s9, $0x7C;
	[tilespmem:s6+$0x50] =	vst v9;
	v3 =	vmul.f32 $8.000000000e+00, v3  }
0x95: {  	v9 =	vld [tilespmem:s10+$0xE0];
	v4 =	vmul.f32 $8.000000000e+00, v4;
	[tilespmem:s6+$0xF0] =	vst v6  }
0x96: {  	v11 =	vld [tilespmem:s10+$0x20];
	v5 =	vmul.f32 $8.000000000e+00, v5;
	[tilespmem:s6+$0x80] =	vst v3  }
0x97: {  	v3 =	vld [tilespmem:s10+$0xD0];
	v6 =	vmul.f32 $8.000000000e+00, v7;
	[tilespmem:s6+$0x90] =	vst v0  }
0x98: {  	v0 =	vld [tilespmem:s10+$0x90];
	v7 =	vmul.f32 $8.000000000e+00, v10;
	[tilespmem:s6+$0x10] =	vst v1  }
0x99: {  	v1 =	vld [tilespmem:s10+$0x10];
	[tilespmem:s6+$0x30] =	vst v6  }
0x9a: {  	v10 =	vld [tilespmem:s10+$0xC0];
	v9 =	vmul.f32 $8.000000000e+00, v9;
	[tilespmem:s6+$0xB0] =	vst v2  }
0x9b: {  	v2 =	vld [tilespmem:s10+$0x0];
	[tilespmem:s6+$0x70] =	vst v4  }
0x9c: {  	v12 =	vld [tilespmem:s10+$0xB0];
	v3 =	vmul.f32 $8.000000000e+00, v3;
	[tilespmem:s6+$0x60] =	vst v5;
	s6 =	smov.u32 s10  }
0x9d: {  	v13 =	vld [tilespmem:s10+$0x50];
	[tilespmem:s10+$0xA0] =	vst v7  }
.Ltmp2:
0x9e: {  	v4 =	vmul.f32 $8.000000000e+00, v8;
	[tilespmem:s10+$0xD0] =	vst v3;
	v6 =	vld [tilespmem:s10+$0xF0];
	(pc) =	sbr.rel @p1 .LBB2_7-.Ltmp2, $4  }
0x9f: {  	v3 =	vld [tilespmem:s10+$0x80];
	v7 =	vmul.f32 $8.000000000e+00, v10;
	[tilespmem:s10+$0xE0] =	vst v9  }
0xa0: {  	v9 =	vmul.f32 $8.000000000e+00, v11;
	[tilespmem:s10+$0x40] =	vst v4;
	v4 =	vld [tilespmem:s10+$0x70]  }
0xa1: {  	v1 =	vmul.f32 $8.000000000e+00, v1;
	v8 =	vmul.f32 $8.000000000e+00, v2;
	v5 =	vld [tilespmem:s10+$0x60];
	[tilespmem:s10+$0xC0] =	vst v7  }
0xa2: {  	v2 =	vmul.f32 $8.000000000e+00, v12;
	s10 =	sadd.s32 $0x100, s10;
	[tilespmem:s6+$0x20] =	vst v9;
	v7 =	vld [tilespmem:s6+$0x30];
	v9 =	vmul.f32 $8.000000000e+00, v13  }
0xa3: {  	[tilespmem:s6+$0x0] =	vst v8  }
0xa4: {  	[tilespmem:s6+$0x10] =	vst v1  }
0xa5: {  	v6 =	vmul.f32 $8.000000000e+00, v6;
	[tilespmem:s6+$0x50] =	vst v9  }
0xa6: {  	v0 =	vmul.f32 $8.000000000e+00, v0;
	[tilespmem:s6+$0xB0] =	vst v2  }
0xa7: {  	v3 =	vmul.f32 $8.000000000e+00, v3;
	[tilespmem:s6+$0xF0] =	vst v6  }
0xa8: {  	[tilespmem:s6+$0x90] =	vst v0;
	v0 =	vmul.f32 $8.000000000e+00, v4  }
0xa9: {  	s0 =	sadd.s32 s0, s8;
	[tilespmem:s6+$0x80] =	vst v3;
	v1 =	vmul.f32 $8.000000000e+00, v5  }
0xaa: {  	s0 =	sshll.u32 s0, $0xA;
	v3 =	vmul.f32 $8.000000000e+00, v7;
	[tilespmem:s6+$0x70] =	vst v0  }
0xab: {  	s0 =	sand.u32 $0x1FFFFC00, s0;
	[tilespmem:s6+$0x60] =	vst v1  }
0xac: {  	s0 =	sadd.s32 s2, s0;
	[tilespmem:s6+$0x30] =	vst v3  }
0xad: {  	[hbm4b:s0+s3] =	stream.linear.scatter [tilespmem:s15], [sflag:$0x8], $0x2000, $0x38;
	[tilespmem:$0x10400] =	vst v63  }
0xae: {  	s0 =	simm.s32 @!p0 $0x7  }
0xaf: {  	_ =	swait.ge @!p0 [sflag:s0], $0x2000  }
0xb0: {  	s9 =	simm.s32 @!p0 $0x8400;
	[sflag:s0] =	ssyncset.done @!p0 $0x0  }
0xb1: {  	s6 =	simm.s32 @!p0 $0x80;
	[sflag:s0] =	ssyncadd.s32 @!p0 $0xFFFFE000;
	s0 =	sadd.s32 @!p0 $0x300, s14  }
0xb2: {  	[tilespmem:s9], [sflag:$0x2] =	stream.indirect.gather @!p0 [hbm4b:s5+s6], $0x40, s0, s6, $0xb8;
	[tilespmem:$0x10400] =	vst v63  }
0xb3: {  	_ =	swait.ge [sflag:s21], $0x2000  }
0xb4: {  	[sflag:s21] =	ssyncset.done $0x0  }
0xb5: {  	s0 =	simm.s32 $0xC400;
	[sflag:s21] =	ssyncadd.s32 $0xFFFFE000  }
0xb6: {  	v1 =	vld [tilespmem:s0+$0xA0]  }
0xb7: {  	v2 =	vld [tilespmem:s0+$0x40]  }
0xb8: {  	v3 =	vld [tilespmem:s0+$0xE0]  }
0xb9: {  	v4 =	vld [tilespmem:s0+$0xD0]  }
0xba: {  	v5 =	vld [tilespmem:s0+$0x20]  }
0xbb: {  	v0 =	vld [tilespmem:s0+$0x90]  }
0xbc: {  	v8 =	vld [tilespmem:s0+$0xC0]  }
0xbd: {  	v7 =	vld [tilespmem:s0+$0x10]  }
0xbe: {  	v9 =	vld [tilespmem:s0+$0x0];
	v1 =	vmul.f32 $8.000000000e+00, v1  }
0xbf: {  	v11 =	vld [tilespmem:s0+$0x50];
	v4 =	vmul.f32 $8.000000000e+00, v4  }
0xc0: {  	v10 =	vld [tilespmem:s0+$0xB0];
	v12 =	vmul.f32 $8.000000000e+00, v5;
	[tilespmem:s0+$0xA0] =	vst v1  }
0xc1: {  	v6 =	vld [tilespmem:s0+$0xF0];
	v13 =	vmul.f32 $8.000000000e+00, v8;
	[tilespmem:s0+$0xD0] =	vst v4  }
0xc2: {  	v1 =	vmul.f32 $8.000000000e+00, v2;
	v2 =	vmul.f32 $8.000000000e+00, v3;
	v3 =	vld [tilespmem:s0+$0x80];
	[tilespmem:s0+$0x20] =	vst v12  }
0xc3: {  	v4 =	vld [tilespmem:s0+$0x70];
	[tilespmem:s0+$0xC0] =	vst v13  }
0xc4: {  	v8 =	vmul.f32 $8.000000000e+00, v9;
	v5 =	vld [tilespmem:s0+$0x60];
	v9 =	vmul.f32 $8.000000000e+00, v11;
	[tilespmem:s0+$0x40] =	vst v1  }
0xc5: {  	s6 =	simm.s32 $0x0;
	s9 =	simm.s32 $0xC500;
	[tilespmem:s0+$0xE0] =	vst v2;
	v1 =	vmul.f32 $8.000000000e+00, v7;
	v7 =	vld [tilespmem:s0+$0x30];
	v2 =	vmul.f32 $8.000000000e+00, v10  }
.LBB2_9:
0xc6: {  	v10 =	vld [tilespmem:s9+$0xA0];
	s6 =	sadd.s32 $0x4, s6;
	[tilespmem:s0+$0x0] =	vst v8;
	v0 =	vmul.f32 $8.000000000e+00, v0;
	v6 =	vmul.f32 $8.000000000e+00, v6  }
0xc7: {  	v8 =	vld [tilespmem:s9+$0x40];
	p1 =	slt.u32 s6, $0x7C;
	[tilespmem:s0+$0x50] =	vst v9;
	v3 =	vmul.f32 $8.000000000e+00, v3  }
0xc8: {  	v9 =	vld [tilespmem:s9+$0xE0];
	v4 =	vmul.f32 $8.000000000e+00, v4;
	[tilespmem:s0+$0xF0] =	vst v6  }
0xc9: {  	v11 =	vld [tilespmem:s9+$0x20];
	v5 =	vmul.f32 $8.000000000e+00, v5;
	[tilespmem:s0+$0x80] =	vst v3  }
0xca: {  	v3 =	vld [tilespmem:s9+$0xD0];
	v6 =	vmul.f32 $8.000000000e+00, v7;
	[tilespmem:s0+$0x90] =	vst v0  }
0xcb: {  	v0 =	vld [tilespmem:s9+$0x90];
	v7 =	vmul.f32 $8.000000000e+00, v10;
	[tilespmem:s0+$0x10] =	vst v1  }
0xcc: {  	v1 =	vld [tilespmem:s9+$0x10];
	[tilespmem:s0+$0x30] =	vst v6  }
0xcd: {  	v10 =	vld [tilespmem:s9+$0xC0];
	v9 =	vmul.f32 $8.000000000e+00, v9;
	[tilespmem:s0+$0xB0] =	vst v2  }
0xce: {  	v2 =	vld [tilespmem:s9+$0x0];
	[tilespmem:s0+$0x70] =	vst v4  }
0xcf: {  	v12 =	vld [tilespmem:s9+$0xB0];
	v3 =	vmul.f32 $8.000000000e+00, v3;
	[tilespmem:s0+$0x60] =	vst v5;
	s0 =	smov.u32 s9  }
0xd0: {  	v13 =	vld [tilespmem:s9+$0x50];
	[tilespmem:s9+$0xA0] =	vst v7  }
.Ltmp3:
0xd1: {  	v4 =	vmul.f32 $8.000000000e+00, v8;
	[tilespmem:s9+$0xD0] =	vst v3;
	v6 =	vld [tilespmem:s9+$0xF0];
	(pc) =	sbr.rel @p1 .LBB2_9-.Ltmp3, $4  }
0xd2: {  	v3 =	vld [tilespmem:s9+$0x80];
	v7 =	vmul.f32 $8.000000000e+00, v10;
	[tilespmem:s9+$0xE0] =	vst v9  }
0xd3: {  	v9 =	vmul.f32 $8.000000000e+00, v11;
	[tilespmem:s9+$0x40] =	vst v4;
	v4 =	vld [tilespmem:s9+$0x70]  }
0xd4: {  	v1 =	vmul.f32 $8.000000000e+00, v1;
	v8 =	vmul.f32 $8.000000000e+00, v2;
	v5 =	vld [tilespmem:s9+$0x60];
	[tilespmem:s9+$0xC0] =	vst v7  }
0xd5: {  	v2 =	vmul.f32 $8.000000000e+00, v12;
	s9 =	sadd.s32 $0x100, s9;
	[tilespmem:s0+$0x20] =	vst v9;
	v7 =	vld [tilespmem:s0+$0x30];
	v9 =	vmul.f32 $8.000000000e+00, v13  }
0xd6: {  	[tilespmem:s0+$0x0] =	vst v8  }
0xd7: {  	[tilespmem:s0+$0x10] =	vst v1  }
0xd8: {  	v6 =	vmul.f32 $8.000000000e+00, v6;
	[tilespmem:s0+$0x50] =	vst v9  }
0xd9: {  	v0 =	vmul.f32 $8.000000000e+00, v0;
	[tilespmem:s0+$0xB0] =	vst v2  }
0xda: {  	v3 =	vmul.f32 $8.000000000e+00, v3;
	[tilespmem:s0+$0xF0] =	vst v6  }
0xdb: {  	[tilespmem:s0+$0x90] =	vst v0;
	v0 =	vmul.f32 $8.000000000e+00, v4  }
0xdc: {  	s6 =	sadd.s32 s4, s31;
	[tilespmem:s0+$0x80] =	vst v3;
	v1 =	vmul.f32 $8.000000000e+00, v5  }
0xdd: {  	s6 =	sshll.u32 s6, $0xA;
	v3 =	vmul.f32 $8.000000000e+00, v7;
	[tilespmem:s0+$0x70] =	vst v0  }
0xde: {  	s6 =	sand.u32 $0x1FFFFC00, s6;
	[tilespmem:s0+$0x60] =	vst v1  }
0xdf: {  	s31 =	sadd.s32 s2, s6;
	[tilespmem:s0+$0x30] =	vst v3;
	s0 =	simm.s32 @!p0 $0x8  }
0xe0: {  	[hbm4b:s31+s3] =	stream.linear.scatter [tilespmem:s16], [sflag:$0x9], $0x2000, $0x38;
	[tilespmem:$0x10400] =	vst v63  }
0xe1: {  	_ =	swait.ge @!p0 [sflag:s0], $0x2000  }
0xe2: {  	s9 =	simm.s32 @!p0 $0xA400;
	[sflag:s0] =	ssyncset.done @!p0 $0x0  }
0xe3: {  	s6 =	simm.s32 @!p0 $0x80;
	[sflag:s0] =	ssyncadd.s32 @!p0 $0xFFFFE000;
	s0 =	sadd.s32 @!p0 $0x380, s14  }
0xe4: {  	[tilespmem:s9], [sflag:$0x3] =	stream.indirect.gather @!p0 [hbm4b:s5+s6], $0x40, s0, s6, $0xb8;
	[tilespmem:$0x10400] =	vst v63  }
0xe5: {  	_ =	swait.ge [sflag:s22], $0x2000  }
0xe6: {  	[sflag:s22] =	ssyncset.done $0x0  }
0xe7: {  	s0 =	simm.s32 $0xE400;
	[sflag:s22] =	ssyncadd.s32 $0xFFFFE000  }
0xe8: {  	v1 =	vld [tilespmem:s0+$0xA0]  }
0xe9: {  	v2 =	vld [tilespmem:s0+$0x40]  }
0xea: {  	v3 =	vld [tilespmem:s0+$0xE0]  }
0xeb: {  	v4 =	vld [tilespmem:s0+$0xD0]  }
0xec: {  	v5 =	vld [tilespmem:s0+$0x20]  }
0xed: {  	v0 =	vld [tilespmem:s0+$0x90]  }
0xee: {  	v8 =	vld [tilespmem:s0+$0xC0]  }
0xef: {  	v7 =	vld [tilespmem:s0+$0x10]  }
0xf0: {  	v9 =	vld [tilespmem:s0+$0x0];
	v1 =	vmul.f32 $8.000000000e+00, v1  }
0xf1: {  	v11 =	vld [tilespmem:s0+$0x50];
	v4 =	vmul.f32 $8.000000000e+00, v4  }
0xf2: {  	v10 =	vld [tilespmem:s0+$0xB0];
	v12 =	vmul.f32 $8.000000000e+00, v5;
	[tilespmem:s0+$0xA0] =	vst v1  }
0xf3: {  	v6 =	vld [tilespmem:s0+$0xF0];
	v13 =	vmul.f32 $8.000000000e+00, v8;
	[tilespmem:s0+$0xD0] =	vst v4  }
0xf4: {  	v1 =	vmul.f32 $8.000000000e+00, v2;
	v2 =	vmul.f32 $8.000000000e+00, v3;
	v3 =	vld [tilespmem:s0+$0x80];
	[tilespmem:s0+$0x20] =	vst v12  }
0xf5: {  	v4 =	vld [tilespmem:s0+$0x70];
	[tilespmem:s0+$0xC0] =	vst v13  }
0xf6: {  	v8 =	vmul.f32 $8.000000000e+00, v9;
	v5 =	vld [tilespmem:s0+$0x60];
	v9 =	vmul.f32 $8.000000000e+00, v11;
	[tilespmem:s0+$0x40] =	vst v1  }
0xf7: {  	s6 =	simm.s32 $0x0;
	s9 =	simm.s32 $0xE500;
	[tilespmem:s0+$0xE0] =	vst v2;
	v1 =	vmul.f32 $8.000000000e+00, v7;
	v7 =	vld [tilespmem:s0+$0x30];
	v2 =	vmul.f32 $8.000000000e+00, v10  }
.LBB2_11:
0xf8: {  	v10 =	vld [tilespmem:s9+$0xA0];
	s6 =	sadd.s32 $0x4, s6;
	[tilespmem:s0+$0x0] =	vst v8;
	v0 =	vmul.f32 $8.000000000e+00, v0;
	v6 =	vmul.f32 $8.000000000e+00, v6  }
0xf9: {  	v8 =	vld [tilespmem:s9+$0x40];
	p0 =	slt.u32 s6, $0x7C;
	[tilespmem:s0+$0x50] =	vst v9;
	v3 =	vmul.f32 $8.000000000e+00, v3  }
0xfa: {  	v9 =	vld [tilespmem:s9+$0xE0];
	v4 =	vmul.f32 $8.000000000e+00, v4;
	[tilespmem:s0+$0xF0] =	vst v6  }
0xfb: {  	v11 =	vld [tilespmem:s9+$0x20];
	v5 =	vmul.f32 $8.000000000e+00, v5;
	[tilespmem:s0+$0x80] =	vst v3  }
0xfc: {  	v3 =	vld [tilespmem:s9+$0xD0];
	v6 =	vmul.f32 $8.000000000e+00, v7;
	[tilespmem:s0+$0x90] =	vst v0  }
0xfd: {  	v0 =	vld [tilespmem:s9+$0x90];
	v7 =	vmul.f32 $8.000000000e+00, v10;
	[tilespmem:s0+$0x10] =	vst v1  }
0xfe: {  	v1 =	vld [tilespmem:s9+$0x10];
	[tilespmem:s0+$0x30] =	vst v6  }
0xff: {  	v10 =	vld [tilespmem:s9+$0xC0];
	v9 =	vmul.f32 $8.000000000e+00, v9;
	[tilespmem:s0+$0xB0] =	vst v2  }
0x100: {  	v2 =	vld [tilespmem:s9+$0x0];
	[tilespmem:s0+$0x70] =	vst v4  }
0x101: {  	v12 =	vld [tilespmem:s9+$0xB0];
	v3 =	vmul.f32 $8.000000000e+00, v3;
	[tilespmem:s0+$0x60] =	vst v5;
	s0 =	smov.u32 s9  }
0x102: {  	v13 =	vld [tilespmem:s9+$0x50];
	[tilespmem:s9+$0xA0] =	vst v7  }
.Ltmp4:
0x103: {  	v4 =	vmul.f32 $8.000000000e+00, v8;
	[tilespmem:s9+$0xD0] =	vst v3;
	v6 =	vld [tilespmem:s9+$0xF0];
	(pc) =	sbr.rel @p0 .LBB2_11-.Ltmp4, $4  }
0x104: {  	v3 =	vld [tilespmem:s9+$0x80];
	v7 =	vmul.f32 $8.000000000e+00, v10;
	[tilespmem:s9+$0xE0] =	vst v9  }
0x105: {  	v9 =	vmul.f32 $8.000000000e+00, v11;
	[tilespmem:s9+$0x40] =	vst v4;
	v4 =	vld [tilespmem:s9+$0x70]  }
0x106: {  	v1 =	vmul.f32 $8.000000000e+00, v1;
	v8 =	vmul.f32 $8.000000000e+00, v2;
	v5 =	vld [tilespmem:s9+$0x60];
	[tilespmem:s9+$0xC0] =	vst v7  }
0x107: {  	v2 =	vmul.f32 $8.000000000e+00, v12;
	s9 =	sadd.s32 $0x100, s9;
	[tilespmem:s0+$0x20] =	vst v9;
	v7 =	vld [tilespmem:s0+$0x30];
	v9 =	vmul.f32 $8.000000000e+00, v13  }
0x108: {  	[tilespmem:s0+$0x0] =	vst v8  }
0x109: {  	[tilespmem:s0+$0x10] =	vst v1  }
0x10a: {  	v6 =	vmul.f32 $8.000000000e+00, v6;
	[tilespmem:s0+$0x50] =	vst v9  }
0x10b: {  	v0 =	vmul.f32 $8.000000000e+00, v0;
	[tilespmem:s0+$0xB0] =	vst v2  }
0x10c: {  	s30 =	sadd.s32 $0x1, s30;
	v3 =	vmul.f32 $8.000000000e+00, v3;
	[tilespmem:s0+$0xF0] =	vst v6  }
0x10d: {  	p0 =	sne.s32 s30, $0x28;
	[tilespmem:s0+$0x90] =	vst v0;
	v62 =	vmul.f32 $8.000000000e+00, v4  }
.Ltmp5:
0x10e: {  	s1 =	sadd.s32 s4, s1;
	[tilespmem:s0+$0x80] =	vst v3;
	v63 =	vmul.f32 $8.000000000e+00, v5;
	(pc) =	sbr.rel @p0 .LBB2_2-.Ltmp5, $4  }
0x10f: {  	s1 =	sshll.u32 s1, $0xA;
	v61 =	vmul.f32 $8.000000000e+00, v7;
	[tilespmem:s0+$0x70] =	vst v62  }
0x110: {  	s1 =	sand.u32 $0x1FFFFC00, s1;
	[tilespmem:s0+$0x60] =	vst v63  }
0x111: {  	s31 =	sadd.s32 s2, s1;
	[tilespmem:s0+$0x30] =	vst v61  }
0x112: {  	[hbm4b:s31+s3] =	stream.linear.scatter [tilespmem:s18], [sflag:$0xA], $0x2000, $0x38;
	[tilespmem:$0x10400] =	vst v63  }
0x113: {  	_ =	swait.ge [sflag:s23], $0x2000  }
0x114: {  	[sflag:s23] =	ssyncset.done $0x0  }
0x115: {  	[sflag:s23] =	ssyncadd.s32 $0xFFFFE000  }
0x116: {  	_ =	swait.ge [sflag:s24], $0x2000  }
0x117: {  	[sflag:s24] =	ssyncset.done $0x0  }
0x118: {  	[sflag:s24] =	ssyncadd.s32 $0xFFFFE000  }
0x119: {  	_ =	swait.ge [sflag:s25], $0x2000  }
0x11a: {  	[sflag:s25] =	ssyncset.done $0x0  }
0x11b: {  	[sflag:s25] =	ssyncadd.s32 $0xFFFFE000  }
0x11c: {  	_ =	swait.ge [sflag:s26], $0x2000  }
0x11d: {  	[sflag:s26] =	ssyncset.done $0x0  }
0x11e: {  	[sflag:s26] =	ssyncadd.s32 $0xFFFFE000  }
0x11f: {  	_ =	swait.ge [sflag:s28], $0x2000  }
0x120: {  	s29 =	sadd.s32 $0x1, s29;
	s0 =	rddreg [dreg:$0x4]  }
0x121: {  	p0 =	sne.s32 s29, s0  }
.Ltmp6:
0x122: {  	_ = 	snop;
	(pc) =	sbr.rel @p0 .LBB2_1-.Ltmp6, $3  }
0x123: {  	_ =	sdelay $0x1  }
0x124: {  	[sflag:s28] =	ssyncset.done $0x0  }
0x125: {  	[sflag:s28] =	ssyncadd.s32 $0xFFFFE000  }
0x126: {  	_ =	sfence.sel $0x180000  }
0x127: {  	[bflag:$0x0] =	sbarrier.arrive $0xFFFF  }
0x128: {  	_ =	strace $0x90000047  }
0x129: {  	s0 =	stileid.u32;
	[bflag:$0x2] =	sbarrier.arrive $0xFFFF  }
0x12a: {  	p0 =	sne.s32 s0, $0x0;
	s0 =	rddreg [dreg:$0x2]  }
0x12b: {  	s0 =	sadd.s32 @!p0 $0x100000, s0  }
0x12c: {  	[sflag:s0] =	ssyncadd.tile.s32 @!p0 $0x1;
	_ =	shalt  }
.Lfunc_end2:
_tile_overlayer_lowered:
.L_overlay_start_2:
0x12d: {  	(tag) =	ssettag $0x2  }
0x12e: {  	s0 =	rddreg [dreg:$0x0];
	s2 =	stileid.u32  }
0x12f: {  	s1 =	rddreg [dreg:$0x1];
	p0 =	sne.s32 s2, $0x0  }
0x130: {  	s3 =	rddreg [dreg:$0x2];
	[bflag:$0x3] =	sbarrier.arrive $0xFFFF;
	s2 =	simm.s32 @!p0 $0x1C0B  }
0x131: {  	[timem:s3], [sflag:s2] =	dma.local @!p0 [hbm:s0], s1  }
0x132: {  	s0 =	simm.s32 @!p0 $0xB  }
0x133: {  	_ =	swait.ge @!p0 [sflag:s0], s1  }
0x134: {  	s1 =	ssub.s32 @!p0 $0x0, s1;
	[sflag:s0] =	ssyncset.done @!p0 $0x0  }
0x135: {  	[sflag:s0] =	ssyncadd.s32 @!p0 s1  }
0x136: {  	[bflag:$0x3] =	sbarrier.arrive $0xFFFF  }
0x137: {  	_ =	shalt  }

// kernel: sparse-core-data-format-call.cloned.1.call-start
scs
called_computation_lowered:
.L_overlay_start_0:
0x0: {  	s2 =	sld [smem:$0x3FD9]  }
0x1: {  	s3 =	sld [smem:$0x3FFE];
	_ =	sdelay $0x1  }
0x2: {  	s1 =	srdreg.scid  }
0x3: {  	s0 =	sand.u32 $0x1, s1  }
0x4: {  	s18 =	sshll.u32 s0, $0xA;
	s2 =	sadd.s32 s3, s2  }
0x5: {  	s2 =	sadd.s32 s2, s18  }
0x6: {  	[smem:$0x3FC6] =	sst s2  }
0x7: {  	_ = 	snop  }
0x8: {  	s2 =	sld [smem:$0x3FD0];
	(tm) =	ssettm $0x1  }
0x9: {  	s19 =	sld [smem:$0x3FFB];
	_ =	sdelay $0x3  }
0xa: {  	_ =	strace s19  }
0xb: {  	s3 =	sld [smem:$0x3FFC];
	_ =	sdelay $0x3  }
0xc: {  	_ =	strace s3  }
0xd: {  	s3 =	sld [smem:$0x3FFD];
	_ =	sdelay $0x3  }
0xe: {  	_ =	strace s3  }
0xf: {  	_ =	strace $0x8FFFFFFF  }
0x10: {  	s20 =	sld [smem:$0x3FDB];
	_ =	sdelay $0x1  }
0x11: {  	s4 =	simm.s32 $_scs_section_size  }
0x12: {  	s5 =	simm.s32 $_size__tile_overlayer_lowered;
	s6 =	simm.s32 $_tile_overlayer_lowered  }
0x13: {  	s23 =	simm.s32 $0x1BFF;
	s22 =	sshll.u32 s6, $0x1;
	s3 =	sadd.s32 s4, s20  }
0x14: {  	s7 =	simm.s32 $0x0;
	s21 =	sshll.u32 s5, $0x1;
	s5 =	sadd.s32 s22, s3  }
0x15: {  	[timem:s7], [sflag:s23] =	dma.local [hbm:s5], s21  }
0x16: {  	_ =	swait.ge [sflag:s23], s21  }
0x17: {  	s4 =	ssub.s32 $0x0, s21;
	[sflag:s23] =	ssyncset.done $0x0  }
0x18: {  	[sflag:s23] =	ssyncadd.s32 s4;
	_ =	sdelay $0x1  }
0x19: {  	s24 =	simm.s32 $0x1B8B  }
0x1a: {  	_ =	swait.ge [sflag:s24], $0x1  }
0x1b: {  	[sflag:s24] =	ssyncset.done $0x0  }
0x1c: {  	s26 =	simm.s32 $0x1B8E;
	s25 =	sld [smem:$0x3FFE];
	[sflag:s24] =	ssyncadd.s32 $0xFFFFFFFF  }
0x1d: {  	s27 =	simm.s32 $execute0_lowered;
	[smem:$0x3FD2] =	sst s26  }
0x1e: {  	s5 =	sshll.u32 s27, $0x1;
	_ =	strace $0x80000049;
	[dreg:$0x1] =	wrdreg $0xFFFFFFFF  }
0x1f: {  	s28 =	simm.s32 $_size_execute0_lowered;
	s3 =	sadd.s32 s3, s5;
	[dreg:$0x0] =	wrdreg $0x0  }
0x20: {  	s5 =	sshll.u32 s28, $0x1;
	[dreg:$0x2] =	wrdreg s3  }
0x21: {  	[dreg:$0x3] =	wrdreg s5  }
0x22: {  	[dreg:$0x4] =	wrdreg $0xC0  }
0x23: {  	_ =	task [dreg:s7], $0x5FFFF  }
0x24: {  	[dreg:$0x1] =	wrdreg $0xFFFFFFFF  }
0x25: {  	[dreg:$0x0] =	wrdreg $0x60  }
0x26: {  	[dreg:$0x2] =	wrdreg s25  }
0x27: {  	[dreg:$0x3] =	wrdreg s2  }
0x28: {  	[dreg:$0x4] =	wrdreg $0x9  }
0x29: {  	_ =	task.clear_ibuf [dreg:s7], $0x5FFFF;
	_ =	strace $0x90000049  }
0x2a: {  	s29 =	simm.s32 $0x9;
	_ =	strace $0x8000004B  }
0x2b: {  	_ =	swait.ge [sflag:s29], $0x1  }
0x2c: {  	[sflag:s29] =	ssyncadd.s32 $0xFFFFFFFF  }
0x2d: {  	_ =	strace $0x9000004B  }
0x2e: {  	_ =	sfence  }
0x2f: {  	s30 =	sld [smem:$0x0];
	_ =	sdelay $0x2  }
0x30: {  	s31 =	sshll.u32 s1, $0xD;
	s1 =	sshrl.u32 s1, $0x2  }
0x31: {  	s3 =	sand.u32 $0x4000, s31;
	s1 =	sadd.s32 s1, s30  }
0x32: {  	s0 =	sor.u32 s3, s0;
	s1 =	sshll.u32 s1, $0x11  }
0x33: {  	s0 =	sor.u32 s1, s0  }
0x34: {  	s0 =	sadd.s32 $0x8F2B, s0  }
0x35: {  	[sflag:s0] =	ssyncadd.remote.s32 $0x1  }
0x36: {  	_ =	sfence.sel $0xFFFF  }
0x37: {  	[dreg:$0x0] =	wrdreg $0xFFFFFFFF;
	(pc) =	sbr.abs _section_cstart, $3  }
0x38: {  	[dreg:$0x1] =	wrdreg $0xFFFFFFFF  }
0x39: {  	_ =	task.clear_ibuf [dreg:s7], $0x2FFFF;
	_ =	strace $0x9FFFFFFF  }
0x3a: {  	(tm) =	ssettm $0x7FFFFFFF  }
0x3b: {  	_ =	shalt  }
tec
execute0_lowered:
.L_overlay_start_1:
0x0: {  	(tag) =	ssettag $0x1  }
0x1: {  	s0 =	srdreg.scid  }
0x2: {  	s1 =	sshll.u32 s0, $0x4  }
0x3: {  	s0 =	stileid.u32;
	s1 =	sand.u32 $0x10, s1  }
0x4: {  	s1 =	sor.u32 s0, s1  }
0x5: {  	s6 =	rddreg [dreg:$0x0];
	s4 =	simm.s32 $0x1;
	s2 =	sshll.u32 s1, $0x7  }
0x6: {  	s7 =	simm.s32 $0x2;
	s12 =	simm.s32 $0x0;
	s1 =	ssub.s32 $0x4000, s2  }
0x7: {  	s8 =	simm.s32 $0x20000;
	s13 =	simm.s32 $0x0;
	s3 =	sand.u32 $0xF80, s1  }
0x8: {  	s9 =	simm.s32 $0x0;
	s5 =	sshrl.u32 s1, $0xC;
	p0 =	sne.s32 s3, $0x0  }
.Ltmp0:
0x9: {  	s1 =	rddreg [dreg:$0x2];
	s4 =	simm.s32 @!p0 $0x0;
	(pc) =	sbr.rel .LBB1_1-.Ltmp0, $4  }
0xa: {  	s11 =	simm.s32 $0x0;
	s3 =	rddreg [dreg:$0x1];
	s5 =	sadd.s32 s4, s5  }
0xb: {  	_ =	strace $0x8000004A;
	s4 =	simm.s32 $0x1;
	s5 =	smul.u32 $0x32, s5  }
0xc: {  	s6 =	sadd.s32 $0xA00, s6;
	s10 =	smov.u32 s2;
	[sflag:s4] =	ssyncpa.u1 $0x0  }
0xd: {  	p0 =	por $0x0, $0x0;
	[sflag:s7] =	ssyncpa.u1 $0x0;
	s7 =	sor.u32 $0x1, s5  }
.LBB1_4:
0xe: {  	s16 =	sshll.u32 s13, $0x3;
	s17 =	sand.u32 $0x78, s13  }
0xf: {  	s30 =	sand.u32 $0x1F800, s13;
	s12 =	sshll.u32 s12, $0x11;
	s16 =	sand.u32 $0x3C00, s16  }
0x10: {  	[tilespmem:s15+$0x810 ss:$0x81] =	vst.msk $0xffff, v2;
	s31 =	sand.u32 $0x7, s13;
	s16 =	sor.u32 s17, s16;
	s17 =	sadd.s32 s3, s30  }
0x11: {  	[tilespmem:s15+$0x1020 ss:$0x81] =	vst.msk $0xffff, v0;
	s13 =	sshll.u32 s31, $0x12;
	s12 =	sadd.s32 s12, s17;
	s16 =	sshrl.u32 s16, $0x3  }
0x12: {  	[tilespmem:s15+$0x0 ss:$0x81] =	vst.msk $0xffff, v1;
	s13 =	sor.u32 $0x400, s13;
	s12 =	sadd.s32 s16, s12  }
0x13: {  	[hbm4b:s12+s13] =	stream.strided.scatter [tilespmem:s14], [sflag:$0x2], $0x2000, s8, s13, $0x20;
	[tilespmem:$0x8080] =	vst v63  }
.LBB1_5:
0x14: {  	s14 =	sadd.s32 $0x1, s9  }
0x15: {  	s12 =	sadd.s32 $0x1000, s10;
	s16 =	smov.u32 s10;
	p2 =	sgt.s32 s14, $0x31  }
0x16: {  	s16 =	smov.u32 @p2 s12  }
0x17: {  	s14 =	simm.s32 @p2 $0x0;
	p2 =	sgt.s32 s16, $0x3FFF  }
0x18: {  	s16 =	smov.u32 @p2 s2;
	p2 =	sne.s32 s11, s7  }
.Ltmp1:
0x19: {  	p1 =	slt.u32 s11, $0x2;
	(pc) =	sbr.rel @!p2 .LBB1_6-.Ltmp1, $4  }
0x1a: {  	s15 =	simm.s32 @!p1 $0x2  }
0x1b: {  	s13 =	smov.u32 s10;
	p0 =	por !p0, !p0;
	_ =	swait.ge @!p1 [sflag:s15], $0x2000  }
0x1c: {  	s12 =	smov.u32 s9;
	[sflag:s15] =	ssyncset.done @!p1 $0x0;
	s9 =	smov.u32 s14  }
0x1d: {  	s11 =	sadd.s32 $0x1, s11;
	[sflag:s15] =	ssyncadd.s32 @!p1 $0xFFFFE000;
	s10 =	smov.u32 s16  }
.LBB1_1:
0x1e: {  	p1 =	sge.u32 s11, s5  }
0x1f: {  	s14 =	sand.u32 @!p1 $0x1FFFFFF, s9  }
0x20: {  	s15 =	smulhi.u32 @!p1 $0x4924925, s14;
	_ =	sdelay $0x1  }
0x21: {  	s15 =	smul.u32 @!p1 $0x38, s15  }
0x22: {  	s16 =	sxor.u32 @!p1 $0xFFFFFFFF, s11;
	s17 =	smul.u32 @!p1 $0x380, s10  }
0x23: {  	s31 =	sadd.s32 $0xFFFFFFFF, s11;
	s16 =	sshll.u32 @!p1 s16, $0xD;
	s14 =	ssub.s32 @!p1 s14, s15  }
0x24: {  	s15 =	sand.u32 @!p1 $0x2000, s16;
	s16 =	sadd.s32 @!p1 s6, s17;
	s14 =	sshll.u32 @!p1 s14, $0x4  }
0x25: {  	s17 =	simm.s32 @!p1 $0x1C00;
	s14 =	sadd.s32 @!p1 s14, s16;
	s16 =	simm.s32 @!p1 $0x40  }
0x26: {  	[tilespmem:s15], [sflag:$0x1] =	stream.strided.gather @!p1 [hbm4b:s14+s16], $0x2000, s17, s16, $0x38;
	[tilespmem:$0x8080] =	vst v63  }
0x27: {  	p1 =	sge.u32 s31, s5  }
.Ltmp2:
0x28: {  	_ = 	snop;
	(pc) =	sbr.rel @p1 .LBB1_5-.Ltmp2, $1  }
0x29: {  	_ =	sdelay $0x3  }
0x2a: {  	s14 =	simm.s32 $0x1  }
0x2b: {  	_ =	swait.ge [sflag:s4], $0x2000;
	s14 =	simm.s32 @!p0 $0x0  }
0x2c: {  	[sflag:s4] =	ssyncset.done $0x0;
	s15 =	sshll.u32 s14, $0xD  }
0x2d: {  	[sflag:s4] =	ssyncadd.s32 $0xFFFFE000;
	s18 =	sor.u32 $0x20, s15  }
0x2e: {  	s14 =	smul.u32 $0x8100, s14;
	v3 =	vld [tilespmem:s18+$0x10]  }
0x2f: {  	s30 =	sand.u32 $0x1, s11;
	v2 =	vld [tilespmem:s18+$0xFFFFFFF0]  }
0x30: {  	s15 =	smul.u32 $0x8100, s30;
	s14 =	sshrl.u32 s14, $0x2;
	v0 =	vld [tilespmem:s18+$0x0]  }
0x31: {  	v1 =	vld [tilespmem:s18+$0xFFFFFFE0];
	s16 =	sor.u32 $0x4000, s14  }
0x32: {  	s31 =	sshrl.u32 s15, $0x2;
	s15 =	sadd.s32 $0x0, s16  }
0x33: {  	s17 =	simm.s32 $0x4;
	s18 =	sadd.s32 $0x40, s18;
	s14 =	sor.u32 $0x4000, s31;
	[tilespmem:s15+$0x1830 ss:$0x81] =	vst.msk $0xffff, v3  }
.LBB1_3:
0x34: {  	v3 =	vld [tilespmem:s18+$0x10];
	p1 =	sne.s32 s17, $0x1FC;
	[tilespmem:s15+$0x810 ss:$0x81] =	vst.msk $0xffff, v2;
	s19 =	smov.u32 s17;
	s17 =	sadd.s32 $0x4, s17  }
.Ltmp3:
0x35: {  	v2 =	vld [tilespmem:s18+$0xFFFFFFF0];
	[tilespmem:s15+$0x1020 ss:$0x81] =	vst.msk $0xffff, v0;
	(pc) =	sbr.rel @p1 .LBB1_3-.Ltmp3, $4  }
0x36: {  	v0 =	vld [tilespmem:s18+$0x0];
	[tilespmem:s15+$0x0 ss:$0x81] =	vst.msk $0xffff, v1  }
0x37: {  	s15 =	sshra.s32 s19, $0x2;
	v1 =	vld [tilespmem:s18+$0xFFFFFFE0]  }
0x38: {  	s15 =	sadd.s32 s15, s16  }
0x39: {  	s18 =	sadd.s32 $0x40, s18;
	[tilespmem:s15+$0x1830 ss:$0x81] =	vst.msk $0xffff, v3  }
.Ltmp4:
0x3a: {  	_ = 	snop;
	(pc) =	sbr.rel .LBB1_4-.Ltmp4, $1  }
0x3b: {  	_ =	sdelay $0x3  }
.LBB1_6:
0x3c: {  	_ =	sfence.sel $0x180000  }
0x3d: {  	s2 =	simm.s32 $0x1;
	[bflag:$0x0] =	sbarrier.arrive $0xFFFF  }
0x3e: {  	s31 =	simm.s32 $0x2;
	[sflag:s2] =	ssyncpa.u1 $0x1  }
0x3f: {  	[sflag:s31] =	ssyncpa.u1 $0x1  }
0x40: {  	p0 =	sne.s32 s0, $0x0;
	_ =	strace $0x9000004A  }
0x41: {  	s0 =	sadd.s32 @!p0 $0x100000, s1;
	[bflag:$0x2] =	sbarrier.arrive $0xFFFF  }
0x42: {  	[sflag:s0] =	ssyncadd.tile.s32 @!p0 $0x1;
	_ =	shalt  }
.Lfunc_end1:
_tile_overlayer_lowered:
.L_overlay_start_2:
0x43: {  	(tag) =	ssettag $0x2  }
0x44: {  	s0 =	rddreg [dreg:$0x0];
	s2 =	stileid.u32  }
0x45: {  	s1 =	rddreg [dreg:$0x1];
	p0 =	sne.s32 s2, $0x0  }
0x46: {  	s3 =	rddreg [dreg:$0x2];
	[bflag:$0x3] =	sbarrier.arrive $0xFFFF;
	s2 =	simm.s32 @!p0 $0x1C01  }
0x47: {  	[timem:s3], [sflag:s2] =	dma.local @!p0 [hbm:s0], s1  }
0x48: {  	s0 =	simm.s32 @!p0 $0x1  }
0x49: {  	_ =	swait.ge @!p0 [sflag:s0], s1  }
0x4a: {  	s1 =	ssub.s32 @!p0 $0x0, s1;
	[sflag:s0] =	ssyncset.done @!p0 $0x0  }
0x4b: {  	[sflag:s0] =	ssyncadd.s32 @!p0 s1  }
0x4c: {  	[bflag:$0x3] =	sbarrier.arrive $0xFFFF  }
0x4d: {  	_ =	shalt  }

</sc_bundles>
